<compile_context>
chip_gen: v7x
topology: tpu7x:2x2x1
jax: 0.10.2.dev20260603
libtpu: 0.0.44.dev20260713+nightly
codegen_flags: <defaults>
</compile_context>

<pallas_src>
import functools

import jax
import jax.numpy as jnp
from jax import lax
from jax.experimental import pallas as pl
from jax.experimental.pallas import tpu as pltpu
from jax.experimental.pallas import tpu_sc as plsc

N = 10000
E = 320000
D = 128
NUM_GRAPHS = 64
OUT = 112
EPS = 1e-7

NS = 16
NC = 2
EPT = E // NS
GW = 128
NGRP = EPT // GW
TAIL = EPT - NGRP * GW
NP = 10240
ROWS_PER_TILE = NP // NS
R = 2000
GRID = N // R

_HI = jax.lax.Precision.DEFAULT


def _dot(a, b):
    return jax.lax.dot_general(a, b, (((1,), (0,)), ((), ())),
                               precision=_HI, preferred_element_type=jnp.float32)


def _ln_in(h, w, b):
    mu = jnp.mean(h, axis=-1, keepdims=True)
    var = jnp.mean((h - mu) ** 2, axis=-1, keepdims=True)
    return (h - mu) / jnp.sqrt(var + 1e-5) * w + b


def _enc_body(x_ref, w_ref, b_ref, t_ref, h0_ref, tab_ref):
    h0 = _dot(x_ref[...], w_ref[...]) + b_ref[...]
    h0_ref[...] = h0
    u = jax.nn.relu(h0) + EPS
    a = jnp.exp(u * t_ref[0, 0])
    tab_ref[0] = a
    tab_ref[1] = u * a


def _mid_body(dn_ref, nm_ref, h0_ref, w1_ref, b1_ref, lw_ref, lb_ref,
              w2_ref, b2_ref, l1w_ref, l1b_ref, t_ref,
              h1_ref, tp_ref, tab_ref):
    aggr = nm_ref[...] / (dn_ref[...] + 1e-16)
    out = aggr + h0_ref[...]
    h = _dot(out, w1_ref[...]) + b1_ref[...]
    h = _ln_in(h, lw_ref[...], lb_ref[...])
    h = jax.nn.relu(h)
    h1 = _dot(h, w2_ref[...]) + b2_ref[...]
    h1_ref[...] = h1
    tp = jax.nn.relu(_ln_in(h1, l1w_ref[...], l1b_ref[...]))
    tp_ref[...] = tp
    u = tp + EPS
    a = jnp.exp(u * t_ref[0, 0])
    tab_ref[0] = a
    tab_ref[1] = u * a


def _fin_body(dn_ref, nm_ref, tp_ref, h1_ref, w1_ref, b1_ref, lw_ref, lb_ref,
              w2_ref, b2_ref, l0w_ref, l0b_ref, bt_ref,
              wm1_ref, bm1_ref, wm2_ref, bm2_ref,
              out_ref, pool_acc):
    j = pl.program_id(0)
    aggr = nm_ref[...] / (dn_ref[...] + 1e-16)
    out = aggr + tp_ref[...]
    h = _dot(out, w1_ref[...]) + b1_ref[...]
    h = _ln_in(h, lw_ref[...], lb_ref[...])
    h = jax.nn.relu(h)
    h2 = h1_ref[...] + _dot(h, w2_ref[...]) + b2_ref[...]
    h3 = jax.nn.relu(_ln_in(h2, l0w_ref[...], l0b_ref[...]))
    seg = bt_ref[0]
    mask = (jax.lax.broadcasted_iota(jnp.int32, (NUM_GRAPHS, R), 0)
            == seg).astype(jnp.float32)
    contrib = _dot(mask, h3)

    @pl.when(j == 0)
    def _():
        pool_acc[...] = jnp.zeros_like(pool_acc)

    pool_acc[...] += contrib

    @pl.when(j == GRID - 1)
    def _():
        p = pool_acc[...]
        o = jax.nn.relu(_dot(p, wm1_ref[...]) + bm1_ref[...])
        out_ref[...] = _dot(o, wm2_ref[...]) + bm2_ref[...]


def _sc_body(tab_hbm, srcs_hbm, dst_hbm, dn_hbm, nm_hbm,
             sl0, sl1, sl2, dl0, dl1, dl2, rows0, rows1,
             sidxt, didxt, acc, isem, gsem, ssem):
    cid = lax.axis_index("c")
    tid = lax.axis_index("s")
    sl = (sl0, sl1, sl2)
    dl = (dl0, dl1, dl2)
    rows = (rows0, rows1)
    ebase = tid * EPT

    def _idx_issue(g, q):
        off = ebase + g * GW
        pltpu.async_copy(srcs_hbm.at[pl.ds(cid * E + off, GW)], sl[q], isem)
        pltpu.async_copy(dst_hbm.at[pl.ds(off, GW)], dl[q], isem)

    def _idx_wait(q):
        pltpu.make_async_copy(srcs_hbm.at[pl.ds(0, GW)], sl[q], isem).wait()
        pltpu.make_async_copy(dst_hbm.at[pl.ds(0, GW)], dl[q], isem).wait()

    def _gather_issue(q, b):
        pltpu.async_copy(tab_hbm.at[sl[q]], rows[b], gsem)

    def _gather_wait(q, b):
        pltpu.make_async_copy(tab_hbm.at[sl[q]], rows[b], gsem).wait()

    def _scatter_issue(q, b):
        pltpu.async_copy(rows[b], acc.at[dl[q]], ssem, add=True)

    def _scatter_wait(q, b):
        pltpu.make_async_copy(rows[b], acc.at[dl[q]], ssem).wait()

    _idx_issue(0, 0)
    _idx_issue(1, 1)

    def _zrow(i, _):
        for k in range(8):
            rows0[i, pl.ds(16 * k, 16)] = jnp.zeros((16,), jnp.float32)
        return 0
    lax.fori_loop(0, GW, _zrow, 0)
    for q in range(ROWS_PER_TILE // GW):
        pltpu.sync_copy(rows0, acc.at[pl.ds(tid * ROWS_PER_TILE + q * GW, GW)])
    plsc.subcore_barrier()
    _idx_wait(0)
    _gather_issue(0, 0)

    def _six(i, _):
        for u in range(6):
            g = 6 * i + u
            q, b = u % 3, u % 2
            qn, bn = (u + 1) % 3, 1 - b
            qp = (u - 1) % 3
            pl.when(g + 1 < NGRP)(lambda q=qn: _idx_wait(q))
            if u == 0:
                pl.when(g > 0)(lambda: _scatter_wait(qp, bn))
            else:
                _scatter_wait(qp, bn)
            pl.when(g + 1 < NGRP)(lambda q=qn, b=bn: _gather_issue(q, b))
            _gather_wait(q, b)
            _scatter_issue(q, b)
            pl.when(g + 2 < NGRP)(
                lambda g=g, q=(u + 2) % 3: _idx_issue(g + 2, q))
        return 0
    lax.fori_loop(0, NGRP // 6, _six, 0)

    _scatter_wait((NGRP - 1) % 3, (NGRP - 1) % 2)
    tb = ebase + NGRP * GW
    pltpu.sync_copy(srcs_hbm.at[pl.ds(cid * E + tb, TAIL)], sidxt)
    pltpu.sync_copy(dst_hbm.at[pl.ds(tb, TAIL)], didxt)
    tr = rows0.at[pl.ds(0, TAIL)]
    pltpu.async_copy(tab_hbm.at[sidxt], tr, gsem).wait()
    pltpu.sync_copy(tr, acc.at[didxt], add=True)

    plsc.subcore_barrier()
    rbase = tid * ROWS_PER_TILE

    @pl.when(cid == 0)
    def _():
        pltpu.sync_copy(acc.at[pl.ds(rbase, ROWS_PER_TILE)],
                        dn_hbm.at[pl.ds(rbase, ROWS_PER_TILE)])

    @pl.when(cid == 1)
    def _():
        pltpu.sync_copy(acc.at[pl.ds(rbase, ROWS_PER_TILE)],
                        nm_hbm.at[pl.ds(rbase, ROWS_PER_TILE)])


@functools.cache
def _sc_segsum():
    return pl.kernel(
        _sc_body,
        out_type=(jax.ShapeDtypeStruct((NP, D), jnp.float32),
                  jax.ShapeDtypeStruct((NP, D), jnp.float32)),
        mesh=plsc.VectorSubcoreMesh(core_axis_name="c", subcore_axis_name="s",
                                    num_cores=NC, num_subcores=NS),
        scratch_types=(
            [pltpu.VMEM((GW,), jnp.int32)] * 6
            + [pltpu.VMEM((GW, D), jnp.float32)] * 2
            + [pltpu.VMEM((TAIL,), jnp.int32)] * 2
            + [pltpu.VMEM_SHARED((NP, D), jnp.float32)]
            + [pltpu.SemaphoreType.DMA] * 3
        ),
    )


def _row_spec(offset_blocks=0):
    return pl.BlockSpec((R, D), lambda j, o=offset_blocks: (j + o, 0))


def _full(shape):
    return pl.BlockSpec(shape, lambda j: tuple(0 for _ in shape))


def kernel(x, params, edge_index, batch):
    p = params
    src = edge_index[0].astype(jnp.int32)
    dst = edge_index[1].astype(jnp.int32)
    srcs = jnp.concatenate([src, src + N])
    batch3 = batch.astype(jnp.int32).reshape(GRID, 1, R)

    def v2(a):
        return a.reshape(1, -1)

    t1 = p['conv1']['t'].reshape(1, 1)
    t2 = p['conv2']['t'].reshape(1, 1)

    h0, tab1 = pl.pallas_call(
        _enc_body,
        grid=(GRID,),
        in_specs=[_row_spec(), _full((D, D)), _full((1, D)), _full((1, 1))],
        out_specs=[_row_spec(),
                   pl.BlockSpec((2, R, D), lambda j: (0, j, 0))],
        out_shape=[jax.ShapeDtypeStruct((N, D), jnp.float32),
                   jax.ShapeDtypeStruct((2, N, D), jnp.float32)],
    )(x, p['W_enc'], v2(p['b_enc']), t1)

    dn1, nm1 = _sc_segsum()(tab1.reshape(2 * N, D), srcs, dst)

    c1 = p['conv1']
    h1, tpre, tab2 = pl.pallas_call(
        _mid_body,
        grid=(GRID,),
        in_specs=[_row_spec(), _row_spec(), _row_spec(),
                  _full((D, 2 * D)), _full((1, 2 * D)), _full((1, 2 * D)),
                  _full((1, 2 * D)), _full((2 * D, D)), _full((1, D)),
                  _full((1, D)), _full((1, D)), _full((1, 1))],
        out_specs=[_row_spec(), _row_spec(),
                   pl.BlockSpec((2, R, D), lambda j: (0, j, 0))],
        out_shape=[jax.ShapeDtypeStruct((N, D), jnp.float32),
                   jax.ShapeDtypeStruct((N, D), jnp.float32),
                   jax.ShapeDtypeStruct((2, N, D), jnp.float32)],
    )(dn1, nm1, h0, c1['W1'], v2(c1['b1']), v2(c1['ln_w']), v2(c1['ln_b']),
      c1['W2'], v2(c1['b2']), v2(p['ln1_w']), v2(p['ln1_b']), t2)

    dn2, nm2 = _sc_segsum()(tab2.reshape(2 * N, D), srcs, dst)

    c2 = p['conv2']
    out = pl.pallas_call(
        _fin_body,
        grid=(GRID,),
        in_specs=[_row_spec(), _row_spec(), _row_spec(), _row_spec(),
                  _full((D, 2 * D)), _full((1, 2 * D)), _full((1, 2 * D)),
                  _full((1, 2 * D)), _full((2 * D, D)), _full((1, D)),
                  _full((1, D)), _full((1, D)),
                  pl.BlockSpec((1, 1, R), lambda j: (j, 0, 0)),
                  _full((D, D // 2)), _full((1, D // 2)),
                  _full((D // 2, OUT)), _full((1, OUT))],
        out_specs=pl.BlockSpec((NUM_GRAPHS, OUT), lambda j: (0, 0)),
        out_shape=jax.ShapeDtypeStruct((NUM_GRAPHS, OUT), jnp.float32),
        scratch_shapes=[pltpu.VMEM((NUM_GRAPHS, D), jnp.float32)],
    )(dn2, nm2, tpre, h1, c2['W1'], v2(c2['b1']), v2(c2['ln_w']),
      v2(c2['ln_b']), c2['W2'], v2(c2['b2']), v2(p['ln0_w']), v2(p['ln0_b']),
      batch3, p['Wm1'], v2(p['bm1']), p['Wm2'], v2(p['bm2']))

    return out

# --- scband reference (transcript-rebuilt; emitter-appended) ---
"""Pipeline reference for scband-deeper-gcn-87565793231060 (READ-ONLY COPY).

The authoritative reference and input builder live on the scoring server;
editing this copy changes nothing except your own understanding.
"""

import jax, jax.numpy as jnp
import numpy as np

N = 10000
E = 320000
D = 128
NUM_GRAPHS = 64
OUT = 112
EPS = 1e-7


def _ln(h, w, b):
    mu = jnp.mean(h, axis=-1, keepdims=True)
    var = jnp.var(h, axis=-1, keepdims=True)
    return (h - mu) / jnp.sqrt(var + 1e-5) * w + b


def _gen_conv(x, src, dst, p):
    # GENConv(aggr='softmax', t learnable, eps=1e-7, num_layers=2, norm='layer')
    msg = jax.nn.relu(x[src]) + EPS
    logits = msg * p['t']
    m = jax.ops.segment_max(logits, dst, num_segments=N)
    m = jnp.where(jnp.isfinite(m), m, 0.0)
    ex = jnp.exp(logits - m[dst])
    denom = jax.ops.segment_sum(ex, dst, num_segments=N)
    alpha = ex / (denom[dst] + 1e-16)
    aggr = jax.ops.segment_sum(msg * alpha, dst, num_segments=N)
    out = aggr + x  # residual with dst features (GENConv adds x_r)
    # internal MLP: Linear(D,2D) -> LayerNorm(2D) -> ReLU -> Linear(2D,D)
    h = out @ p['W1'] + p['b1']
    h = _ln(h, p['ln_w'], p['ln_b'])
    h = jax.nn.relu(h)
    h = h @ p['W2'] + p['b2']
    return h


def _make_conv_params(key):
    k1, k2 = jax.random.split(key)
    return {
        't': jnp.asarray(1.0, jnp.float32),
        'W1': jax.random.normal(k1, (D, 2 * D), jnp.float32) * (1.0 / np.sqrt(D)),
        'b1': jnp.zeros((2 * D,), jnp.float32),
        'ln_w': jnp.ones((2 * D,), jnp.float32),
        'ln_b': jnp.zeros((2 * D,), jnp.float32),
        'W2': jax.random.normal(k2, (2 * D, D), jnp.float32) * (1.0 / np.sqrt(2 * D)),
        'b2': jnp.zeros((D,), jnp.float32),
    }


def setup_inputs(seed: int = 0) -> dict:
    key = jax.random.key(seed)
    ks = jax.random.split(key, 10)
    x = jax.random.normal(ks[0], (N, D), jnp.float32)
    edge_index = jax.random.randint(ks[1], (2, E), 0, N, dtype=jnp.int64)
    batch = jnp.sort(jax.random.randint(ks[2], (N,), 0, NUM_GRAPHS, dtype=jnp.int64))
    params = {
        'W_enc': jax.random.normal(ks[3], (D, D), jnp.float32) * (1.0 / np.sqrt(D)),
        'b_enc': jnp.zeros((D,), jnp.float32),
        'conv1': _make_conv_params(ks[4]),
        'conv2': _make_conv_params(ks[5]),
        'ln0_w': jnp.ones((D,), jnp.float32),
        'ln0_b': jnp.zeros((D,), jnp.float32),
        'ln1_w': jnp.ones((D,), jnp.float32),
        'ln1_b': jnp.zeros((D,), jnp.float32),
        'Wm1': jax.random.normal(ks[6], (D, D // 2), jnp.float32) * (1.0 / np.sqrt(D)),
        'bm1': jnp.zeros((D // 2,), jnp.float32),
        'Wm2': jax.random.normal(ks[7], (D // 2, OUT), jnp.float32) * (1.0 / np.sqrt(D // 2)),
        'bm2': jnp.zeros((OUT,), jnp.float32),
    }
    return {'x': x, 'params': params, 'edge_index': edge_index, 'batch': batch}


def reference(x, params, edge_index, batch):
    src, dst = edge_index[0], edge_index[1]
    # node encoder
    h = x @ params['W_enc'] + params['b_enc']
    # layers[0].conv applied directly
    h = _gen_conv(h, src, dst, params['conv1'])
    # layers[1]: DeepGCNLayer block='res+': x + conv(relu(norm(x)))  (dropout=identity in eval)
    t = _ln(h, params['ln1_w'], params['ln1_b'])
    t = jax.nn.relu(t)
    t = _gen_conv(t, src, dst, params['conv2'])
    h = h + t
    # final: act(norm(x)) with layers[0] norm/act, dropout identity in eval
    h = jax.nn.relu(_ln(h, params['ln0_w'], params['ln0_b']))
    # global_add_pool
    pooled = jax.ops.segment_sum(h, batch, num_segments=NUM_GRAPHS)
    # output MLP
    out = jax.nn.relu(pooled @ params['Wm1'] + params['bm1'])
    out = out @ params['Wm2'] + params['bm2']
    return out

if __name__ == "__main__":
    import jax
    _d = setup_inputs()
    print(jax.jit(kernel)(*tuple(_d.values())))

</pallas_src>

<mosaic_0001>
#map = affine_map<(d0, d1) -> (0, 0)>
#map1 = affine_map<(d0, d1) -> (0)>
module attributes {stable_mosaic.version = 14 : i64} {
  func.func @_sc_body(%arg0: i32, %arg1: i32, %arg2: memref<20000x128xf32, #tpu.memory_space<hbm>>, %arg3: memref<640000xi32, #tpu.memory_space<hbm>>, %arg4: memref<320000xi32, #tpu.memory_space<hbm>>, %arg5: memref<10240x128xf32, #tpu.memory_space<hbm>>, %arg6: memref<10240x128xf32, #tpu.memory_space<hbm>>, %arg7: memref<128xi32, #tpu.memory_space<vmem>>, %arg8: memref<128xi32, #tpu.memory_space<vmem>>, %arg9: memref<128xi32, #tpu.memory_space<vmem>>, %arg10: memref<128xi32, #tpu.memory_space<vmem>>, %arg11: memref<128xi32, #tpu.memory_space<vmem>>, %arg12: memref<128xi32, #tpu.memory_space<vmem>>, %arg13: memref<128x128xf32, #tpu.memory_space<vmem>>, %arg14: memref<128x128xf32, #tpu.memory_space<vmem>>, %arg15: memref<32xi32, #tpu.memory_space<vmem>>, %arg16: memref<32xi32, #tpu.memory_space<vmem>>, %arg17: memref<10240x128xf32, #tpu.memory_space<vmem_shared>>, %arg18: memref<!tpu.dma_semaphore, #tpu.memory_space<semaphore_mem>>, %arg19: memref<!tpu.dma_semaphore, #tpu.memory_space<semaphore_mem>>, %arg20: memref<!tpu.dma_semaphore, #tpu.memory_space<semaphore_mem>>) attributes {dimension_semantics = [#tpu.dimension_semantics<core_parallel>, #tpu.dimension_semantics<subcore_parallel>], iteration_bounds = array<i64: 2, 16>, scalar_prefetch = 0 : i64, scratch_operands = 14 : i64, tpu.core_type = #tpu.core_type<sc_vector_subcore>, window_params = [{transform_indices = #map}, {transform_indices = #map1}, {transform_indices = #map1}, {transform_indices = #map}, {transform_indices = #map}]} {
    %mul3A = arith.constant 20000 : i32
    %mul3A_0 = arith.muli %arg1, %mul3A : i32
    %add3A = arith.constant 0 : i32
    %add3A_1 = arith.addi %mul3A_0, %add3A : i32
    %mul3A_2 = arith.constant 320000 : i32
    %mul3A_3 = arith.muli %arg0, %mul3A_2 : i32
    %add3A_4 = arith.addi %mul3A_3, %add3A_1 : i32
    %dma_start3A = tpu.memref_slice %arg3[%add3A_4] : memref<640000xi32, #tpu.memory_space<hbm>> -> memref<128xi32, #tpu.memory_space<hbm>>
    %dma_start3A_5 = tpu.memref_slice %arg3[%add3A_4] : memref<640000xi32, #tpu.memory_space<hbm>> -> memref<128xi32, #tpu.memory_space<hbm>>
    tpu.enqueue_dma source(%dma_start3A_5 : memref<128xi32, #tpu.memory_space<hbm>>) target(%arg7 : memref<128xi32, #tpu.memory_space<vmem>>) target_semaphore(%arg18 : memref<!tpu.dma_semaphore, #tpu.memory_space<semaphore_mem>>)
    %dma_start3A_6 = tpu.memref_slice %arg4[%add3A_1] : memref<320000xi32, #tpu.memory_space<hbm>> -> memref<128xi32, #tpu.memory_space<hbm>>
    %dma_start3A_7 = tpu.memref_slice %arg4[%add3A_1] : memref<320000xi32, #tpu.memory_space<hbm>> -> memref<128xi32, #tpu.memory_space<hbm>>
    tpu.enqueue_dma source(%dma_start3A_7 : memref<128xi32, #tpu.memory_space<hbm>>) target(%arg10 : memref<128xi32, #tpu.memory_space<vmem>>) target_semaphore(%arg18 : memref<!tpu.dma_semaphore, #tpu.memory_space<semaphore_mem>>)
    %add3A_8 = arith.constant 128 : i32
    %add3A_9 = arith.addi %mul3A_0, %add3A_8 : i32
    %mul3A_10 = arith.constant 320000 : i32
    %mul3A_11 = arith.muli %arg0, %mul3A_10 : i32
    %add3A_12 = arith.addi %mul3A_11, %add3A_9 : i32
    %dma_start3A_13 = tpu.memref_slice %arg3[%add3A_12] : memref<640000xi32, #tpu.memory_space<hbm>> -> memref<128xi32, #tpu.memory_space<hbm>>
    %dma_start3A_14 = tpu.memref_slice %arg3[%add3A_12] : memref<640000xi32, #tpu.memory_space<hbm>> -> memref<128xi32, #tpu.memory_space<hbm>>
    tpu.enqueue_dma source(%dma_start3A_14 : memref<128xi32, #tpu.memory_space<hbm>>) target(%arg8 : memref<128xi32, #tpu.memory_space<vmem>>) target_semaphore(%arg18 : memref<!tpu.dma_semaphore, #tpu.memory_space<semaphore_mem>>)
    %dma_start3A_15 = tpu.memref_slice %arg4[%add3A_9] : memref<320000xi32, #tpu.memory_space<hbm>> -> memref<128xi32, #tpu.memory_space<hbm>>
    %dma_start3A_16 = tpu.memref_slice %arg4[%add3A_9] : memref<320000xi32, #tpu.memory_space<hbm>> -> memref<128xi32, #tpu.memory_space<hbm>>
    tpu.enqueue_dma source(%dma_start3A_16 : memref<128xi32, #tpu.memory_space<hbm>>) target(%arg11 : memref<128xi32, #tpu.memory_space<vmem>>) target_semaphore(%arg18 : memref<!tpu.dma_semaphore, #tpu.memory_space<semaphore_mem>>)
    %scan3A = arith.constant 0 : i32
    %scan3A_17 = arith.constant 0 : i32
    %scan3A_18 = arith.constant 128 : i32
    %scan3A_19 = arith.addi %scan3A_17, %scan3A_18 : i32
    %scan3A_20 = arith.constant 1 : i32
    %scan3A_21 = scf.for %scan3A_90 = %scan3A_17 to %scan3A_19 step %scan3A_20 iter_args(%scan3A_91 = %scan3A) -> (i32)  : i32 {
      %broadcast_in_dim3A = arith.constant 0.000000e+00 : f32
      %broadcast_in_dim3A_92 = vector.broadcast %broadcast_in_dim3A : f32 to vector<16xf32>
      %swap3A = arith.index_cast %scan3A_90 : i32 to index
      %swap3A_93 = arith.constant 0 : index
      %swap3A_94 = tpu.vector_load %arg13[%swap3A, %swap3A_93] {strides = array<i32>} : memref<128x128xf32, #tpu.memory_space<vmem>>, vector<1x16xf32>,
      %swap3A_95 = vector.shape_cast %swap3A_94 : vector<1x16xf32> to vector<16xf32>
      %swap3A_96 = vector.shape_cast %broadcast_in_dim3A_92 : vector<16xf32> to vector<1x16xf32>
      tpu.vector_store %arg13[%swap3A, %swap3A_93], %swap3A_96 {strides = array<i32>} : memref<128x128xf32, #tpu.memory_space<vmem>>, vector<1x16xf32>,
      %broadcast_in_dim3A_97 = arith.constant 0.000000e+00 : f32
      %broadcast_in_dim3A_98 = vector.broadcast %broadcast_in_dim3A_97 : f32 to vector<16xf32>
      %swap3A_99 = arith.index_cast %scan3A_90 : i32 to index
      %swap3A_100 = arith.constant 16 : index
      %swap3A_101 = tpu.vector_load %arg13[%swap3A_99, %swap3A_100] {strides = array<i32>} : memref<128x128xf32, #tpu.memory_space<vmem>>, vector<1x16xf32>,
      %swap3A_102 = vector.shape_cast %swap3A_101 : vector<1x16xf32> to vector<16xf32>
      %swap3A_103 = vector.shape_cast %broadcast_in_dim3A_98 : vector<16xf32> to vector<1x16xf32>
      tpu.vector_store %arg13[%swap3A_99, %swap3A_100], %swap3A_103 {strides = array<i32>} : memref<128x128xf32, #tpu.memory_space<vmem>>, vector<1x16xf32>,
      %broadcast_in_dim3A_104 = arith.constant 0.000000e+00 : f32
      %broadcast_in_dim3A_105 = vector.broadcast %broadcast_in_dim3A_104 : f32 to vector<16xf32>
      %swap3A_106 = arith.index_cast %scan3A_90 : i32 to index
      %swap3A_107 = arith.constant 32 : index
      %swap3A_108 = tpu.vector_load %arg13[%swap3A_106, %swap3A_107] {strides = array<i32>} : memref<128x128xf32, #tpu.memory_space<vmem>>, vector<1x16xf32>,
      %swap3A_109 = vector.shape_cast %swap3A_108 : vector<1x16xf32> to vector<16xf32>
      %swap3A_110 = vector.shape_cast %broadcast_in_dim3A_105 : vector<16xf32> to vector<1x16xf32>
      tpu.vector_store %arg13[%swap3A_106, %swap3A_107], %swap3A_110 {strides = array<i32>} : memref<128x128xf32, #tpu.memory_space<vmem>>, vector<1x16xf32>,
      %broadcast_in_dim3A_111 = arith.constant 0.000000e+00 : f32
      %broadcast_in_dim3A_112 = vector.broadcast %broadcast_in_dim3A_111 : f32 to vector<16xf32>
      %swap3A_113 = arith.index_cast %scan3A_90 : i32 to index
      %swap3A_114 = arith.constant 48 : index
      %swap3A_115 = tpu.vector_load %arg13[%swap3A_113, %swap3A_114] {strides = array<i32>} : memref<128x128xf32, #tpu.memory_space<vmem>>, vector<1x16xf32>,
      %swap3A_116 = vector.shape_cast %swap3A_115 : vector<1x16xf32> to vector<16xf32>
      %swap3A_117 = vector.shape_cast %broadcast_in_dim3A_112 : vector<16xf32> to vector<1x16xf32>
      tpu.vector_store %arg13[%swap3A_113, %swap3A_114], %swap3A_117 {strides = array<i32>} : memref<128x128xf32, #tpu.memory_space<vmem>>, vector<1x16xf32>,
      %broadcast_in_dim3A_118 = arith.constant 0.000000e+00 : f32
      %broadcast_in_dim3A_119 = vector.broadcast %broadcast_in_dim3A_118 : f32 to vector<16xf32>
      %swap3A_120 = arith.index_cast %scan3A_90 : i32 to index
      %swap3A_121 = arith.constant 64 : index
      %swap3A_122 = tpu.vector_load %arg13[%swap3A_120, %swap3A_121] {strides = array<i32>} : memref<128x128xf32, #tpu.memory_space<vmem>>, vector<1x16xf32>,
      %swap3A_123 = vector.shape_cast %swap3A_122 : vector<1x16xf32> to vector<16xf32>
      %swap3A_124 = vector.shape_cast %broadcast_in_dim3A_119 : vector<16xf32> to vector<1x16xf32>
      tpu.vector_store %arg13[%swap3A_120, %swap3A_121], %swap3A_124 {strides = array<i32>} : memref<128x128xf32, #tpu.memory_space<vmem>>, vector<1x16xf32>,
      %broadcast_in_dim3A_125 = arith.constant 0.000000e+00 : f32
      %broadcast_in_dim3A_126 = vector.broadcast %broadcast_in_dim3A_125 : f32 to vector<16xf32>
      %swap3A_127 = arith.index_cast %scan3A_90 : i32 to index
      %swap3A_128 = arith.constant 80 : index
      %swap3A_129 = tpu.vector_load %arg13[%swap3A_127, %swap3A_128] {strides = array<i32>} : memref<128x128xf32, #tpu.memory_space<vmem>>, vector<1x16xf32>,
      %swap3A_130 = vector.shape_cast %swap3A_129 : vector<1x16xf32> to vector<16xf32>
      %swap3A_131 = vector.shape_cast %broadcast_in_dim3A_126 : vector<16xf32> to vector<1x16xf32>
      tpu.vector_store %arg13[%swap3A_127, %swap3A_128], %swap3A_131 {strides = array<i32>} : memref<128x128xf32, #tpu.memory_space<vmem>>, vector<1x16xf32>,
      %broadcast_in_dim3A_132 = arith.constant 0.000000e+00 : f32
      %broadcast_in_dim3A_133 = vector.broadcast %broadcast_in_dim3A_132 : f32 to vector<16xf32>
      %swap3A_134 = arith.index_cast %scan3A_90 : i32 to index
      %swap3A_135 = arith.constant 96 : index
      %swap3A_136 = tpu.vector_load %arg13[%swap3A_134, %swap3A_135] {strides = array<i32>} : memref<128x128xf32, #tpu.memory_space<vmem>>, vector<1x16xf32>,
      %swap3A_137 = vector.shape_cast %swap3A_136 : vector<1x16xf32> to vector<16xf32>
      %swap3A_138 = vector.shape_cast %broadcast_in_dim3A_133 : vector<16xf32> to vector<1x16xf32>
      tpu.vector_store %arg13[%swap3A_134, %swap3A_135], %swap3A_138 {strides = array<i32>} : memref<128x128xf32, #tpu.memory_space<vmem>>, vector<1x16xf32>,
      %broadcast_in_dim3A_139 = arith.constant 0.000000e+00 : f32
      %broadcast_in_dim3A_140 = vector.broadcast %broadcast_in_dim3A_139 : f32 to vector<16xf32>
      %swap3A_141 = arith.index_cast %scan3A_90 : i32 to index
      %swap3A_142 = arith.constant 112 : index
      %swap3A_143 = tpu.vector_load %arg13[%swap3A_141, %swap3A_142] {strides = array<i32>} : memref<128x128xf32, #tpu.memory_space<vmem>>, vector<1x16xf32>,
      %swap3A_144 = vector.shape_cast %swap3A_143 : vector<1x16xf32> to vector<16xf32>
      %swap3A_145 = vector.shape_cast %broadcast_in_dim3A_140 : vector<16xf32> to vector<1x16xf32>
      tpu.vector_store %arg13[%swap3A_141, %swap3A_142], %swap3A_145 {strides = array<i32>} : memref<128x128xf32, #tpu.memory_space<vmem>>, vector<1x16xf32>,
      %scan3A_146 = arith.constant 0 : i32
      scf.yield %scan3A_146 : i32
    }
    %scan3A_22 = arith.constant 128 : i32
    %mul3A_23 = arith.constant 640 : i32
    %mul3A_24 = arith.muli %arg1, %mul3A_23 : i32
    %add3A_25 = arith.constant 0 : i32
    %add3A_26 = arith.addi %mul3A_24, %add3A_25 : i32
    "tpu.region"() ({
      %run_scoped3A = tpu.sem_alloc : memref<!tpu.dma_semaphore, #tpu.memory_space<semaphore_mem>>
      %dma_start3A_90 = arith.constant 0 : i32
      %dma_start3A_91 = tpu.memref_slice %arg17[%add3A_26, %dma_start3A_90] : memref<10240x128xf32, #tpu.memory_space<vmem_shared>> -> memref<128x128xf32, #tpu.memory_space<vmem_shared>>
      %dma_start3A_92 = arith.constant 0 : i32
      %dma_start3A_93 = tpu.memref_slice %arg17[%add3A_26, %dma_start3A_92] : memref<10240x128xf32, #tpu.memory_space<vmem_shared>> -> memref<128x128xf32, #tpu.memory_space<vmem_shared>>
      tpu.enqueue_dma source(%arg13 : memref<128x128xf32, #tpu.memory_space<vmem>>) target(%dma_start3A_93 : memref<128x128xf32, #tpu.memory_space<vmem_shared>>) target_semaphore(%run_scoped3A : memref<!tpu.dma_semaphore, #tpu.memory_space<semaphore_mem>>)
      %dma_wait3A_94 = arith.constant 0 : i32
      %dma_wait3A_95 = tpu.memref_slice %arg17[%add3A_26, %dma_wait3A_94] : memref<10240x128xf32, #tpu.memory_space<vmem_shared>> -> memref<128x128xf32, #tpu.memory_space<vmem_shared>>
      %dma_wait3A_96 = arith.constant 0 : i32
      %dma_wait3A_97 = tpu.memref_slice %arg17[%add3A_26, %dma_wait3A_96] : memref<10240x128xf32, #tpu.memory_space<vmem_shared>> -> memref<128x128xf32, #tpu.memory_space<vmem_shared>>
      tpu.wait_dma2 semaphore(%run_scoped3A : memref<!tpu.dma_semaphore, #tpu.memory_space<semaphore_mem>>) src(%arg13 : memref<128x128xf32, #tpu.memory_space<vmem>>) dst(%dma_wait3A_97 : memref<128x128xf32, #tpu.memory_space<vmem_shared>>)
      tpu.yield
    }) : () -> ()
    %mul3A_27 = arith.constant 640 : i32
    %mul3A_28 = arith.muli %arg1, %mul3A_27 : i32
    %add3A_29 = arith.constant 128 : i32
    %add3A_30 = arith.addi %mul3A_28, %add3A_29 : i32
    "tpu.region"() ({
      %run_scoped3A = tpu.sem_alloc : memref<!tpu.dma_semaphore, #tpu.memory_space<semaphore_mem>>
      %dma_start3A_90 = arith.constant 0 : i32
      %dma_start3A_91 = tpu.memref_slice %arg17[%add3A_30, %dma_start3A_90] : memref<10240x128xf32, #tpu.memory_space<vmem_shared>> -> memref<128x128xf32, #tpu.memory_space<vmem_shared>>
      %dma_start3A_92 = arith.constant 0 : i32
      %dma_start3A_93 = tpu.memref_slice %arg17[%add3A_30, %dma_start3A_92] : memref<10240x128xf32, #tpu.memory_space<vmem_shared>> -> memref<128x128xf32, #tpu.memory_space<vmem_shared>>
      tpu.enqueue_dma source(%arg13 : memref<128x128xf32, #tpu.memory_space<vmem>>) target(%dma_start3A_93 : memref<128x128xf32, #tpu.memory_space<vmem_shared>>) target_semaphore(%run_scoped3A : memref<!tpu.dma_semaphore, #tpu.memory_space<semaphore_mem>>)
      %dma_wait3A_94 = arith.constant 0 : i32
      %dma_wait3A_95 = tpu.memref_slice %arg17[%add3A_30, %dma_wait3A_94] : memref<10240x128xf32, #tpu.memory_space<vmem_shared>> -> memref<128x128xf32, #tpu.memory_space<vmem_shared>>
      %dma_wait3A_96 = arith.constant 0 : i32
      %dma_wait3A_97 = tpu.memref_slice %arg17[%add3A_30, %dma_wait3A_96] : memref<10240x128xf32, #tpu.memory_space<vmem_shared>> -> memref<128x128xf32, #tpu.memory_space<vmem_shared>>
      tpu.wait_dma2 semaphore(%run_scoped3A : memref<!tpu.dma_semaphore, #tpu.memory_space<semaphore_mem>>) src(%arg13 : memref<128x128xf32, #tpu.memory_space<vmem>>) dst(%dma_wait3A_97 : memref<128x128xf32, #tpu.memory_space<vmem_shared>>)
      tpu.yield
    }) : () -> ()
    %mul3A_31 = arith.constant 640 : i32
    %mul3A_32 = arith.muli %arg1, %mul3A_31 : i32
    %add3A_33 = arith.constant 256 : i32
    %add3A_34 = arith.addi %mul3A_32, %add3A_33 : i32
    "tpu.region"() ({
      %run_scoped3A = tpu.sem_alloc : memref<!tpu.dma_semaphore, #tpu.memory_space<semaphore_mem>>
      %dma_start3A_90 = arith.constant 0 : i32
      %dma_start3A_91 = tpu.memref_slice %arg17[%add3A_34, %dma_start3A_90] : memref<10240x128xf32, #tpu.memory_space<vmem_shared>> -> memref<128x128xf32, #tpu.memory_space<vmem_shared>>
      %dma_start3A_92 = arith.constant 0 : i32
      %dma_start3A_93 = tpu.memref_slice %arg17[%add3A_34, %dma_start3A_92] : memref<10240x128xf32, #tpu.memory_space<vmem_shared>> -> memref<128x128xf32, #tpu.memory_space<vmem_shared>>
      tpu.enqueue_dma source(%arg13 : memref<128x128xf32, #tpu.memory_space<vmem>>) target(%dma_start3A_93 : memref<128x128xf32, #tpu.memory_space<vmem_shared>>) target_semaphore(%run_scoped3A : memref<!tpu.dma_semaphore, #tpu.memory_space<semaphore_mem>>)
      %dma_wait3A_94 = arith.constant 0 : i32
      %dma_wait3A_95 = tpu.memref_slice %arg17[%add3A_34, %dma_wait3A_94] : memref<10240x128xf32, #tpu.memory_space<vmem_shared>> -> memref<128x128xf32, #tpu.memory_space<vmem_shared>>
      %dma_wait3A_96 = arith.constant 0 : i32
      %dma_wait3A_97 = tpu.memref_slice %arg17[%add3A_34, %dma_wait3A_96] : memref<10240x128xf32, #tpu.memory_space<vmem_shared>> -> memref<128x128xf32, #tpu.memory_space<vmem_shared>>
      tpu.wait_dma2 semaphore(%run_scoped3A : memref<!tpu.dma_semaphore, #tpu.memory_space<semaphore_mem>>) src(%arg13 : memref<128x128xf32, #tpu.memory_space<vmem>>) dst(%dma_wait3A_97 : memref<128x128xf32, #tpu.memory_space<vmem_shared>>)
      tpu.yield
    }) : () -> ()
    %mul3A_35 = arith.constant 640 : i32
    %mul3A_36 = arith.muli %arg1, %mul3A_35 : i32
    %add3A_37 = arith.constant 384 : i32
    %add3A_38 = arith.addi %mul3A_36, %add3A_37 : i32
    "tpu.region"() ({
      %run_scoped3A = tpu.sem_alloc : memref<!tpu.dma_semaphore, #tpu.memory_space<semaphore_mem>>
      %dma_start3A_90 = arith.constant 0 : i32
      %dma_start3A_91 = tpu.memref_slice %arg17[%add3A_38, %dma_start3A_90] : memref<10240x128xf32, #tpu.memory_space<vmem_shared>> -> memref<128x128xf32, #tpu.memory_space<vmem_shared>>
      %dma_start3A_92 = arith.constant 0 : i32
      %dma_start3A_93 = tpu.memref_slice %arg17[%add3A_38, %dma_start3A_92] : memref<10240x128xf32, #tpu.memory_space<vmem_shared>> -> memref<128x128xf32, #tpu.memory_space<vmem_shared>>
      tpu.enqueue_dma source(%arg13 : memref<128x128xf32, #tpu.memory_space<vmem>>) target(%dma_start3A_93 : memref<128x128xf32, #tpu.memory_space<vmem_shared>>) target_semaphore(%run_scoped3A : memref<!tpu.dma_semaphore, #tpu.memory_space<semaphore_mem>>)
      %dma_wait3A_94 = arith.constant 0 : i32
      %dma_wait3A_95 = tpu.memref_slice %arg17[%add3A_38, %dma_wait3A_94] : memref<10240x128xf32, #tpu.memory_space<vmem_shared>> -> memref<128x128xf32, #tpu.memory_space<vmem_shared>>
      %dma_wait3A_96 = arith.constant 0 : i32
      %dma_wait3A_97 = tpu.memref_slice %arg17[%add3A_38, %dma_wait3A_96] : memref<10240x128xf32, #tpu.memory_space<vmem_shared>> -> memref<128x128xf32, #tpu.memory_space<vmem_shared>>
      tpu.wait_dma2 semaphore(%run_scoped3A : memref<!tpu.dma_semaphore, #tpu.memory_space<semaphore_mem>>) src(%arg13 : memref<128x128xf32, #tpu.memory_space<vmem>>) dst(%dma_wait3A_97 : memref<128x128xf32, #tpu.memory_space<vmem_shared>>)
      tpu.yield
    }) : () -> ()
    %mul3A_39 = arith.constant 640 : i32
    %mul3A_40 = arith.muli %arg1, %mul3A_39 : i32
    %add3A_41 = arith.constant 512 : i32
    %add3A_42 = arith.addi %mul3A_40, %add3A_41 : i32
    "tpu.region"() ({
      %run_scoped3A = tpu.sem_alloc : memref<!tpu.dma_semaphore, #tpu.memory_space<semaphore_mem>>
      %dma_start3A_90 = arith.constant 0 : i32
      %dma_start3A_91 = tpu.memref_slice %arg17[%add3A_42, %dma_start3A_90] : memref<10240x128xf32, #tpu.memory_space<vmem_shared>> -> memref<128x128xf32, #tpu.memory_space<vmem_shared>>
      %dma_start3A_92 = arith.constant 0 : i32
      %dma_start3A_93 = tpu.memref_slice %arg17[%add3A_42, %dma_start3A_92] : memref<10240x128xf32, #tpu.memory_space<vmem_shared>> -> memref<128x128xf32, #tpu.memory_space<vmem_shared>>
      tpu.enqueue_dma source(%arg13 : memref<128x128xf32, #tpu.memory_space<vmem>>) target(%dma_start3A_93 : memref<128x128xf32, #tpu.memory_space<vmem_shared>>) target_semaphore(%run_scoped3A : memref<!tpu.dma_semaphore, #tpu.memory_space<semaphore_mem>>)
      %dma_wait3A_94 = arith.constant 0 : i32
      %dma_wait3A_95 = tpu.memref_slice %arg17[%add3A_42, %dma_wait3A_94] : memref<10240x128xf32, #tpu.memory_space<vmem_shared>> -> memref<128x128xf32, #tpu.memory_space<vmem_shared>>
      %dma_wait3A_96 = arith.constant 0 : i32
      %dma_wait3A_97 = tpu.memref_slice %arg17[%add3A_42, %dma_wait3A_96] : memref<10240x128xf32, #tpu.memory_space<vmem_shared>> -> memref<128x128xf32, #tpu.memory_space<vmem_shared>>
      tpu.wait_dma2 semaphore(%run_scoped3A : memref<!tpu.dma_semaphore, #tpu.memory_space<semaphore_mem>>) src(%arg13 : memref<128x128xf32, #tpu.memory_space<vmem>>) dst(%dma_wait3A_97 : memref<128x128xf32, #tpu.memory_space<vmem_shared>>)
      tpu.yield
    }) : () -> ()
    %barrier3A = arith.constant 0 : index
    tpu.barrier barrier_id(%barrier3A)
    %dma_wait3A = arith.constant 0 : i32
    %dma_wait3A_43 = tpu.memref_slice %arg3[%dma_wait3A] : memref<640000xi32, #tpu.memory_space<hbm>> -> memref<128xi32, #tpu.memory_space<hbm>>
    %dma_wait3A_44 = arith.constant 0 : i32
    %dma_wait3A_45 = tpu.memref_slice %arg3[%dma_wait3A_44] : memref<640000xi32, #tpu.memory_space<hbm>> -> memref<128xi32, #tpu.memory_space<hbm>>
    tpu.wait_dma2 semaphore(%arg18 : memref<!tpu.dma_semaphore, #tpu.memory_space<semaphore_mem>>) src(%dma_wait3A_45 : memref<128xi32, #tpu.memory_space<hbm>>) dst(%arg7 : memref<128xi32, #tpu.memory_space<vmem>>)
    %dma_wait3A_46 = arith.constant 0 : i32
    %dma_wait3A_47 = tpu.memref_slice %arg4[%dma_wait3A_46] : memref<320000xi32, #tpu.memory_space<hbm>> -> memref<128xi32, #tpu.memory_space<hbm>>
    %dma_wait3A_48 = arith.constant 0 : i32
    %dma_wait3A_49 = tpu.memref_slice %arg4[%dma_wait3A_48] : memref<320000xi32, #tpu.memory_space<hbm>> -> memref<128xi32, #tpu.memory_space<hbm>>
    tpu.wait_dma2 semaphore(%arg18 : memref<!tpu.dma_semaphore, #tpu.memory_space<semaphore_mem>>) src(%dma_wait3A_49 : memref<128xi32, #tpu.memory_space<hbm>>) dst(%arg10 : memref<128xi32, #tpu.memory_space<vmem>>)
    %dma_start3A_50 = arith.constant 0 : i32
    %dma_start3A_51 = arith.constant 0 : i32
    %dma_start3A_52 = tpu.memref_slice %arg2[%dma_start3A_50, %dma_start3A_51] : memref<20000x128xf32, #tpu.memory_space<hbm>> -> memref<20000x128xf32, #tpu.memory_space<hbm>>
    tpu.enqueue_indirect_dma source(%dma_start3A_52 : memref<20000x128xf32, #tpu.memory_space<hbm>>) target(%arg13 : memref<128x128xf32, #tpu.memory_space<vmem>>) offsets(%arg7 : memref<128xi32, #tpu.memory_space<vmem>>) semaphore(%arg19 : memref<!tpu.dma_semaphore, #tpu.memory_space<semaphore_mem>>)
    %scan3A_53 = arith.constant 0 : i32
    %scan3A_54 = arith.constant 0 : i32
    %scan3A_55 = arith.constant 26 : i32
    %scan3A_56 = arith.addi %scan3A_54, %scan3A_55 : i32
    %scan3A_57 = arith.constant 1 : i32
    %scan3A_58 = scf.for %scan3A_90 = %scan3A_54 to %scan3A_56 step %scan3A_57 iter_args(%scan3A_91 = %scan3A_53) -> (i32)  : i32 {
      %mul3A_92 = arith.constant 6 : i32
      %mul3A_93 = arith.muli %mul3A_92, %scan3A_90 : i32
      %add3A_94 = arith.constant 0 : i32
      %add3A_95 = arith.addi %mul3A_93, %add3A_94 : i32
      %add3A_96 = arith.constant 1 : i32
      %add3A_97 = arith.addi %add3A_95, %add3A_96 : i32
      %lt3A = arith.constant 156 : i32
      %lt3A_98 = arith.cmpi slt, %add3A_97, %lt3A : i32
      %convert_element_type3A_99 = arith.extui %lt3A_98 : i1 to i32
      %cond3A_100 = arith.constant 0 : i32
      %cond3A_101 = arith.cmpi ne, %convert_element_type3A_99, %cond3A_100 : i32
      scf.if %cond3A_101 {
        %dma_wait3A_297 = arith.constant 0 : i32
        %dma_wait3A_298 = tpu.memref_slice %arg3[%dma_wait3A_297] : memref<640000xi32, #tpu.memory_space<hbm>> -> memref<128xi32, #tpu.memory_space<hbm>>
        %dma_wait3A_299 = arith.constant 0 : i32
        %dma_wait3A_300 = tpu.memref_slice %arg3[%dma_wait3A_299] : memref<640000xi32, #tpu.memory_space<hbm>> -> memref<128xi32, #tpu.memory_space<hbm>>
        tpu.wait_dma2 semaphore(%arg18 : memref<!tpu.dma_semaphore, #tpu.memory_space<semaphore_mem>>) src(%dma_wait3A_300 : memref<128xi32, #tpu.memory_space<hbm>>) dst(%arg8 : memref<128xi32, #tpu.memory_space<vmem>>)
        %dma_wait3A_301 = arith.constant 0 : i32
        %dma_wait3A_302 = tpu.memref_slice %arg4[%dma_wait3A_301] : memref<320000xi32, #tpu.memory_space<hbm>> -> memref<128xi32, #tpu.memory_space<hbm>>
        %dma_wait3A_303 = arith.constant 0 : i32
        %dma_wait3A_304 = tpu.memref_slice %arg4[%dma_wait3A_303] : memref<320000xi32, #tpu.memory_space<hbm>> -> memref<128xi32, #tpu.memory_space<hbm>>
        tpu.wait_dma2 semaphore(%arg18 : memref<!tpu.dma_semaphore, #tpu.memory_space<semaphore_mem>>) src(%dma_wait3A_304 : memref<128xi32, #tpu.memory_space<hbm>>) dst(%arg11 : memref<128xi32, #tpu.memory_space<vmem>>)
      } else {
      }
      %gt3A = arith.constant 0 : i32
      %gt3A_102 = arith.cmpi sgt, %add3A_95, %gt3A : i32
      %convert_element_type3A_103 = arith.extui %gt3A_102 : i1 to i32
      %cond3A_104 = arith.constant 0 : i32
      %cond3A_105 = arith.cmpi ne, %convert_element_type3A_103, %cond3A_104 : i32
      scf.if %cond3A_105 {
        %dma_wait3A_297 = arith.constant 0 : i32
        %dma_wait3A_298 = arith.constant 0 : i32
        %dma_wait3A_299 = tpu.memref_slice %arg17[%dma_wait3A_297, %dma_wait3A_298] : memref<10240x128xf32, #tpu.memory_space<vmem_shared>> -> memref<10240x128xf32, #tpu.memory_space<vmem_shared>>
        tpu.wait_indirect_dma semaphore(%arg20 : memref<!tpu.dma_semaphore, #tpu.memory_space<semaphore_mem>>) src(%arg14 : memref<128x128xf32, #tpu.memory_space<vmem>>) dst(%dma_wait3A_299 : memref<10240x128xf32, #tpu.memory_space<vmem_shared>>)
      } else {
      }
      %add3A_106 = arith.constant 1 : i32
      %add3A_107 = arith.addi %add3A_95, %add3A_106 : i32
      %lt3A_108 = arith.constant 156 : i32
      %lt3A_109 = arith.cmpi slt, %add3A_107, %lt3A_108 : i32
      %convert_element_type3A_110 = arith.extui %lt3A_109 : i1 to i32
      %cond3A_111 = arith.constant 0 : i32
      %cond3A_112 = arith.cmpi ne, %convert_element_type3A_110, %cond3A_111 : i32
      scf.if %cond3A_112 {
        %dma_start3A_297 = arith.constant 0 : i32
        %dma_start3A_298 = arith.constant 0 : i32
        %dma_start3A_299 = tpu.memref_slice %arg2[%dma_start3A_297, %dma_start3A_298] : memref<20000x128xf32, #tpu.memory_space<hbm>> -> memref<20000x128xf32, #tpu.memory_space<hbm>>
        tpu.enqueue_indirect_dma source(%dma_start3A_299 : memref<20000x128xf32, #tpu.memory_space<hbm>>) target(%arg14 : memref<128x128xf32, #tpu.memory_space<vmem>>) offsets(%arg8 : memref<128xi32, #tpu.memory_space<vmem>>) semaphore(%arg19 : memref<!tpu.dma_semaphore, #tpu.memory_space<semaphore_mem>>)
      } else {
      }
      %dma_wait3A_113 = arith.constant 0 : i32
      %dma_wait3A_114 = arith.constant 0 : i32
      %dma_wait3A_115 = tpu.memref_slice %arg2[%dma_wait3A_113, %dma_wait3A_114] : memref<20000x128xf32, #tpu.memory_space<hbm>> -> memref<20000x128xf32, #tpu.memory_space<hbm>>
      tpu.wait_indirect_dma semaphore(%arg19 : memref<!tpu.dma_semaphore, #tpu.memory_space<semaphore_mem>>) src(%dma_wait3A_115 : memref<20000x128xf32, #tpu.memory_space<hbm>>) dst(%arg13 : memref<128x128xf32, #tpu.memory_space<vmem>>)
      %dma_start3A_116 = arith.constant 0 : i32
      %dma_start3A_117 = arith.constant 0 : i32
      %dma_start3A_118 = tpu.memref_slice %arg17[%dma_start3A_116, %dma_start3A_117] : memref<10240x128xf32, #tpu.memory_space<vmem_shared>> -> memref<10240x128xf32, #tpu.memory_space<vmem_shared>>
      tpu.enqueue_indirect_dma source(%arg13 : memref<128x128xf32, #tpu.memory_space<vmem>>) target(%dma_start3A_118 : memref<10240x128xf32, #tpu.memory_space<vmem_shared>>) offsets(%arg10 : memref<128xi32, #tpu.memory_space<vmem>>) semaphore(%arg20 : memref<!tpu.dma_semaphore, #tpu.memory_space<semaphore_mem>>) {add = true}
      %add3A_119 = arith.constant 2 : i32
      %add3A_120 = arith.addi %add3A_95, %add3A_119 : i32
      %lt3A_121 = arith.constant 156 : i32
      %lt3A_122 = arith.cmpi slt, %add3A_120, %lt3A_121 : i32
      %convert_element_type3A_123 = arith.extui %lt3A_122 : i1 to i32
      %cond3A_124 = arith.constant 0 : i32
      %cond3A_125 = arith.cmpi ne, %convert_element_type3A_123, %cond3A_124 : i32
      scf.if %cond3A_125 {
        %add3A_297 = arith.constant 2 : i32
        %add3A_298 = arith.addi %add3A_95, %add3A_297 : i32
        %mul3A_299 = arith.constant 128 : i32
        %mul3A_300 = arith.muli %add3A_298, %mul3A_299 : i32
        %add3A_301 = arith.addi %mul3A_0, %mul3A_300 : i32
        %mul3A_302 = arith.constant 320000 : i32
        %mul3A_303 = arith.muli %arg0, %mul3A_302 : i32
        %add3A_304 = arith.addi %mul3A_303, %add3A_301 : i32
        %dma_start3A_305 = tpu.memref_slice %arg3[%add3A_304] : memref<640000xi32, #tpu.memory_space<hbm>> -> memref<128xi32, #tpu.memory_space<hbm>>
        %dma_start3A_306 = tpu.memref_slice %arg3[%add3A_304] : memref<640000xi32, #tpu.memory_space<hbm>> -> memref<128xi32, #tpu.memory_space<hbm>>
        tpu.enqueue_dma source(%dma_start3A_306 : memref<128xi32, #tpu.memory_space<hbm>>) target(%arg9 : memref<128xi32, #tpu.memory_space<vmem>>) target_semaphore(%arg18 : memref<!tpu.dma_semaphore, #tpu.memory_space<semaphore_mem>>)
        %dma_start3A_307 = tpu.memref_slice %arg4[%add3A_301] : memref<320000xi32, #tpu.memory_space<hbm>> -> memref<128xi32, #tpu.memory_space<hbm>>
        %dma_start3A_308 = tpu.memref_slice %arg4[%add3A_301] : memref<320000xi32, #tpu.memory_space<hbm>> -> memref<128xi32, #tpu.memory_space<hbm>>
        tpu.enqueue_dma source(%dma_start3A_308 : memref<128xi32, #tpu.memory_space<hbm>>) target(%arg12 : memref<128xi32, #tpu.memory_space<vmem>>) target_semaphore(%arg18 : memref<!tpu.dma_semaphore, #tpu.memory_space<semaphore_mem>>)
      } else {
      }
      %mul3A_126 = arith.constant 6 : i32
      %mul3A_127 = arith.muli %mul3A_126, %scan3A_90 : i32
      %add3A_128 = arith.constant 1 : i32
      %add3A_129 = arith.addi %mul3A_127, %add3A_128 : i32
      %add3A_130 = arith.constant 1 : i32
      %add3A_131 = arith.addi %add3A_129, %add3A_130 : i32
      %lt3A_132 = arith.constant 156 : i32
      %lt3A_133 = arith.cmpi slt, %add3A_131, %lt3A_132 : i32
      %convert_element_type3A_134 = arith.extui %lt3A_133 : i1 to i32
      %cond3A_135 = arith.constant 0 : i32
      %cond3A_136 = arith.cmpi ne, %convert_element_type3A_134, %cond3A_135 : i32
      scf.if %cond3A_136 {
        %dma_wait3A_297 = arith.constant 0 : i32
        %dma_wait3A_298 = tpu.memref_slice %arg3[%dma_wait3A_297] : memref<640000xi32, #tpu.memory_space<hbm>> -> memref<128xi32, #tpu.memory_space<hbm>>
        %dma_wait3A_299 = arith.constant 0 : i32
        %dma_wait3A_300 = tpu.memref_slice %arg3[%dma_wait3A_299] : memref<640000xi32, #tpu.memory_space<hbm>> -> memref<128xi32, #tpu.memory_space<hbm>>
        tpu.wait_dma2 semaphore(%arg18 : memref<!tpu.dma_semaphore, #tpu.memory_space<semaphore_mem>>) src(%dma_wait3A_300 : memref<128xi32, #tpu.memory_space<hbm>>) dst(%arg9 : memref<128xi32, #tpu.memory_space<vmem>>)
        %dma_wait3A_301 = arith.constant 0 : i32
        %dma_wait3A_302 = tpu.memref_slice %arg4[%dma_wait3A_301] : memref<320000xi32, #tpu.memory_space<hbm>> -> memref<128xi32, #tpu.memory_space<hbm>>
        %dma_wait3A_303 = arith.constant 0 : i32
        %dma_wait3A_304 = tpu.memref_slice %arg4[%dma_wait3A_303] : memref<320000xi32, #tpu.memory_space<hbm>> -> memref<128xi32, #tpu.memory_space<hbm>>
        tpu.wait_dma2 semaphore(%arg18 : memref<!tpu.dma_semaphore, #tpu.memory_space<semaphore_mem>>) src(%dma_wait3A_304 : memref<128xi32, #tpu.memory_space<hbm>>) dst(%arg12 : memref<128xi32, #tpu.memory_space<vmem>>)
      } else {
      }
      %dma_wait3A_137 = arith.constant 0 : i32
      %dma_wait3A_138 = arith.constant 0 : i32
      %dma_wait3A_139 = tpu.memref_slice %arg17[%dma_wait3A_137, %dma_wait3A_138] : memref<10240x128xf32, #tpu.memory_space<vmem_shared>> -> memref<10240x128xf32, #tpu.memory_space<vmem_shared>>
      tpu.wait_indirect_dma semaphore(%arg20 : memref<!tpu.dma_semaphore, #tpu.memory_space<semaphore_mem>>) src(%arg13 : memref<128x128xf32, #tpu.memory_space<vmem>>) dst(%dma_wait3A_139 : memref<10240x128xf32, #tpu.memory_space<vmem_shared>>)
      %add3A_140 = arith.constant 1 : i32
      %add3A_141 = arith.addi %add3A_129, %add3A_140 : i32
      %lt3A_142 = arith.constant 156 : i32
      %lt3A_143 = arith.cmpi slt, %add3A_141, %lt3A_142 : i32
      %convert_element_type3A_144 = arith.extui %lt3A_143 : i1 to i32
      %cond3A_145 = arith.constant 0 : i32
      %cond3A_146 = arith.cmpi ne, %convert_element_type3A_144, %cond3A_145 : i32
      scf.if %cond3A_146 {
        %dma_start3A_297 = arith.constant 0 : i32
        %dma_start3A_298 = arith.constant 0 : i32
        %dma_start3A_299 = tpu.memref_slice %arg2[%dma_start3A_297, %dma_start3A_298] : memref<20000x128xf32, #tpu.memory_space<hbm>> -> memref<20000x128xf32, #tpu.memory_space<hbm>>
        tpu.enqueue_indirect_dma source(%dma_start3A_299 : memref<20000x128xf32, #tpu.memory_space<hbm>>) target(%arg13 : memref<128x128xf32, #tpu.memory_space<vmem>>) offsets(%arg9 : memref<128xi32, #tpu.memory_space<vmem>>) semaphore(%arg19 : memref<!tpu.dma_semaphore, #tpu.memory_space<semaphore_mem>>)
      } else {
      }
      %dma_wait3A_147 = arith.constant 0 : i32
      %dma_wait3A_148 = arith.constant 0 : i32
      %dma_wait3A_149 = tpu.memref_slice %arg2[%dma_wait3A_147, %dma_wait3A_148] : memref<20000x128xf32, #tpu.memory_space<hbm>> -> memref<20000x128xf32, #tpu.memory_space<hbm>>
      tpu.wait_indirect_dma semaphore(%arg19 : memref<!tpu.dma_semaphore, #tpu.memory_space<semaphore_mem>>) src(%dma_wait3A_149 : memref<20000x128xf32, #tpu.memory_space<hbm>>) dst(%arg14 : memref<128x128xf32, #tpu.memory_space<vmem>>)
      %dma_start3A_150 = arith.constant 0 : i32
      %dma_start3A_151 = arith.constant 0 : i32
      %dma_start3A_152 = tpu.memref_slice %arg17[%dma_start3A_150, %dma_start3A_151] : memref<10240x128xf32, #tpu.memory_space<vmem_shared>> -> memref<10240x128xf32, #tpu.memory_space<vmem_shared>>
      tpu.enqueue_indirect_dma source(%arg14 : memref<128x128xf32, #tpu.memory_space<vmem>>) target(%dma_start3A_152 : memref<10240x128xf32, #tpu.memory_space<vmem_shared>>) offsets(%arg11 : memref<128xi32, #tpu.memory_space<vmem>>) semaphore(%arg20 : memref<!tpu.dma_semaphore, #tpu.memory_space<semaphore_mem>>) {add = true}
      %add3A_153 = arith.constant 2 : i32
      %add3A_154 = arith.addi %add3A_129, %add3A_153 : i32
      %lt3A_155 = arith.constant 156 : i32
      %lt3A_156 = arith.cmpi slt, %add3A_154, %lt3A_155 : i32
      %convert_element_type3A_157 = arith.extui %lt3A_156 : i1 to i32
      %cond3A_158 = arith.constant 0 : i32
      %cond3A_159 = arith.cmpi ne, %convert_element_type3A_157, %cond3A_158 : i32
      scf.if %cond3A_159 {
        %add3A_297 = arith.constant 2 : i32
        %add3A_298 = arith.addi %add3A_129, %add3A_297 : i32
        %mul3A_299 = arith.constant 128 : i32
        %mul3A_300 = arith.muli %add3A_298, %mul3A_299 : i32
        %add3A_301 = arith.addi %mul3A_0, %mul3A_300 : i32
        %mul3A_302 = arith.constant 320000 : i32
        %mul3A_303 = arith.muli %arg0, %mul3A_302 : i32
        %add3A_304 = arith.addi %mul3A_303, %add3A_301 : i32
        %dma_start3A_305 = tpu.memref_slice %arg3[%add3A_304] : memref<640000xi32, #tpu.memory_space<hbm>> -> memref<128xi32, #tpu.memory_space<hbm>>
        %dma_start3A_306 = tpu.memref_slice %arg3[%add3A_304] : memref<640000xi32, #tpu.memory_space<hbm>> -> memref<128xi32, #tpu.memory_space<hbm>>
        tpu.enqueue_dma source(%dma_start3A_306 : memref<128xi32, #tpu.memory_space<hbm>>) target(%arg7 : memref<128xi32, #tpu.memory_space<vmem>>) target_semaphore(%arg18 : memref<!tpu.dma_semaphore, #tpu.memory_space<semaphore_mem>>)
        %dma_start3A_307 = tpu.memref_slice %arg4[%add3A_301] : memref<320000xi32, #tpu.memory_space<hbm>> -> memref<128xi32, #tpu.memory_space<hbm>>
        %dma_start3A_308 = tpu.memref_slice %arg4[%add3A_301] : memref<320000xi32, #tpu.memory_space<hbm>> -> memref<128xi32, #tpu.memory_space<hbm>>
        tpu.enqueue_dma source(%dma_start3A_308 : memref<128xi32, #tpu.memory_space<hbm>>) target(%arg10 : memref<128xi32, #tpu.memory_space<vmem>>) target_semaphore(%arg18 : memref<!tpu.dma_semaphore, #tpu.memory_space<semaphore_mem>>)
      } else {
      }
      %mul3A_160 = arith.constant 6 : i32
      %mul3A_161 = arith.muli %mul3A_160, %scan3A_90 : i32
      %add3A_162 = arith.constant 2 : i32
      %add3A_163 = arith.addi %mul3A_161, %add3A_162 : i32
      %add3A_164 = arith.constant 1 : i32
      %add3A_165 = arith.addi %add3A_163, %add3A_164 : i32
      %lt3A_166 = arith.constant 156 : i32
      %lt3A_167 = arith.cmpi slt, %add3A_165, %lt3A_166 : i32
      %convert_element_type3A_168 = arith.extui %lt3A_167 : i1 to i32
      %cond3A_169 = arith.constant 0 : i32
      %cond3A_170 = arith.cmpi ne, %convert_element_type3A_168, %cond3A_169 : i32
      scf.if %cond3A_170 {
        %dma_wait3A_297 = arith.constant 0 : i32
        %dma_wait3A_298 = tpu.memref_slice %arg3[%dma_wait3A_297] : memref<640000xi32, #tpu.memory_space<hbm>> -> memref<128xi32, #tpu.memory_space<hbm>>
        %dma_wait3A_299 = arith.constant 0 : i32
        %dma_wait3A_300 = tpu.memref_slice %arg3[%dma_wait3A_299] : memref<640000xi32, #tpu.memory_space<hbm>> -> memref<128xi32, #tpu.memory_space<hbm>>
        tpu.wait_dma2 semaphore(%arg18 : memref<!tpu.dma_semaphore, #tpu.memory_space<semaphore_mem>>) src(%dma_wait3A_300 : memref<128xi32, #tpu.memory_space<hbm>>) dst(%arg7 : memref<128xi32, #tpu.memory_space<vmem>>)
        %dma_wait3A_301 = arith.constant 0 : i32
        %dma_wait3A_302 = tpu.memref_slice %arg4[%dma_wait3A_301] : memref<320000xi32, #tpu.memory_space<hbm>> -> memref<128xi32, #tpu.memory_space<hbm>>
        %dma_wait3A_303 = arith.constant 0 : i32
        %dma_wait3A_304 = tpu.memref_slice %arg4[%dma_wait3A_303] : memref<320000xi32, #tpu.memory_space<hbm>> -> memref<128xi32, #tpu.memory_space<hbm>>
        tpu.wait_dma2 semaphore(%arg18 : memref<!tpu.dma_semaphore, #tpu.memory_space<semaphore_mem>>) src(%dma_wait3A_304 : memref<128xi32, #tpu.memory_space<hbm>>) dst(%arg10 : memref<128xi32, #tpu.memory_space<vmem>>)
      } else {
      }
      %dma_wait3A_171 = arith.constant 0 : i32
      %dma_wait3A_172 = arith.constant 0 : i32
      %dma_wait3A_173 = tpu.memref_slice %arg17[%dma_wait3A_171, %dma_wait3A_172] : memref<10240x128xf32, #tpu.memory_space<vmem_shared>> -> memref<10240x128xf32, #tpu.memory_space<vmem_shared>>
      tpu.wait_indirect_dma semaphore(%arg20 : memref<!tpu.dma_semaphore, #tpu.memory_space<semaphore_mem>>) src(%arg14 : memref<128x128xf32, #tpu.memory_space<vmem>>) dst(%dma_wait3A_173 : memref<10240x128xf32, #tpu.memory_space<vmem_shared>>)
      %add3A_174 = arith.constant 1 : i32
      %add3A_175 = arith.addi %add3A_163, %add3A_174 : i32
      %lt3A_176 = arith.constant 156 : i32
      %lt3A_177 = arith.cmpi slt, %add3A_175, %lt3A_176 : i32
      %convert_element_type3A_178 = arith.extui %lt3A_177 : i1 to i32
      %cond3A_179 = arith.constant 0 : i32
      %cond3A_180 = arith.cmpi ne, %convert_element_type3A_178, %cond3A_179 : i32
      scf.if %cond3A_180 {
        %dma_start3A_297 = arith.constant 0 : i32
        %dma_start3A_298 = arith.constant 0 : i32
        %dma_start3A_299 = tpu.memref_slice %arg2[%dma_start3A_297, %dma_start3A_298] : memref<20000x128xf32, #tpu.memory_space<hbm>> -> memref<20000x128xf32, #tpu.memory_space<hbm>>
        tpu.enqueue_indirect_dma source(%dma_start3A_299 : memref<20000x128xf32, #tpu.memory_space<hbm>>) target(%arg14 : memref<128x128xf32, #tpu.memory_space<vmem>>) offsets(%arg7 : memref<128xi32, #tpu.memory_space<vmem>>) semaphore(%arg19 : memref<!tpu.dma_semaphore, #tpu.memory_space<semaphore_mem>>)
      } else {
      }
      %dma_wait3A_181 = arith.constant 0 : i32
      %dma_wait3A_182 = arith.constant 0 : i32
      %dma_wait3A_183 = tpu.memref_slice %arg2[%dma_wait3A_181, %dma_wait3A_182] : memref<20000x128xf32, #tpu.memory_space<hbm>> -> memref<20000x128xf32, #tpu.memory_space<hbm>>
      tpu.wait_indirect_dma semaphore(%arg19 : memref<!tpu.dma_semaphore, #tpu.memory_space<semaphore_mem>>) src(%dma_wait3A_183 : memref<20000x128xf32, #tpu.memory_space<hbm>>) dst(%arg13 : memref<128x128xf32, #tpu.memory_space<vmem>>)
      %dma_start3A_184 = arith.constant 0 : i32
      %dma_start3A_185 = arith.constant 0 : i32
      %dma_start3A_186 = tpu.memref_slice %arg17[%dma_start3A_184, %dma_start3A_185] : memref<10240x128xf32, #tpu.memory_space<vmem_shared>> -> memref<10240x128xf32, #tpu.memory_space<vmem_shared>>
      tpu.enqueue_indirect_dma source(%arg13 : memref<128x128xf32, #tpu.memory_space<vmem>>) target(%dma_start3A_186 : memref<10240x128xf32, #tpu.memory_space<vmem_shared>>) offsets(%arg12 : memref<128xi32, #tpu.memory_space<vmem>>) semaphore(%arg20 : memref<!tpu.dma_semaphore, #tpu.memory_space<semaphore_mem>>) {add = true}
      %add3A_187 = arith.constant 2 : i32
      %add3A_188 = arith.addi %add3A_163, %add3A_187 : i32
      %lt3A_189 = arith.constant 156 : i32
      %lt3A_190 = arith.cmpi slt, %add3A_188, %lt3A_189 : i32
      %convert_element_type3A_191 = arith.extui %lt3A_190 : i1 to i32
      %cond3A_192 = arith.constant 0 : i32
      %cond3A_193 = arith.cmpi ne, %convert_element_type3A_191, %cond3A_192 : i32
      scf.if %cond3A_193 {
        %add3A_297 = arith.constant 2 : i32
        %add3A_298 = arith.addi %add3A_163, %add3A_297 : i32
        %mul3A_299 = arith.constant 128 : i32
        %mul3A_300 = arith.muli %add3A_298, %mul3A_299 : i32
        %add3A_301 = arith.addi %mul3A_0, %mul3A_300 : i32
        %mul3A_302 = arith.constant 320000 : i32
        %mul3A_303 = arith.muli %arg0, %mul3A_302 : i32
        %add3A_304 = arith.addi %mul3A_303, %add3A_301 : i32
        %dma_start3A_305 = tpu.memref_slice %arg3[%add3A_304] : memref<640000xi32, #tpu.memory_space<hbm>> -> memref<128xi32, #tpu.memory_space<hbm>>
        %dma_start3A_306 = tpu.memref_slice %arg3[%add3A_304] : memref<640000xi32, #tpu.memory_space<hbm>> -> memref<128xi32, #tpu.memory_space<hbm>>
        tpu.enqueue_dma source(%dma_start3A_306 : memref<128xi32, #tpu.memory_space<hbm>>) target(%arg8 : memref<128xi32, #tpu.memory_space<vmem>>) target_semaphore(%arg18 : memref<!tpu.dma_semaphore, #tpu.memory_space<semaphore_mem>>)
        %dma_start3A_307 = tpu.memref_slice %arg4[%add3A_301] : memref<320000xi32, #tpu.memory_space<hbm>> -> memref<128xi32, #tpu.memory_space<hbm>>
        %dma_start3A_308 = tpu.memref_slice %arg4[%add3A_301] : memref<320000xi32, #tpu.memory_space<hbm>> -> memref<128xi32, #tpu.memory_space<hbm>>
        tpu.enqueue_dma source(%dma_start3A_308 : memref<128xi32, #tpu.memory_space<hbm>>) target(%arg11 : memref<128xi32, #tpu.memory_space<vmem>>) target_semaphore(%arg18 : memref<!tpu.dma_semaphore, #tpu.memory_space<semaphore_mem>>)
      } else {
      }
      %mul3A_194 = arith.constant 6 : i32
      %mul3A_195 = arith.muli %mul3A_194, %scan3A_90 : i32
      %add3A_196 = arith.constant 3 : i32
      %add3A_197 = arith.addi %mul3A_195, %add3A_196 : i32
      %add3A_198 = arith.constant 1 : i32
      %add3A_199 = arith.addi %add3A_197, %add3A_198 : i32
      %lt3A_200 = arith.constant 156 : i32
      %lt3A_201 = arith.cmpi slt, %add3A_199, %lt3A_200 : i32
      %convert_element_type3A_202 = arith.extui %lt3A_201 : i1 to i32
      %cond3A_203 = arith.constant 0 : i32
      %cond3A_204 = arith.cmpi ne, %convert_element_type3A_202, %cond3A_203 : i32
      scf.if %cond3A_204 {
        %dma_wait3A_297 = arith.constant 0 : i32
        %dma_wait3A_298 = tpu.memref_slice %arg3[%dma_wait3A_297] : memref<640000xi32, #tpu.memory_space<hbm>> -> memref<128xi32, #tpu.memory_space<hbm>>
        %dma_wait3A_299 = arith.constant 0 : i32
        %dma_wait3A_300 = tpu.memref_slice %arg3[%dma_wait3A_299] : memref<640000xi32, #tpu.memory_space<hbm>> -> memref<128xi32, #tpu.memory_space<hbm>>
        tpu.wait_dma2 semaphore(%arg18 : memref<!tpu.dma_semaphore, #tpu.memory_space<semaphore_mem>>) src(%dma_wait3A_300 : memref<128xi32, #tpu.memory_space<hbm>>) dst(%arg8 : memref<128xi32, #tpu.memory_space<vmem>>)
        %dma_wait3A_301 = arith.constant 0 : i32
        %dma_wait3A_302 = tpu.memref_slice %arg4[%dma_wait3A_301] : memref<320000xi32, #tpu.memory_space<hbm>> -> memref<128xi32, #tpu.memory_space<hbm>>
        %dma_wait3A_303 = arith.constant 0 : i32
        %dma_wait3A_304 = tpu.memref_slice %arg4[%dma_wait3A_303] : memref<320000xi32, #tpu.memory_space<hbm>> -> memref<128xi32, #tpu.memory_space<hbm>>
        tpu.wait_dma2 semaphore(%arg18 : memref<!tpu.dma_semaphore, #tpu.memory_space<semaphore_mem>>) src(%dma_wait3A_304 : memref<128xi32, #tpu.memory_space<hbm>>) dst(%arg11 : memref<128xi32, #tpu.memory_space<vmem>>)
      } else {
      }
      %dma_wait3A_205 = arith.constant 0 : i32
      %dma_wait3A_206 = arith.constant 0 : i32
      %dma_wait3A_207 = tpu.memref_slice %arg17[%dma_wait3A_205, %dma_wait3A_206] : memref<10240x128xf32, #tpu.memory_space<vmem_shared>> -> memref<10240x128xf32, #tpu.memory_space<vmem_shared>>
      tpu.wait_indirect_dma semaphore(%arg20 : memref<!tpu.dma_semaphore, #tpu.memory_space<semaphore_mem>>) src(%arg13 : memref<128x128xf32, #tpu.memory_space<vmem>>) dst(%dma_wait3A_207 : memref<10240x128xf32, #tpu.memory_space<vmem_shared>>)
      %add3A_208 = arith.constant 1 : i32
      %add3A_209 = arith.addi %add3A_197, %add3A_208 : i32
      %lt3A_210 = arith.constant 156 : i32
      %lt3A_211 = arith.cmpi slt, %add3A_209, %lt3A_210 : i32
      %convert_element_type3A_212 = arith.extui %lt3A_211 : i1 to i32
      %cond3A_213 = arith.constant 0 : i32
      %cond3A_214 = arith.cmpi ne, %convert_element_type3A_212, %cond3A_213 : i32
      scf.if %cond3A_214 {
        %dma_start3A_297 = arith.constant 0 : i32
        %dma_start3A_298 = arith.constant 0 : i32
        %dma_start3A_299 = tpu.memref_slice %arg2[%dma_start3A_297, %dma_start3A_298] : memref<20000x128xf32, #tpu.memory_space<hbm>> -> memref<20000x128xf32, #tpu.memory_space<hbm>>
        tpu.enqueue_indirect_dma source(%dma_start3A_299 : memref<20000x128xf32, #tpu.memory_space<hbm>>) target(%arg13 : memref<128x128xf32, #tpu.memory_space<vmem>>) offsets(%arg8 : memref<128xi32, #tpu.memory_space<vmem>>) semaphore(%arg19 : memref<!tpu.dma_semaphore, #tpu.memory_space<semaphore_mem>>)
      } else {
      }
      %dma_wait3A_215 = arith.constant 0 : i32
      %dma_wait3A_216 = arith.constant 0 : i32
      %dma_wait3A_217 = tpu.memref_slice %arg2[%dma_wait3A_215, %dma_wait3A_216] : memref<20000x128xf32, #tpu.memory_space<hbm>> -> memref<20000x128xf32, #tpu.memory_space<hbm>>
      tpu.wait_indirect_dma semaphore(%arg19 : memref<!tpu.dma_semaphore, #tpu.memory_space<semaphore_mem>>) src(%dma_wait3A_217 : memref<20000x128xf32, #tpu.memory_space<hbm>>) dst(%arg14 : memref<128x128xf32, #tpu.memory_space<vmem>>)
      %dma_start3A_218 = arith.constant 0 : i32
      %dma_start3A_219 = arith.constant 0 : i32
      %dma_start3A_220 = tpu.memref_slice %arg17[%dma_start3A_218, %dma_start3A_219] : memref<10240x128xf32, #tpu.memory_space<vmem_shared>> -> memref<10240x128xf32, #tpu.memory_space<vmem_shared>>
      tpu.enqueue_indirect_dma source(%arg14 : memref<128x128xf32, #tpu.memory_space<vmem>>) target(%dma_start3A_220 : memref<10240x128xf32, #tpu.memory_space<vmem_shared>>) offsets(%arg10 : memref<128xi32, #tpu.memory_space<vmem>>) semaphore(%arg20 : memref<!tpu.dma_semaphore, #tpu.memory_space<semaphore_mem>>) {add = true}
      %add3A_221 = arith.constant 2 : i32
      %add3A_222 = arith.addi %add3A_197, %add3A_221 : i32
      %lt3A_223 = arith.constant 156 : i32
      %lt3A_224 = arith.cmpi slt, %add3A_222, %lt3A_223 : i32
      %convert_element_type3A_225 = arith.extui %lt3A_224 : i1 to i32
      %cond3A_226 = arith.constant 0 : i32
      %cond3A_227 = arith.cmpi ne, %convert_element_type3A_225, %cond3A_226 : i32
      scf.if %cond3A_227 {
        %add3A_297 = arith.constant 2 : i32
        %add3A_298 = arith.addi %add3A_197, %add3A_297 : i32
        %mul3A_299 = arith.constant 128 : i32
        %mul3A_300 = arith.muli %add3A_298, %mul3A_299 : i32
        %add3A_301 = arith.addi %mul3A_0, %mul3A_300 : i32
        %mul3A_302 = arith.constant 320000 : i32
        %mul3A_303 = arith.muli %arg0, %mul3A_302 : i32
        %add3A_304 = arith.addi %mul3A_303, %add3A_301 : i32
        %dma_start3A_305 = tpu.memref_slice %arg3[%add3A_304] : memref<640000xi32, #tpu.memory_space<hbm>> -> memref<128xi32, #tpu.memory_space<hbm>>
        %dma_start3A_306 = tpu.memref_slice %arg3[%add3A_304] : memref<640000xi32, #tpu.memory_space<hbm>> -> memref<128xi32, #tpu.memory_space<hbm>>
        tpu.enqueue_dma source(%dma_start3A_306 : memref<128xi32, #tpu.memory_space<hbm>>) target(%arg9 : memref<128xi32, #tpu.memory_space<vmem>>) target_semaphore(%arg18 : memref<!tpu.dma_semaphore, #tpu.memory_space<semaphore_mem>>)
        %dma_start3A_307 = tpu.memref_slice %arg4[%add3A_301] : memref<320000xi32, #tpu.memory_space<hbm>> -> memref<128xi32, #tpu.memory_space<hbm>>
        %dma_start3A_308 = tpu.memref_slice %arg4[%add3A_301] : memref<320000xi32, #tpu.memory_space<hbm>> -> memref<128xi32, #tpu.memory_space<hbm>>
        tpu.enqueue_dma source(%dma_start3A_308 : memref<128xi32, #tpu.memory_space<hbm>>) target(%arg12 : memref<128xi32, #tpu.memory_space<vmem>>) target_semaphore(%arg18 : memref<!tpu.dma_semaphore, #tpu.memory_space<semaphore_mem>>)
      } else {
      }
      %mul3A_228 = arith.constant 6 : i32
      %mul3A_229 = arith.muli %mul3A_228, %scan3A_90 : i32
      %add3A_230 = arith.constant 4 : i32
      %add3A_231 = arith.addi %mul3A_229, %add3A_230 : i32
      %add3A_232 = arith.constant 1 : i32
      %add3A_233 = arith.addi %add3A_231, %add3A_232 : i32
      %lt3A_234 = arith.constant 156 : i32
      %lt3A_235 = arith.cmpi slt, %add3A_233, %lt3A_234 : i32
      %convert_element_type3A_236 = arith.extui %lt3A_235 : i1 to i32
      %cond3A_237 = arith.constant 0 : i32
      %cond3A_238 = arith.cmpi ne, %convert_element_type3A_236, %cond3A_237 : i32
      scf.if %cond3A_238 {
        %dma_wait3A_297 = arith.constant 0 : i32
        %dma_wait3A_298 = tpu.memref_slice %arg3[%dma_wait3A_297] : memref<640000xi32, #tpu.memory_space<hbm>> -> memref<128xi32, #tpu.memory_space<hbm>>
        %dma_wait3A_299 = arith.constant 0 : i32
        %dma_wait3A_300 = tpu.memref_slice %arg3[%dma_wait3A_299] : memref<640000xi32, #tpu.memory_space<hbm>> -> memref<128xi32, #tpu.memory_space<hbm>>
        tpu.wait_dma2 semaphore(%arg18 : memref<!tpu.dma_semaphore, #tpu.memory_space<semaphore_mem>>) src(%dma_wait3A_300 : memref<128xi32, #tpu.memory_space<hbm>>) dst(%arg9 : memref<128xi32, #tpu.memory_space<vmem>>)
        %dma_wait3A_301 = arith.constant 0 : i32
        %dma_wait3A_302 = tpu.memref_slice %arg4[%dma_wait3A_301] : memref<320000xi32, #tpu.memory_space<hbm>> -> memref<128xi32, #tpu.memory_space<hbm>>
        %dma_wait3A_303 = arith.constant 0 : i32
        %dma_wait3A_304 = tpu.memref_slice %arg4[%dma_wait3A_303] : memref<320000xi32, #tpu.memory_space<hbm>> -> memref<128xi32, #tpu.memory_space<hbm>>
        tpu.wait_dma2 semaphore(%arg18 : memref<!tpu.dma_semaphore, #tpu.memory_space<semaphore_mem>>) src(%dma_wait3A_304 : memref<128xi32, #tpu.memory_space<hbm>>) dst(%arg12 : memref<128xi32, #tpu.memory_space<vmem>>)
      } else {
      }
      %dma_wait3A_239 = arith.constant 0 : i32
      %dma_wait3A_240 = arith.constant 0 : i32
      %dma_wait3A_241 = tpu.memref_slice %arg17[%dma_wait3A_239, %dma_wait3A_240] : memref<10240x128xf32, #tpu.memory_space<vmem_shared>> -> memref<10240x128xf32, #tpu.memory_space<vmem_shared>>
      tpu.wait_indirect_dma semaphore(%arg20 : memref<!tpu.dma_semaphore, #tpu.memory_space<semaphore_mem>>) src(%arg14 : memref<128x128xf32, #tpu.memory_space<vmem>>) dst(%dma_wait3A_241 : memref<10240x128xf32, #tpu.memory_space<vmem_shared>>)
      %add3A_242 = arith.constant 1 : i32
      %add3A_243 = arith.addi %add3A_231, %add3A_242 : i32
      %lt3A_244 = arith.constant 156 : i32
      %lt3A_245 = arith.cmpi slt, %add3A_243, %lt3A_244 : i32
      %convert_element_type3A_246 = arith.extui %lt3A_245 : i1 to i32
      %cond3A_247 = arith.constant 0 : i32
      %cond3A_248 = arith.cmpi ne, %convert_element_type3A_246, %cond3A_247 : i32
      scf.if %cond3A_248 {
        %dma_start3A_297 = arith.constant 0 : i32
        %dma_start3A_298 = arith.constant 0 : i32
        %dma_start3A_299 = tpu.memref_slice %arg2[%dma_start3A_297, %dma_start3A_298] : memref<20000x128xf32, #tpu.memory_space<hbm>> -> memref<20000x128xf32, #tpu.memory_space<hbm>>
        tpu.enqueue_indirect_dma source(%dma_start3A_299 : memref<20000x128xf32, #tpu.memory_space<hbm>>) target(%arg14 : memref<128x128xf32, #tpu.memory_space<vmem>>) offsets(%arg9 : memref<128xi32, #tpu.memory_space<vmem>>) semaphore(%arg19 : memref<!tpu.dma_semaphore, #tpu.memory_space<semaphore_mem>>)
      } else {
      }
      %dma_wait3A_249 = arith.constant 0 : i32
      %dma_wait3A_250 = arith.constant 0 : i32
      %dma_wait3A_251 = tpu.memref_slice %arg2[%dma_wait3A_249, %dma_wait3A_250] : memref<20000x128xf32, #tpu.memory_space<hbm>> -> memref<20000x128xf32, #tpu.memory_space<hbm>>
      tpu.wait_indirect_dma semaphore(%arg19 : memref<!tpu.dma_semaphore, #tpu.memory_space<semaphore_mem>>) src(%dma_wait3A_251 : memref<20000x128xf32, #tpu.memory_space<hbm>>) dst(%arg13 : memref<128x128xf32, #tpu.memory_space<vmem>>)
      %dma_start3A_252 = arith.constant 0 : i32
      %dma_start3A_253 = arith.constant 0 : i32
      %dma_start3A_254 = tpu.memref_slice %arg17[%dma_start3A_252, %dma_start3A_253] : memref<10240x128xf32, #tpu.memory_space<vmem_shared>> -> memref<10240x128xf32, #tpu.memory_space<vmem_shared>>
      tpu.enqueue_indirect_dma source(%arg13 : memref<128x128xf32, #tpu.memory_space<vmem>>) target(%dma_start3A_254 : memref<10240x128xf32, #tpu.memory_space<vmem_shared>>) offsets(%arg11 : memref<128xi32, #tpu.memory_space<vmem>>) semaphore(%arg20 : memref<!tpu.dma_semaphore, #tpu.memory_space<semaphore_mem>>) {add = true}
      %add3A_255 = arith.constant 2 : i32
      %add3A_256 = arith.addi %add3A_231, %add3A_255 : i32
      %lt3A_257 = arith.constant 156 : i32
      %lt3A_258 = arith.cmpi slt, %add3A_256, %lt3A_257 : i32
      %convert_element_type3A_259 = arith.extui %lt3A_258 : i1 to i32
      %cond3A_260 = arith.constant 0 : i32
      %cond3A_261 = arith.cmpi ne, %convert_element_type3A_259, %cond3A_260 : i32
      scf.if %cond3A_261 {
        %add3A_297 = arith.constant 2 : i32
        %add3A_298 = arith.addi %add3A_231, %add3A_297 : i32
        %mul3A_299 = arith.constant 128 : i32
        %mul3A_300 = arith.muli %add3A_298, %mul3A_299 : i32
        %add3A_301 = arith.addi %mul3A_0, %mul3A_300 : i32
        %mul3A_302 = arith.constant 320000 : i32
        %mul3A_303 = arith.muli %arg0, %mul3A_302 : i32
        %add3A_304 = arith.addi %mul3A_303, %add3A_301 : i32
        %dma_start3A_305 = tpu.memref_slice %arg3[%add3A_304] : memref<640000xi32, #tpu.memory_space<hbm>> -> memref<128xi32, #tpu.memory_space<hbm>>
        %dma_start3A_306 = tpu.memref_slice %arg3[%add3A_304] : memref<640000xi32, #tpu.memory_space<hbm>> -> memref<128xi32, #tpu.memory_space<hbm>>
        tpu.enqueue_dma source(%dma_start3A_306 : memref<128xi32, #tpu.memory_space<hbm>>) target(%arg7 : memref<128xi32, #tpu.memory_space<vmem>>) target_semaphore(%arg18 : memref<!tpu.dma_semaphore, #tpu.memory_space<semaphore_mem>>)
        %dma_start3A_307 = tpu.memref_slice %arg4[%add3A_301] : memref<320000xi32, #tpu.memory_space<hbm>> -> memref<128xi32, #tpu.memory_space<hbm>>
        %dma_start3A_308 = tpu.memref_slice %arg4[%add3A_301] : memref<320000xi32, #tpu.memory_space<hbm>> -> memref<128xi32, #tpu.memory_space<hbm>>
        tpu.enqueue_dma source(%dma_start3A_308 : memref<128xi32, #tpu.memory_space<hbm>>) target(%arg10 : memref<128xi32, #tpu.memory_space<vmem>>) target_semaphore(%arg18 : memref<!tpu.dma_semaphore, #tpu.memory_space<semaphore_mem>>)
      } else {
      }
      %mul3A_262 = arith.constant 6 : i32
      %mul3A_263 = arith.muli %mul3A_262, %scan3A_90 : i32
      %add3A_264 = arith.constant 5 : i32
      %add3A_265 = arith.addi %mul3A_263, %add3A_264 : i32
      %add3A_266 = arith.constant 1 : i32
      %add3A_267 = arith.addi %add3A_265, %add3A_266 : i32
      %lt3A_268 = arith.constant 156 : i32
      %lt3A_269 = arith.cmpi slt, %add3A_267, %lt3A_268 : i32
      %convert_element_type3A_270 = arith.extui %lt3A_269 : i1 to i32
      %cond3A_271 = arith.constant 0 : i32
      %cond3A_272 = arith.cmpi ne, %convert_element_type3A_270, %cond3A_271 : i32
      scf.if %cond3A_272 {
        %dma_wait3A_297 = arith.constant 0 : i32
        %dma_wait3A_298 = tpu.memref_slice %arg3[%dma_wait3A_297] : memref<640000xi32, #tpu.memory_space<hbm>> -> memref<128xi32, #tpu.memory_space<hbm>>
        %dma_wait3A_299 = arith.constant 0 : i32
        %dma_wait3A_300 = tpu.memref_slice %arg3[%dma_wait3A_299] : memref<640000xi32, #tpu.memory_space<hbm>> -> memref<128xi32, #tpu.memory_space<hbm>>
        tpu.wait_dma2 semaphore(%arg18 : memref<!tpu.dma_semaphore, #tpu.memory_space<semaphore_mem>>) src(%dma_wait3A_300 : memref<128xi32, #tpu.memory_space<hbm>>) dst(%arg7 : memref<128xi32, #tpu.memory_space<vmem>>)
        %dma_wait3A_301 = arith.constant 0 : i32
        %dma_wait3A_302 = tpu.memref_slice %arg4[%dma_wait3A_301] : memref<320000xi32, #tpu.memory_space<hbm>> -> memref<128xi32, #tpu.memory_space<hbm>>
        %dma_wait3A_303 = arith.constant 0 : i32
        %dma_wait3A_304 = tpu.memref_slice %arg4[%dma_wait3A_303] : memref<320000xi32, #tpu.memory_space<hbm>> -> memref<128xi32, #tpu.memory_space<hbm>>
        tpu.wait_dma2 semaphore(%arg18 : memref<!tpu.dma_semaphore, #tpu.memory_space<semaphore_mem>>) src(%dma_wait3A_304 : memref<128xi32, #tpu.memory_space<hbm>>) dst(%arg10 : memref<128xi32, #tpu.memory_space<vmem>>)
      } else {
      }
      %dma_wait3A_273 = arith.constant 0 : i32
      %dma_wait3A_274 = arith.constant 0 : i32
      %dma_wait3A_275 = tpu.memref_slice %arg17[%dma_wait3A_273, %dma_wait3A_274] : memref<10240x128xf32, #tpu.memory_space<vmem_shared>> -> memref<10240x128xf32, #tpu.memory_space<vmem_shared>>
      tpu.wait_indirect_dma semaphore(%arg20 : memref<!tpu.dma_semaphore, #tpu.memory_space<semaphore_mem>>) src(%arg13 : memref<128x128xf32, #tpu.memory_space<vmem>>) dst(%dma_wait3A_275 : memref<10240x128xf32, #tpu.memory_space<vmem_shared>>)
      %add3A_276 = arith.constant 1 : i32
      %add3A_277 = arith.addi %add3A_265, %add3A_276 : i32
      %lt3A_278 = arith.constant 156 : i32
      %lt3A_279 = arith.cmpi slt, %add3A_277, %lt3A_278 : i32
      %convert_element_type3A_280 = arith.extui %lt3A_279 : i1 to i32
      %cond3A_281 = arith.constant 0 : i32
      %cond3A_282 = arith.cmpi ne, %convert_element_type3A_280, %cond3A_281 : i32
      scf.if %cond3A_282 {
        %dma_start3A_297 = arith.constant 0 : i32
        %dma_start3A_298 = arith.constant 0 : i32
        %dma_start3A_299 = tpu.memref_slice %arg2[%dma_start3A_297, %dma_start3A_298] : memref<20000x128xf32, #tpu.memory_space<hbm>> -> memref<20000x128xf32, #tpu.memory_space<hbm>>
        tpu.enqueue_indirect_dma source(%dma_start3A_299 : memref<20000x128xf32, #tpu.memory_space<hbm>>) target(%arg13 : memref<128x128xf32, #tpu.memory_space<vmem>>) offsets(%arg7 : memref<128xi32, #tpu.memory_space<vmem>>) semaphore(%arg19 : memref<!tpu.dma_semaphore, #tpu.memory_space<semaphore_mem>>)
      } else {
      }
      %dma_wait3A_283 = arith.constant 0 : i32
      %dma_wait3A_284 = arith.constant 0 : i32
      %dma_wait3A_285 = tpu.memref_slice %arg2[%dma_wait3A_283, %dma_wait3A_284] : memref<20000x128xf32, #tpu.memory_space<hbm>> -> memref<20000x128xf32, #tpu.memory_space<hbm>>
      tpu.wait_indirect_dma semaphore(%arg19 : memref<!tpu.dma_semaphore, #tpu.memory_space<semaphore_mem>>) src(%dma_wait3A_285 : memref<20000x128xf32, #tpu.memory_space<hbm>>) dst(%arg14 : memref<128x128xf32, #tpu.memory_space<vmem>>)
      %dma_start3A_286 = arith.constant 0 : i32
      %dma_start3A_287 = arith.constant 0 : i32
      %dma_start3A_288 = tpu.memref_slice %arg17[%dma_start3A_286, %dma_start3A_287] : memref<10240x128xf32, #tpu.memory_space<vmem_shared>> -> memref<10240x128xf32, #tpu.memory_space<vmem_shared>>
      tpu.enqueue_indirect_dma source(%arg14 : memref<128x128xf32, #tpu.memory_space<vmem>>) target(%dma_start3A_288 : memref<10240x128xf32, #tpu.memory_space<vmem_shared>>) offsets(%arg12 : memref<128xi32, #tpu.memory_space<vmem>>) semaphore(%arg20 : memref<!tpu.dma_semaphore, #tpu.memory_space<semaphore_mem>>) {add = true}
      %add3A_289 = arith.constant 2 : i32
      %add3A_290 = arith.addi %add3A_265, %add3A_289 : i32
      %lt3A_291 = arith.constant 156 : i32
      %lt3A_292 = arith.cmpi slt, %add3A_290, %lt3A_291 : i32
      %convert_element_type3A_293 = arith.extui %lt3A_292 : i1 to i32
      %cond3A_294 = arith.constant 0 : i32
      %cond3A_295 = arith.cmpi ne, %convert_element_type3A_293, %cond3A_294 : i32
      scf.if %cond3A_295 {
        %add3A_297 = arith.constant 2 : i32
        %add3A_298 = arith.addi %add3A_265, %add3A_297 : i32
        %mul3A_299 = arith.constant 128 : i32
        %mul3A_300 = arith.muli %add3A_298, %mul3A_299 : i32
        %add3A_301 = arith.addi %mul3A_0, %mul3A_300 : i32
        %mul3A_302 = arith.constant 320000 : i32
        %mul3A_303 = arith.muli %arg0, %mul3A_302 : i32
        %add3A_304 = arith.addi %mul3A_303, %add3A_301 : i32
        %dma_start3A_305 = tpu.memref_slice %arg3[%add3A_304] : memref<640000xi32, #tpu.memory_space<hbm>> -> memref<128xi32, #tpu.memory_space<hbm>>
        %dma_start3A_306 = tpu.memref_slice %arg3[%add3A_304] : memref<640000xi32, #tpu.memory_space<hbm>> -> memref<128xi32, #tpu.memory_space<hbm>>
        tpu.enqueue_dma source(%dma_start3A_306 : memref<128xi32, #tpu.memory_space<hbm>>) target(%arg8 : memref<128xi32, #tpu.memory_space<vmem>>) target_semaphore(%arg18 : memref<!tpu.dma_semaphore, #tpu.memory_space<semaphore_mem>>)
        %dma_start3A_307 = tpu.memref_slice %arg4[%add3A_301] : memref<320000xi32, #tpu.memory_space<hbm>> -> memref<128xi32, #tpu.memory_space<hbm>>
        %dma_start3A_308 = tpu.memref_slice %arg4[%add3A_301] : memref<320000xi32, #tpu.memory_space<hbm>> -> memref<128xi32, #tpu.memory_space<hbm>>
        tpu.enqueue_dma source(%dma_start3A_308 : memref<128xi32, #tpu.memory_space<hbm>>) target(%arg11 : memref<128xi32, #tpu.memory_space<vmem>>) target_semaphore(%arg18 : memref<!tpu.dma_semaphore, #tpu.memory_space<semaphore_mem>>)
      } else {
      }
      %scan3A_296 = arith.constant 0 : i32
      scf.yield %scan3A_296 : i32
    }
    %scan3A_59 = arith.constant 26 : i32
    %dma_wait3A_60 = arith.constant 0 : i32
    %dma_wait3A_61 = arith.constant 0 : i32
    %dma_wait3A_62 = tpu.memref_slice %arg17[%dma_wait3A_60, %dma_wait3A_61] : memref<10240x128xf32, #tpu.memory_space<vmem_shared>> -> memref<10240x128xf32, #tpu.memory_space<vmem_shared>>
    tpu.wait_indirect_dma semaphore(%arg20 : memref<!tpu.dma_semaphore, #tpu.memory_space<semaphore_mem>>) src(%arg14 : memref<128x128xf32, #tpu.memory_space<vmem>>) dst(%dma_wait3A_62 : memref<10240x128xf32, #tpu.memory_space<vmem_shared>>)
    %add3A_63 = arith.constant 19968 : i32
    %add3A_64 = arith.addi %mul3A_0, %add3A_63 : i32
    %mul3A_65 = arith.constant 320000 : i32
    %mul3A_66 = arith.muli %arg0, %mul3A_65 : i32
    %add3A_67 = arith.addi %mul3A_66, %add3A_64 : i32
    "tpu.region"() ({
      %run_scoped3A = tpu.sem_alloc : memref<!tpu.dma_semaphore, #tpu.memory_space<semaphore_mem>>
      %dma_start3A_90 = tpu.memref_slice %arg3[%add3A_67] : memref<640000xi32, #tpu.memory_space<hbm>> -> memref<32xi32, #tpu.memory_space<hbm>>
      %dma_start3A_91 = tpu.memref_slice %arg3[%add3A_67] : memref<640000xi32, #tpu.memory_space<hbm>> -> memref<32xi32, #tpu.memory_space<hbm>>
      tpu.enqueue_dma source(%dma_start3A_91 : memref<32xi32, #tpu.memory_space<hbm>>) target(%arg15 : memref<32xi32, #tpu.memory_space<vmem>>) target_semaphore(%run_scoped3A : memref<!tpu.dma_semaphore, #tpu.memory_space<semaphore_mem>>)
      %dma_wait3A_92 = tpu.memref_slice %arg3[%add3A_67] : memref<640000xi32, #tpu.memory_space<hbm>> -> memref<32xi32, #tpu.memory_space<hbm>>
      %dma_wait3A_93 = tpu.memref_slice %arg3[%add3A_67] : memref<640000xi32, #tpu.memory_space<hbm>> -> memref<32xi32, #tpu.memory_space<hbm>>
      tpu.wait_dma2 semaphore(%run_scoped3A : memref<!tpu.dma_semaphore, #tpu.memory_space<semaphore_mem>>) src(%dma_wait3A_93 : memref<32xi32, #tpu.memory_space<hbm>>) dst(%arg15 : memref<32xi32, #tpu.memory_space<vmem>>)
      tpu.yield
    }) : () -> ()
    "tpu.region"() ({
      %run_scoped3A = tpu.sem_alloc : memref<!tpu.dma_semaphore, #tpu.memory_space<semaphore_mem>>
      %dma_start3A_90 = tpu.memref_slice %arg4[%add3A_64] : memref<320000xi32, #tpu.memory_space<hbm>> -> memref<32xi32, #tpu.memory_space<hbm>>
      %dma_start3A_91 = tpu.memref_slice %arg4[%add3A_64] : memref<320000xi32, #tpu.memory_space<hbm>> -> memref<32xi32, #tpu.memory_space<hbm>>
      tpu.enqueue_dma source(%dma_start3A_91 : memref<32xi32, #tpu.memory_space<hbm>>) target(%arg16 : memref<32xi32, #tpu.memory_space<vmem>>) target_semaphore(%run_scoped3A : memref<!tpu.dma_semaphore, #tpu.memory_space<semaphore_mem>>)
      %dma_wait3A_92 = tpu.memref_slice %arg4[%add3A_64] : memref<320000xi32, #tpu.memory_space<hbm>> -> memref<32xi32, #tpu.memory_space<hbm>>
      %dma_wait3A_93 = tpu.memref_slice %arg4[%add3A_64] : memref<320000xi32, #tpu.memory_space<hbm>> -> memref<32xi32, #tpu.memory_space<hbm>>
      tpu.wait_dma2 semaphore(%run_scoped3A : memref<!tpu.dma_semaphore, #tpu.memory_space<semaphore_mem>>) src(%dma_wait3A_93 : memref<32xi32, #tpu.memory_space<hbm>>) dst(%arg16 : memref<32xi32, #tpu.memory_space<vmem>>)
      tpu.yield
    }) : () -> ()
    %dma_start3A_68 = arith.constant 0 : i32
    %dma_start3A_69 = arith.constant 0 : i32
    %dma_start3A_70 = tpu.memref_slice %arg13[%dma_start3A_68, %dma_start3A_69] : memref<128x128xf32, #tpu.memory_space<vmem>> -> memref<32x128xf32, #tpu.memory_space<vmem>>
    %dma_start3A_71 = arith.constant 0 : i32
    %dma_start3A_72 = arith.constant 0 : i32
    %dma_start3A_73 = tpu.memref_slice %arg2[%dma_start3A_71, %dma_start3A_72] : memref<20000x128xf32, #tpu.memory_space<hbm>> -> memref<20000x128xf32, #tpu.memory_space<hbm>>
    tpu.enqueue_indirect_dma source(%dma_start3A_73 : memref<20000x128xf32, #tpu.memory_space<hbm>>) target(%dma_start3A_70 : memref<32x128xf32, #tpu.memory_space<vmem>>) offsets(%arg15 : memref<32xi32, #tpu.memory_space<vmem>>) semaphore(%arg19 : memref<!tpu.dma_semaphore, #tpu.memory_space<semaphore_mem>>)
    %dma_wait3A_74 = arith.constant 0 : i32
    %dma_wait3A_75 = arith.constant 0 : i32
    %dma_wait3A_76 = tpu.memref_slice %arg13[%dma_wait3A_74, %dma_wait3A_75] : memref<128x128xf32, #tpu.memory_space<vmem>> -> memref<32x128xf32, #tpu.memory_space<vmem>>
    %dma_wait3A_77 = arith.constant 0 : i32
    %dma_wait3A_78 = arith.constant 0 : i32
    %dma_wait3A_79 = tpu.memref_slice %arg2[%dma_wait3A_77, %dma_wait3A_78] : memref<20000x128xf32, #tpu.memory_space<hbm>> -> memref<20000x128xf32, #tpu.memory_space<hbm>>
    tpu.wait_indirect_dma semaphore(%arg19 : memref<!tpu.dma_semaphore, #tpu.memory_space<semaphore_mem>>) src(%dma_wait3A_79 : memref<20000x128xf32, #tpu.memory_space<hbm>>) dst(%dma_wait3A_76 : memref<32x128xf32, #tpu.memory_space<vmem>>)
    "tpu.region"() ({
      %run_scoped3A = tpu.sem_alloc : memref<!tpu.dma_semaphore, #tpu.memory_space<semaphore_mem>>
      %dma_start3A_90 = arith.constant 0 : i32
      %dma_start3A_91 = arith.constant 0 : i32
      %dma_start3A_92 = tpu.memref_slice %arg13[%dma_start3A_90, %dma_start3A_91] : memref<128x128xf32, #tpu.memory_space<vmem>> -> memref<32x128xf32, #tpu.memory_space<vmem>>
      %dma_start3A_93 = arith.constant 0 : i32
      %dma_start3A_94 = arith.constant 0 : i32
      %dma_start3A_95 = tpu.memref_slice %arg17[%dma_start3A_93, %dma_start3A_94] : memref<10240x128xf32, #tpu.memory_space<vmem_shared>> -> memref<10240x128xf32, #tpu.memory_space<vmem_shared>>
      tpu.enqueue_indirect_dma source(%dma_start3A_92 : memref<32x128xf32, #tpu.memory_space<vmem>>) target(%dma_start3A_95 : memref<10240x128xf32, #tpu.memory_space<vmem_shared>>) offsets(%arg16 : memref<32xi32, #tpu.memory_space<vmem>>) semaphore(%run_scoped3A : memref<!tpu.dma_semaphore, #tpu.memory_space<semaphore_mem>>) {add = true}
      %dma_wait3A_96 = arith.constant 0 : i32
      %dma_wait3A_97 = arith.constant 0 : i32
      %dma_wait3A_98 = tpu.memref_slice %arg13[%dma_wait3A_96, %dma_wait3A_97] : memref<128x128xf32, #tpu.memory_space<vmem>> -> memref<32x128xf32, #tpu.memory_space<vmem>>
      %dma_wait3A_99 = arith.constant 0 : i32
      %dma_wait3A_100 = arith.constant 0 : i32
      %dma_wait3A_101 = tpu.memref_slice %arg17[%dma_wait3A_99, %dma_wait3A_100] : memref<10240x128xf32, #tpu.memory_space<vmem_shared>> -> memref<10240x128xf32, #tpu.memory_space<vmem_shared>>
      tpu.wait_indirect_dma semaphore(%run_scoped3A : memref<!tpu.dma_semaphore, #tpu.memory_space<semaphore_mem>>) src(%dma_wait3A_98 : memref<32x128xf32, #tpu.memory_space<vmem>>) dst(%dma_wait3A_101 : memref<10240x128xf32, #tpu.memory_space<vmem_shared>>)
      tpu.yield
    }) : () -> ()
    %barrier3A_80 = arith.constant 0 : index
    tpu.barrier barrier_id(%barrier3A_80)
    %mul3A_81 = arith.constant 640 : i32
    %mul3A_82 = arith.muli %arg1, %mul3A_81 : i32
    %eq3A = arith.constant 0 : i32
    %eq3A_83 = arith.cmpi eq, %arg0, %eq3A : i32
    %convert_element_type3A = arith.extui %eq3A_83 : i1 to i32
    %cond3A = arith.constant 0 : i32
    %cond3A_84 = arith.cmpi ne, %convert_element_type3A, %cond3A : i32
    scf.if %cond3A_84 {
      "tpu.region"() ({
        %run_scoped3A = tpu.sem_alloc : memref<!tpu.dma_semaphore, #tpu.memory_space<semaphore_mem>>
        %dma_start3A_90 = arith.constant 0 : i32
        %dma_start3A_91 = tpu.memref_slice %arg5[%mul3A_82, %dma_start3A_90] : memref<10240x128xf32, #tpu.memory_space<hbm>> -> memref<640x128xf32, #tpu.memory_space<hbm>>
        %dma_start3A_92 = arith.constant 0 : i32
        %dma_start3A_93 = tpu.memref_slice %arg17[%mul3A_82, %dma_start3A_92] : memref<10240x128xf32, #tpu.memory_space<vmem_shared>> -> memref<640x128xf32, #tpu.memory_space<vmem_shared>>
        tpu.enqueue_dma source(%dma_start3A_93 : memref<640x128xf32, #tpu.memory_space<vmem_shared>>) target(%dma_start3A_91 : memref<640x128xf32, #tpu.memory_space<hbm>>) target_semaphore(%run_scoped3A : memref<!tpu.dma_semaphore, #tpu.memory_space<semaphore_mem>>)
        %dma_wait3A_94 = arith.constant 0 : i32
        %dma_wait3A_95 = tpu.memref_slice %arg5[%mul3A_82, %dma_wait3A_94] : memref<10240x128xf32, #tpu.memory_space<hbm>> -> memref<640x128xf32, #tpu.memory_space<hbm>>
        %dma_wait3A_96 = arith.constant 0 : i32
        %dma_wait3A_97 = tpu.memref_slice %arg17[%mul3A_82, %dma_wait3A_96] : memref<10240x128xf32, #tpu.memory_space<vmem_shared>> -> memref<640x128xf32, #tpu.memory_space<vmem_shared>>
        tpu.wait_dma2 semaphore(%run_scoped3A : memref<!tpu.dma_semaphore, #tpu.memory_space<semaphore_mem>>) src(%dma_wait3A_97 : memref<640x128xf32, #tpu.memory_space<vmem_shared>>) dst(%dma_wait3A_95 : memref<640x128xf32, #tpu.memory_space<hbm>>)
        tpu.yield
      }) : () -> ()
    } else {
    }
    %eq3A_85 = arith.constant 1 : i32
    %eq3A_86 = arith.cmpi eq, %arg0, %eq3A_85 : i32
    %convert_element_type3A_87 = arith.extui %eq3A_86 : i1 to i32
    %cond3A_88 = arith.constant 0 : i32
    %cond3A_89 = arith.cmpi ne, %convert_element_type3A_87, %cond3A_88 : i32
    scf.if %cond3A_89 {
      "tpu.region"() ({
        %run_scoped3A = tpu.sem_alloc : memref<!tpu.dma_semaphore, #tpu.memory_space<semaphore_mem>>
        %dma_start3A_90 = arith.constant 0 : i32
        %dma_start3A_91 = tpu.memref_slice %arg6[%mul3A_82, %dma_start3A_90] : memref<10240x128xf32, #tpu.memory_space<hbm>> -> memref<640x128xf32, #tpu.memory_space<hbm>>
        %dma_start3A_92 = arith.constant 0 : i32
        %dma_start3A_93 = tpu.memref_slice %arg17[%mul3A_82, %dma_start3A_92] : memref<10240x128xf32, #tpu.memory_space<vmem_shared>> -> memref<640x128xf32, #tpu.memory_space<vmem_shared>>
        tpu.enqueue_dma source(%dma_start3A_93 : memref<640x128xf32, #tpu.memory_space<vmem_shared>>) target(%dma_start3A_91 : memref<640x128xf32, #tpu.memory_space<hbm>>) target_semaphore(%run_scoped3A : memref<!tpu.dma_semaphore, #tpu.memory_space<semaphore_mem>>)
        %dma_wait3A_94 = arith.constant 0 : i32
        %dma_wait3A_95 = tpu.memref_slice %arg6[%mul3A_82, %dma_wait3A_94] : memref<10240x128xf32, #tpu.memory_space<hbm>> -> memref<640x128xf32, #tpu.memory_space<hbm>>
        %dma_wait3A_96 = arith.constant 0 : i32
        %dma_wait3A_97 = tpu.memref_slice %arg17[%mul3A_82, %dma_wait3A_96] : memref<10240x128xf32, #tpu.memory_space<vmem_shared>> -> memref<640x128xf32, #tpu.memory_space<vmem_shared>>
        tpu.wait_dma2 semaphore(%run_scoped3A : memref<!tpu.dma_semaphore, #tpu.memory_space<semaphore_mem>>) src(%dma_wait3A_97 : memref<640x128xf32, #tpu.memory_space<vmem_shared>>) dst(%dma_wait3A_95 : memref<640x128xf32, #tpu.memory_space<hbm>>)
        tpu.yield
      }) : () -> ()
    } else {
    }
    return
  }
}

#map = affine_map<(d0, d1) -> (0, 0)>
#map1 = affine_map<(d0, d1) -> (0)>
module attributes {stable_mosaic.version = 14 : i64} {
  func.func @_sc_body(%arg0: i32, %arg1: i32, %arg2: memref<20000x128xf32, #tpu.memory_space<hbm>>, %arg3: memref<640000xi32, #tpu.memory_space<hbm>>, %arg4: memref<320000xi32, #tpu.memory_space<hbm>>, %arg5: memref<10240x128xf32, #tpu.memory_space<hbm>>, %arg6: memref<10240x128xf32, #tpu.memory_space<hbm>>, %arg7: memref<128xi32, #tpu.memory_space<vmem>>, %arg8: memref<128xi32, #tpu.memory_space<vmem>>, %arg9: memref<128xi32, #tpu.memory_space<vmem>>, %arg10: memref<128xi32, #tpu.memory_space<vmem>>, %arg11: memref<128xi32, #tpu.memory_space<vmem>>, %arg12: memref<128xi32, #tpu.memory_space<vmem>>, %arg13: memref<128x128xf32, #tpu.memory_space<vmem>>, %arg14: memref<128x128xf32, #tpu.memory_space<vmem>>, %arg15: memref<32xi32, #tpu.memory_space<vmem>>, %arg16: memref<32xi32, #tpu.memory_space<vmem>>, %arg17: memref<10240x128xf32, #tpu.memory_space<vmem_shared>>, %arg18: memref<!tpu.dma_semaphore, #tpu.memory_space<semaphore_mem>>, %arg19: memref<!tpu.dma_semaphore, #tpu.memory_space<semaphore_mem>>, %arg20: memref<!tpu.dma_semaphore, #tpu.memory_space<semaphore_mem>>) attributes {dimension_semantics = [#tpu.dimension_semantics<core_parallel>, #tpu.dimension_semantics<subcore_parallel>], iteration_bounds = array<i64: 2, 16>, scalar_prefetch = 0 : i64, scratch_operands = 14 : i64, tpu.core_type = #tpu.core_type<sc_vector_subcore>, window_params = [{transform_indices = #map}, {transform_indices = #map1}, {transform_indices = #map1}, {transform_indices = #map}, {transform_indices = #map}]} {
    %mul3A = arith.constant 20000 : i32
    %mul3A_0 = arith.muli %arg1, %mul3A : i32
    %add3A = arith.constant 0 : i32
    %add3A_1 = arith.addi %mul3A_0, %add3A : i32
    %mul3A_2 = arith.constant 320000 : i32
    %mul3A_3 = arith.muli %arg0, %mul3A_2 : i32
    %add3A_4 = arith.addi %mul3A_3, %add3A_1 : i32
    %dma_start3A = tpu.memref_slice %arg3[%add3A_4] : memref<640000xi32, #tpu.memory_space<hbm>> -> memref<128xi32, #tpu.memory_space<hbm>>
    %dma_start3A_5 = tpu.memref_slice %arg3[%add3A_4] : memref<640000xi32, #tpu.memory_space<hbm>> -> memref<128xi32, #tpu.memory_space<hbm>>
    tpu.enqueue_dma source(%dma_start3A_5 : memref<128xi32, #tpu.memory_space<hbm>>) target(%arg7 : memref<128xi32, #tpu.memory_space<vmem>>) target_semaphore(%arg18 : memref<!tpu.dma_semaphore, #tpu.memory_space<semaphore_mem>>)
    %dma_start3A_6 = tpu.memref_slice %arg4[%add3A_1] : memref<320000xi32, #tpu.memory_space<hbm>> -> memref<128xi32, #tpu.memory_space<hbm>>
    %dma_start3A_7 = tpu.memref_slice %arg4[%add3A_1] : memref<320000xi32, #tpu.memory_space<hbm>> -> memref<128xi32, #tpu.memory_space<hbm>>
    tpu.enqueue_dma source(%dma_start3A_7 : memref<128xi32, #tpu.memory_space<hbm>>) target(%arg10 : memref<128xi32, #tpu.memory_space<vmem>>) target_semaphore(%arg18 : memref<!tpu.dma_semaphore, #tpu.memory_space<semaphore_mem>>)
    %add3A_8 = arith.constant 128 : i32
    %add3A_9 = arith.addi %mul3A_0, %add3A_8 : i32
    %mul3A_10 = arith.constant 320000 : i32
    %mul3A_11 = arith.muli %arg0, %mul3A_10 : i32
    %add3A_12 = arith.addi %mul3A_11, %add3A_9 : i32
    %dma_start3A_13 = tpu.memref_slice %arg3[%add3A_12] : memref<640000xi32, #tpu.memory_space<hbm>> -> memref<128xi32, #tpu.memory_space<hbm>>
    %dma_start3A_14 = tpu.memref_slice %arg3[%add3A_12] : memref<640000xi32, #tpu.memory_space<hbm>> -> memref<128xi32, #tpu.memory_space<hbm>>
    tpu.enqueue_dma source(%dma_start3A_14 : memref<128xi32, #tpu.memory_space<hbm>>) target(%arg8 : memref<128xi32, #tpu.memory_space<vmem>>) target_semaphore(%arg18 : memref<!tpu.dma_semaphore, #tpu.memory_space<semaphore_mem>>)
    %dma_start3A_15 = tpu.memref_slice %arg4[%add3A_9] : memref<320000xi32, #tpu.memory_space<hbm>> -> memref<128xi32, #tpu.memory_space<hbm>>
    %dma_start3A_16 = tpu.memref_slice %arg4[%add3A_9] : memref<320000xi32, #tpu.memory_space<hbm>> -> memref<128xi32, #tpu.memory_space<hbm>>
    tpu.enqueue_dma source(%dma_start3A_16 : memref<128xi32, #tpu.memory_space<hbm>>) target(%arg11 : memref<128xi32, #tpu.memory_space<vmem>>) target_semaphore(%arg18 : memref<!tpu.dma_semaphore, #tpu.memory_space<semaphore_mem>>)
    %scan3A = arith.constant 0 : i32
    %scan3A_17 = arith.constant 0 : i32
    %scan3A_18 = arith.constant 128 : i32
    %scan3A_19 = arith.addi %scan3A_17, %scan3A_18 : i32
    %scan3A_20 = arith.constant 1 : i32
    %scan3A_21 = scf.for %scan3A_90 = %scan3A_17 to %scan3A_19 step %scan3A_20 iter_args(%scan3A_91 = %scan3A) -> (i32)  : i32 {
      %broadcast_in_dim3A = arith.constant 0.000000e+00 : f32
      %broadcast_in_dim3A_92 = vector.broadcast %broadcast_in_dim3A : f32 to vector<16xf32>
      %swap3A = arith.index_cast %scan3A_90 : i32 to index
      %swap3A_93 = arith.constant 0 : index
      %swap3A_94 = tpu.vector_load %arg13[%swap3A, %swap3A_93] {strides = array<i32>} : memref<128x128xf32, #tpu.memory_space<vmem>>, vector<1x16xf32>,
      %swap3A_95 = vector.shape_cast %swap3A_94 : vector<1x16xf32> to vector<16xf32>
      %swap3A_96 = vector.shape_cast %broadcast_in_dim3A_92 : vector<16xf32> to vector<1x16xf32>
      tpu.vector_store %arg13[%swap3A, %swap3A_93], %swap3A_96 {strides = array<i32>} : memref<128x128xf32, #tpu.memory_space<vmem>>, vector<1x16xf32>,
      %broadcast_in_dim3A_97 = arith.constant 0.000000e+00 : f32
      %broadcast_in_dim3A_98 = vector.broadcast %broadcast_in_dim3A_97 : f32 to vector<16xf32>
      %swap3A_99 = arith.index_cast %scan3A_90 : i32 to index
      %swap3A_100 = arith.constant 16 : index
      %swap3A_101 = tpu.vector_load %arg13[%swap3A_99, %swap3A_100] {strides = array<i32>} : memref<128x128xf32, #tpu.memory_space<vmem>>, vector<1x16xf32>,
      %swap3A_102 = vector.shape_cast %swap3A_101 : vector<1x16xf32> to vector<16xf32>
      %swap3A_103 = vector.shape_cast %broadcast_in_dim3A_98 : vector<16xf32> to vector<1x16xf32>
      tpu.vector_store %arg13[%swap3A_99, %swap3A_100], %swap3A_103 {strides = array<i32>} : memref<128x128xf32, #tpu.memory_space<vmem>>, vector<1x16xf32>,
      %broadcast_in_dim3A_104 = arith.constant 0.000000e+00 : f32
      %broadcast_in_dim3A_105 = vector.broadcast %broadcast_in_dim3A_104 : f32 to vector<16xf32>
      %swap3A_106 = arith.index_cast %scan3A_90 : i32 to index
      %swap3A_107 = arith.constant 32 : index
      %swap3A_108 = tpu.vector_load %arg13[%swap3A_106, %swap3A_107] {strides = array<i32>} : memref<128x128xf32, #tpu.memory_space<vmem>>, vector<1x16xf32>,
      %swap3A_109 = vector.shape_cast %swap3A_108 : vector<1x16xf32> to vector<16xf32>
      %swap3A_110 = vector.shape_cast %broadcast_in_dim3A_105 : vector<16xf32> to vector<1x16xf32>
      tpu.vector_store %arg13[%swap3A_106, %swap3A_107], %swap3A_110 {strides = array<i32>} : memref<128x128xf32, #tpu.memory_space<vmem>>, vector<1x16xf32>,
      %broadcast_in_dim3A_111 = arith.constant 0.000000e+00 : f32
      %broadcast_in_dim3A_112 = vector.broadcast %broadcast_in_dim3A_111 : f32 to vector<16xf32>
      %swap3A_113 = arith.index_cast %scan3A_90 : i32 to index
      %swap3A_114 = arith.constant 48 : index
      %swap3A_115 = tpu.vector_load %arg13[%swap3A_113, %swap3A_114] {strides = array<i32>} : memref<128x128xf32, #tpu.memory_space<vmem>>, vector<1x16xf32>,
      %swap3A_116 = vector.shape_cast %swap3A_115 : vector<1x16xf32> to vector<16xf32>
      %swap3A_117 = vector.shape_cast %broadcast_in_dim3A_112 : vector<16xf32> to vector<1x16xf32>
      tpu.vector_store %arg13[%swap3A_113, %swap3A_114], %swap3A_117 {strides = array<i32>} : memref<128x128xf32, #tpu.memory_space<vmem>>, vector<1x16xf32>,
      %broadcast_in_dim3A_118 = arith.constant 0.000000e+00 : f32
      %broadcast_in_dim3A_119 = vector.broadcast %broadcast_in_dim3A_118 : f32 to vector<16xf32>
      %swap3A_120 = arith.index_cast %scan3A_90 : i32 to index
      %swap3A_121 = arith.constant 64 : index
      %swap3A_122 = tpu.vector_load %arg13[%swap3A_120, %swap3A_121] {strides = array<i32>} : memref<128x128xf32, #tpu.memory_space<vmem>>, vector<1x16xf32>,
      %swap3A_123 = vector.shape_cast %swap3A_122 : vector<1x16xf32> to vector<16xf32>
      %swap3A_124 = vector.shape_cast %broadcast_in_dim3A_119 : vector<16xf32> to vector<1x16xf32>
      tpu.vector_store %arg13[%swap3A_120, %swap3A_121], %swap3A_124 {strides = array<i32>} : memref<128x128xf32, #tpu.memory_space<vmem>>, vector<1x16xf32>,
      %broadcast_in_dim3A_125 = arith.constant 0.000000e+00 : f32
      %broadcast_in_dim3A_126 = vector.broadcast %broadcast_in_dim3A_125 : f32 to vector<16xf32>
      %swap3A_127 = arith.index_cast %scan3A_90 : i32 to index
      %swap3A_128 = arith.constant 80 : index
      %swap3A_129 = tpu.vector_load %arg13[%swap3A_127, %swap3A_128] {strides = array<i32>} : memref<128x128xf32, #tpu.memory_space<vmem>>, vector<1x16xf32>,
      %swap3A_130 = vector.shape_cast %swap3A_129 : vector<1x16xf32> to vector<16xf32>
      %swap3A_131 = vector.shape_cast %broadcast_in_dim3A_126 : vector<16xf32> to vector<1x16xf32>
      tpu.vector_store %arg13[%swap3A_127, %swap3A_128], %swap3A_131 {strides = array<i32>} : memref<128x128xf32, #tpu.memory_space<vmem>>, vector<1x16xf32>,
      %broadcast_in_dim3A_132 = arith.constant 0.000000e+00 : f32
      %broadcast_in_dim3A_133 = vector.broadcast %broadcast_in_dim3A_132 : f32 to vector<16xf32>
      %swap3A_134 = arith.index_cast %scan3A_90 : i32 to index
      %swap3A_135 = arith.constant 96 : index
      %swap3A_136 = tpu.vector_load %arg13[%swap3A_134, %swap3A_135] {strides = array<i32>} : memref<128x128xf32, #tpu.memory_space<vmem>>, vector<1x16xf32>,
      %swap3A_137 = vector.shape_cast %swap3A_136 : vector<1x16xf32> to vector<16xf32>
      %swap3A_138 = vector.shape_cast %broadcast_in_dim3A_133 : vector<16xf32> to vector<1x16xf32>
      tpu.vector_store %arg13[%swap3A_134, %swap3A_135], %swap3A_138 {strides = array<i32>} : memref<128x128xf32, #tpu.memory_space<vmem>>, vector<1x16xf32>,
      %broadcast_in_dim3A_139 = arith.constant 0.000000e+00 : f32
      %broadcast_in_dim3A_140 = vector.broadcast %broadcast_in_dim3A_139 : f32 to vector<16xf32>
      %swap3A_141 = arith.index_cast %scan3A_90 : i32 to index
      %swap3A_142 = arith.constant 112 : index
      %swap3A_143 = tpu.vector_load %arg13[%swap3A_141, %swap3A_142] {strides = array<i32>} : memref<128x128xf32, #tpu.memory_space<vmem>>, vector<1x16xf32>,
      %swap3A_144 = vector.shape_cast %swap3A_143 : vector<1x16xf32> to vector<16xf32>
      %swap3A_145 = vector.shape_cast %broadcast_in_dim3A_140 : vector<16xf32> to vector<1x16xf32>
      tpu.vector_store %arg13[%swap3A_141, %swap3A_142], %swap3A_145 {strides = array<i32>} : memref<128x128xf32, #tpu.memory_space<vmem>>, vector<1x16xf32>,
      %scan3A_146 = arith.constant 0 : i32
      scf.yield %scan3A_146 : i32
    }
    %scan3A_22 = arith.constant 128 : i32
    %mul3A_23 = arith.constant 640 : i32
    %mul3A_24 = arith.muli %arg1, %mul3A_23 : i32
    %add3A_25 = arith.constant 0 : i32
    %add3A_26 = arith.addi %mul3A_24, %add3A_25 : i32
    "tpu.region"() ({
      %run_scoped3A = tpu.sem_alloc : memref<!tpu.dma_semaphore, #tpu.memory_space<semaphore_mem>>
      %dma_start3A_90 = arith.constant 0 : i32
      %dma_start3A_91 = tpu.memref_slice %arg17[%add3A_26, %dma_start3A_90] : memref<10240x128xf32, #tpu.memory_space<vmem_shared>> -> memref<128x128xf32, #tpu.memory_space<vmem_shared>>
      %dma_start3A_92 = arith.constant 0 : i32
      %dma_start3A_93 = tpu.memref_slice %arg17[%add3A_26, %dma_start3A_92] : memref<10240x128xf32, #tpu.memory_space<vmem_shared>> -> memref<128x128xf32, #tpu.memory_space<vmem_shared>>
      tpu.enqueue_dma source(%arg13 : memref<128x128xf32, #tpu.memory_space<vmem>>) target(%dma_start3A_93 : memref<128x128xf32, #tpu.memory_space<vmem_shared>>) target_semaphore(%run_scoped3A : memref<!tpu.dma_semaphore, #tpu.memory_space<semaphore_mem>>)
      %dma_wait3A_94 = arith.constant 0 : i32
      %dma_wait3A_95 = tpu.memref_slice %arg17[%add3A_26, %dma_wait3A_94] : memref<10240x128xf32, #tpu.memory_space<vmem_shared>> -> memref<128x128xf32, #tpu.memory_space<vmem_shared>>
      %dma_wait3A_96 = arith.constant 0 : i32
      %dma_wait3A_97 = tpu.memref_slice %arg17[%add3A_26, %dma_wait3A_96] : memref<10240x128xf32, #tpu.memory_space<vmem_shared>> -> memref<128x128xf32, #tpu.memory_space<vmem_shared>>
      tpu.wait_dma2 semaphore(%run_scoped3A : memref<!tpu.dma_semaphore, #tpu.memory_space<semaphore_mem>>) src(%arg13 : memref<128x128xf32, #tpu.memory_space<vmem>>) dst(%dma_wait3A_97 : memref<128x128xf32, #tpu.memory_space<vmem_shared>>)
      tpu.yield
    }) : () -> ()
    %mul3A_27 = arith.constant 640 : i32
    %mul3A_28 = arith.muli %arg1, %mul3A_27 : i32
    %add3A_29 = arith.constant 128 : i32
    %add3A_30 = arith.addi %mul3A_28, %add3A_29 : i32
    "tpu.region"() ({
      %run_scoped3A = tpu.sem_alloc : memref<!tpu.dma_semaphore, #tpu.memory_space<semaphore_mem>>
      %dma_start3A_90 = arith.constant 0 : i32
      %dma_start3A_91 = tpu.memref_slice %arg17[%add3A_30, %dma_start3A_90] : memref<10240x128xf32, #tpu.memory_space<vmem_shared>> -> memref<128x128xf32, #tpu.memory_space<vmem_shared>>
      %dma_start3A_92 = arith.constant 0 : i32
      %dma_start3A_93 = tpu.memref_slice %arg17[%add3A_30, %dma_start3A_92] : memref<10240x128xf32, #tpu.memory_space<vmem_shared>> -> memref<128x128xf32, #tpu.memory_space<vmem_shared>>
      tpu.enqueue_dma source(%arg13 : memref<128x128xf32, #tpu.memory_space<vmem>>) target(%dma_start3A_93 : memref<128x128xf32, #tpu.memory_space<vmem_shared>>) target_semaphore(%run_scoped3A : memref<!tpu.dma_semaphore, #tpu.memory_space<semaphore_mem>>)
      %dma_wait3A_94 = arith.constant 0 : i32
      %dma_wait3A_95 = tpu.memref_slice %arg17[%add3A_30, %dma_wait3A_94] : memref<10240x128xf32, #tpu.memory_space<vmem_shared>> -> memref<128x128xf32, #tpu.memory_space<vmem_shared>>
      %dma_wait3A_96 = arith.constant 0 : i32
      %dma_wait3A_97 = tpu.memref_slice %arg17[%add3A_30, %dma_wait3A_96] : memref<10240x128xf32, #tpu.memory_space<vmem_shared>> -> memref<128x128xf32, #tpu.memory_space<vmem_shared>>
      tpu.wait_dma2 semaphore(%run_scoped3A : memref<!tpu.dma_semaphore, #tpu.memory_space<semaphore_mem>>) src(%arg13 : memref<128x128xf32, #tpu.memory_space<vmem>>) dst(%dma_wait3A_97 : memref<128x128xf32, #tpu.memory_space<vmem_shared>>)
      tpu.yield
    }) : () -> ()
    %mul3A_31 = arith.constant 640 : i32
    %mul3A_32 = arith.muli %arg1, %mul3A_31 : i32
    %add3A_33 = arith.constant 256 : i32
    %add3A_34 = arith.addi %mul3A_32, %add3A_33 : i32
    "tpu.region"() ({
      %run_scoped3A = tpu.sem_alloc : memref<!tpu.dma_semaphore, #tpu.memory_space<semaphore_mem>>
      %dma_start3A_90 = arith.constant 0 : i32
      %dma_start3A_91 = tpu.memref_slice %arg17[%add3A_34, %dma_start3A_90] : memref<10240x128xf32, #tpu.memory_space<vmem_shared>> -> memref<128x128xf32, #tpu.memory_space<vmem_shared>>
      %dma_start3A_92 = arith.constant 0 : i32
      %dma_start3A_93 = tpu.memref_slice %arg17[%add3A_34, %dma_start3A_92] : memref<10240x128xf32, #tpu.memory_space<vmem_shared>> -> memref<128x128xf32, #tpu.memory_space<vmem_shared>>
      tpu.enqueue_dma source(%arg13 : memref<128x128xf32, #tpu.memory_space<vmem>>) target(%dma_start3A_93 : memref<128x128xf32, #tpu.memory_space<vmem_shared>>) target_semaphore(%run_scoped3A : memref<!tpu.dma_semaphore, #tpu.memory_space<semaphore_mem>>)
      %dma_wait3A_94 = arith.constant 0 : i32
      %dma_wait3A_95 = tpu.memref_slice %arg17[%add3A_34, %dma_wait3A_94] : memref<10240x128xf32, #tpu.memory_space<vmem_shared>> -> memref<128x128xf32, #tpu.memory_space<vmem_shared>>
      %dma_wait3A_96 = arith.constant 0 : i32
      %dma_wait3A_97 = tpu.memref_slice %arg17[%add3A_34, %dma_wait3A_96] : memref<10240x128xf32, #tpu.memory_space<vmem_shared>> -> memref<128x128xf32, #tpu.memory_space<vmem_shared>>
      tpu.wait_dma2 semaphore(%run_scoped3A : memref<!tpu.dma_semaphore, #tpu.memory_space<semaphore_mem>>) src(%arg13 : memref<128x128xf32, #tpu.memory_space<vmem>>) dst(%dma_wait3A_97 : memref<128x128xf32, #tpu.memory_space<vmem_shared>>)
      tpu.yield
    }) : () -> ()
    %mul3A_35 = arith.constant 640 : i32
    %mul3A_36 = arith.muli %arg1, %mul3A_35 : i32
    %add3A_37 = arith.constant 384 : i32
    %add3A_38 = arith.addi %mul3A_36, %add3A_37 : i32
    "tpu.region"() ({
      %run_scoped3A = tpu.sem_alloc : memref<!tpu.dma_semaphore, #tpu.memory_space<semaphore_mem>>
      %dma_start3A_90 = arith.constant 0 : i32
      %dma_start3A_91 = tpu.memref_slice %arg17[%add3A_38, %dma_start3A_90] : memref<10240x128xf32, #tpu.memory_space<vmem_shared>> -> memref<128x128xf32, #tpu.memory_space<vmem_shared>>
      %dma_start3A_92 = arith.constant 0 : i32
      %dma_start3A_93 = tpu.memref_slice %arg17[%add3A_38, %dma_start3A_92] : memref<10240x128xf32, #tpu.memory_space<vmem_shared>> -> memref<128x128xf32, #tpu.memory_space<vmem_shared>>
      tpu.enqueue_dma source(%arg13 : memref<128x128xf32, #tpu.memory_space<vmem>>) target(%dma_start3A_93 : memref<128x128xf32, #tpu.memory_space<vmem_shared>>) target_semaphore(%run_scoped3A : memref<!tpu.dma_semaphore, #tpu.memory_space<semaphore_mem>>)
      %dma_wait3A_94 = arith.constant 0 : i32
      %dma_wait3A_95 = tpu.memref_slice %arg17[%add3A_38, %dma_wait3A_94] : memref<10240x128xf32, #tpu.memory_space<vmem_shared>> -> memref<128x128xf32, #tpu.memory_space<vmem_shared>>
      %dma_wait3A_96 = arith.constant 0 : i32
      %dma_wait3A_97 = tpu.memref_slice %arg17[%add3A_38, %dma_wait3A_96] : memref<10240x128xf32, #tpu.memory_space<vmem_shared>> -> memref<128x128xf32, #tpu.memory_space<vmem_shared>>
      tpu.wait_dma2 semaphore(%run_scoped3A : memref<!tpu.dma_semaphore, #tpu.memory_space<semaphore_mem>>) src(%arg13 : memref<128x128xf32, #tpu.memory_space<vmem>>) dst(%dma_wait3A_97 : memref<128x128xf32, #tpu.memory_space<vmem_shared>>)
      tpu.yield
    }) : () -> ()
    %mul3A_39 = arith.constant 640 : i32
    %mul3A_40 = arith.muli %arg1, %mul3A_39 : i32
    %add3A_41 = arith.constant 512 : i32
    %add3A_42 = arith.addi %mul3A_40, %add3A_41 : i32
    "tpu.region"() ({
      %run_scoped3A = tpu.sem_alloc : memref<!tpu.dma_semaphore, #tpu.memory_space<semaphore_mem>>
      %dma_start3A_90 = arith.constant 0 : i32
      %dma_start3A_91 = tpu.memref_slice %arg17[%add3A_42, %dma_start3A_90] : memref<10240x128xf32, #tpu.memory_space<vmem_shared>> -> memref<128x128xf32, #tpu.memory_space<vmem_shared>>
      %dma_start3A_92 = arith.constant 0 : i32
      %dma_start3A_93 = tpu.memref_slice %arg17[%add3A_42, %dma_start3A_92] : memref<10240x128xf32, #tpu.memory_space<vmem_shared>> -> memref<128x128xf32, #tpu.memory_space<vmem_shared>>
      tpu.enqueue_dma source(%arg13 : memref<128x128xf32, #tpu.memory_space<vmem>>) target(%dma_start3A_93 : memref<128x128xf32, #tpu.memory_space<vmem_shared>>) target_semaphore(%run_scoped3A : memref<!tpu.dma_semaphore, #tpu.memory_space<semaphore_mem>>)
      %dma_wait3A_94 = arith.constant 0 : i32
      %dma_wait3A_95 = tpu.memref_slice %arg17[%add3A_42, %dma_wait3A_94] : memref<10240x128xf32, #tpu.memory_space<vmem_shared>> -> memref<128x128xf32, #tpu.memory_space<vmem_shared>>
      %dma_wait3A_96 = arith.constant 0 : i32
      %dma_wait3A_97 = tpu.memref_slice %arg17[%add3A_42, %dma_wait3A_96] : memref<10240x128xf32, #tpu.memory_space<vmem_shared>> -> memref<128x128xf32, #tpu.memory_space<vmem_shared>>
      tpu.wait_dma2 semaphore(%run_scoped3A : memref<!tpu.dma_semaphore, #tpu.memory_space<semaphore_mem>>) src(%arg13 : memref<128x128xf32, #tpu.memory_space<vmem>>) dst(%dma_wait3A_97 : memref<128x128xf32, #tpu.memory_space<vmem_shared>>)
      tpu.yield
    }) : () -> ()
    %barrier3A = arith.constant 0 : index
    tpu.barrier barrier_id(%barrier3A)
    %dma_wait3A = arith.constant 0 : i32
    %dma_wait3A_43 = tpu.memref_slice %arg3[%dma_wait3A] : memref<640000xi32, #tpu.memory_space<hbm>> -> memref<128xi32, #tpu.memory_space<hbm>>
    %dma_wait3A_44 = arith.constant 0 : i32
    %dma_wait3A_45 = tpu.memref_slice %arg3[%dma_wait3A_44] : memref<640000xi32, #tpu.memory_space<hbm>> -> memref<128xi32, #tpu.memory_space<hbm>>
    tpu.wait_dma2 semaphore(%arg18 : memref<!tpu.dma_semaphore, #tpu.memory_space<semaphore_mem>>) src(%dma_wait3A_45 : memref<128xi32, #tpu.memory_space<hbm>>) dst(%arg7 : memref<128xi32, #tpu.memory_space<vmem>>)
    %dma_wait3A_46 = arith.constant 0 : i32
    %dma_wait3A_47 = tpu.memref_slice %arg4[%dma_wait3A_46] : memref<320000xi32, #tpu.memory_space<hbm>> -> memref<128xi32, #tpu.memory_space<hbm>>
    %dma_wait3A_48 = arith.constant 0 : i32
    %dma_wait3A_49 = tpu.memref_slice %arg4[%dma_wait3A_48] : memref<320000xi32, #tpu.memory_space<hbm>> -> memref<128xi32, #tpu.memory_space<hbm>>
    tpu.wait_dma2 semaphore(%arg18 : memref<!tpu.dma_semaphore, #tpu.memory_space<semaphore_mem>>) src(%dma_wait3A_49 : memref<128xi32, #tpu.memory_space<hbm>>) dst(%arg10 : memref<128xi32, #tpu.memory_space<vmem>>)
    %dma_start3A_50 = arith.constant 0 : i32
    %dma_start3A_51 = arith.constant 0 : i32
    %dma_start3A_52 = tpu.memref_slice %arg2[%dma_start3A_50, %dma_start3A_51] : memref<20000x128xf32, #tpu.memory_space<hbm>> -> memref<20000x128xf32, #tpu.memory_space<hbm>>
    tpu.enqueue_indirect_dma source(%dma_start3A_52 : memref<20000x128xf32, #tpu.memory_space<hbm>>) target(%arg13 : memref<128x128xf32, #tpu.memory_space<vmem>>) offsets(%arg7 : memref<128xi32, #tpu.memory_space<vmem>>) semaphore(%arg19 : memref<!tpu.dma_semaphore, #tpu.memory_space<semaphore_mem>>)
    %scan3A_53 = arith.constant 0 : i32
    %scan3A_54 = arith.constant 0 : i32
    %scan3A_55 = arith.constant 26 : i32
    %scan3A_56 = arith.addi %scan3A_54, %scan3A_55 : i32
    %scan3A_57 = arith.constant 1 : i32
    %scan3A_58 = scf.for %scan3A_90 = %scan3A_54 to %scan3A_56 step %scan3A_57 iter_args(%scan3A_91 = %scan3A_53) -> (i32)  : i32 {
      %mul3A_92 = arith.constant 6 : i32
      %mul3A_93 = arith.muli %mul3A_92, %scan3A_90 : i32
      %add3A_94 = arith.constant 0 : i32
      %add3A_95 = arith.addi %mul3A_93, %add3A_94 : i32
      %add3A_96 = arith.constant 1 : i32
      %add3A_97 = arith.addi %add3A_95, %add3A_96 : i32
      %lt3A = arith.constant 156 : i32
      %lt3A_98 = arith.cmpi slt, %add3A_97, %lt3A : i32
      %convert_element_type3A_99 = arith.extui %lt3A_98 : i1 to i32
      %cond3A_100 = arith.constant 0 : i32
      %cond3A_101 = arith.cmpi ne, %convert_element_type3A_99, %cond3A_100 : i32
      scf.if %cond3A_101 {
        %dma_wait3A_297 = arith.constant 0 : i32
        %dma_wait3A_298 = tpu.memref_slice %arg3[%dma_wait3A_297] : memref<640000xi32, #tpu.memory_space<hbm>> -> memref<128xi32, #tpu.memory_space<hbm>>
        %dma_wait3A_299 = arith.constant 0 : i32
        %dma_wait3A_300 = tpu.memref_slice %arg3[%dma_wait3A_299] : memref<640000xi32, #tpu.memory_space<hbm>> -> memref<128xi32, #tpu.memory_space<hbm>>
        tpu.wait_dma2 semaphore(%arg18 : memref<!tpu.dma_semaphore, #tpu.memory_space<semaphore_mem>>) src(%dma_wait3A_300 : memref<128xi32, #tpu.memory_space<hbm>>) dst(%arg8 : memref<128xi32, #tpu.memory_space<vmem>>)
        %dma_wait3A_301 = arith.constant 0 : i32
        %dma_wait3A_302 = tpu.memref_slice %arg4[%dma_wait3A_301] : memref<320000xi32, #tpu.memory_space<hbm>> -> memref<128xi32, #tpu.memory_space<hbm>>
        %dma_wait3A_303 = arith.constant 0 : i32
        %dma_wait3A_304 = tpu.memref_slice %arg4[%dma_wait3A_303] : memref<320000xi32, #tpu.memory_space<hbm>> -> memref<128xi32, #tpu.memory_space<hbm>>
        tpu.wait_dma2 semaphore(%arg18 : memref<!tpu.dma_semaphore, #tpu.memory_space<semaphore_mem>>) src(%dma_wait3A_304 : memref<128xi32, #tpu.memory_space<hbm>>) dst(%arg11 : memref<128xi32, #tpu.memory_space<vmem>>)
      } else {
      }
      %gt3A = arith.constant 0 : i32
      %gt3A_102 = arith.cmpi sgt, %add3A_95, %gt3A : i32
      %convert_element_type3A_103 = arith.extui %gt3A_102 : i1 to i32
      %cond3A_104 = arith.constant 0 : i32
      %cond3A_105 = arith.cmpi ne, %convert_element_type3A_103, %cond3A_104 : i32
      scf.if %cond3A_105 {
        %dma_wait3A_297 = arith.constant 0 : i32
        %dma_wait3A_298 = arith.constant 0 : i32
        %dma_wait3A_299 = tpu.memref_slice %arg17[%dma_wait3A_297, %dma_wait3A_298] : memref<10240x128xf32, #tpu.memory_space<vmem_shared>> -> memref<10240x128xf32, #tpu.memory_space<vmem_shared>>
        tpu.wait_indirect_dma semaphore(%arg20 : memref<!tpu.dma_semaphore, #tpu.memory_space<semaphore_mem>>) src(%arg14 : memref<128x128xf32, #tpu.memory_space<vmem>>) dst(%dma_wait3A_299 : memref<10240x128xf32, #tpu.memory_space<vmem_shared>>)
      } else {
      }
      %add3A_106 = arith.constant 1 : i32
      %add3A_107 = arith.addi %add3A_95, %add3A_106 : i32
      %lt3A_108 = arith.constant 156 : i32
      %lt3A_109 = arith.cmpi slt, %add3A_107, %lt3A_108 : i32
      %convert_element_type3A_110 = arith.extui %lt3A_109 : i1 to i32
      %cond3A_111 = arith.constant 0 : i32
      %cond3A_112 = arith.cmpi ne, %convert_element_type3A_110, %cond3A_111 : i32
      scf.if %cond3A_112 {
        %dma_start3A_297 = arith.constant 0 : i32
        %dma_start3A_298 = arith.constant 0 : i32
        %dma_start3A_299 = tpu.memref_slice %arg2[%dma_start3A_297, %dma_start3A_298] : memref<20000x128xf32, #tpu.memory_space<hbm>> -> memref<20000x128xf32, #tpu.memory_space<hbm>>
        tpu.enqueue_indirect_dma source(%dma_start3A_299 : memref<20000x128xf32, #tpu.memory_space<hbm>>) target(%arg14 : memref<128x128xf32, #tpu.memory_space<vmem>>) offsets(%arg8 : memref<128xi32, #tpu.memory_space<vmem>>) semaphore(%arg19 : memref<!tpu.dma_semaphore, #tpu.memory_space<semaphore_mem>>)
      } else {
      }
      %dma_wait3A_113 = arith.constant 0 : i32
      %dma_wait3A_114 = arith.constant 0 : i32
      %dma_wait3A_115 = tpu.memref_slice %arg2[%dma_wait3A_113, %dma_wait3A_114] : memref<20000x128xf32, #tpu.memory_space<hbm>> -> memref<20000x128xf32, #tpu.memory_space<hbm>>
      tpu.wait_indirect_dma semaphore(%arg19 : memref<!tpu.dma_semaphore, #tpu.memory_space<semaphore_mem>>) src(%dma_wait3A_115 : memref<20000x128xf32, #tpu.memory_space<hbm>>) dst(%arg13 : memref<128x128xf32, #tpu.memory_space<vmem>>)
      %dma_start3A_116 = arith.constant 0 : i32
      %dma_start3A_117 = arith.constant 0 : i32
      %dma_start3A_118 = tpu.memref_slice %arg17[%dma_start3A_116, %dma_start3A_117] : memref<10240x128xf32, #tpu.memory_space<vmem_shared>> -> memref<10240x128xf32, #tpu.memory_space<vmem_shared>>
      tpu.enqueue_indirect_dma source(%arg13 : memref<128x128xf32, #tpu.memory_space<vmem>>) target(%dma_start3A_118 : memref<10240x128xf32, #tpu.memory_space<vmem_shared>>) offsets(%arg10 : memref<128xi32, #tpu.memory_space<vmem>>) semaphore(%arg20 : memref<!tpu.dma_semaphore, #tpu.memory_space<semaphore_mem>>) {add = true}
      %add3A_119 = arith.constant 2 : i32
      %add3A_120 = arith.addi %add3A_95, %add3A_119 : i32
      %lt3A_121 = arith.constant 156 : i32
      %lt3A_122 = arith.cmpi slt, %add3A_120, %lt3A_121 : i32
      %convert_element_type3A_123 = arith.extui %lt3A_122 : i1 to i32
      %cond3A_124 = arith.constant 0 : i32
      %cond3A_125 = arith.cmpi ne, %convert_element_type3A_123, %cond3A_124 : i32
      scf.if %cond3A_125 {
        %add3A_297 = arith.constant 2 : i32
        %add3A_298 = arith.addi %add3A_95, %add3A_297 : i32
        %mul3A_299 = arith.constant 128 : i32
        %mul3A_300 = arith.muli %add3A_298, %mul3A_299 : i32
        %add3A_301 = arith.addi %mul3A_0, %mul3A_300 : i32
        %mul3A_302 = arith.constant 320000 : i32
        %mul3A_303 = arith.muli %arg0, %mul3A_302 : i32
        %add3A_304 = arith.addi %mul3A_303, %add3A_301 : i32
        %dma_start3A_305 = tpu.memref_slice %arg3[%add3A_304] : memref<640000xi32, #tpu.memory_space<hbm>> -> memref<128xi32, #tpu.memory_space<hbm>>
        %dma_start3A_306 = tpu.memref_slice %arg3[%add3A_304] : memref<640000xi32, #tpu.memory_space<hbm>> -> memref<128xi32, #tpu.memory_space<hbm>>
        tpu.enqueue_dma source(%dma_start3A_306 : memref<128xi32, #tpu.memory_space<hbm>>) target(%arg9 : memref<128xi32, #tpu.memory_space<vmem>>) target_semaphore(%arg18 : memref<!tpu.dma_semaphore, #tpu.memory_space<semaphore_mem>>)
        %dma_start3A_307 = tpu.memref_slice %arg4[%add3A_301] : memref<320000xi32, #tpu.memory_space<hbm>> -> memref<128xi32, #tpu.memory_space<hbm>>
        %dma_start3A_308 = tpu.memref_slice %arg4[%add3A_301] : memref<320000xi32, #tpu.memory_space<hbm>> -> memref<128xi32, #tpu.memory_space<hbm>>
        tpu.enqueue_dma source(%dma_start3A_308 : memref<128xi32, #tpu.memory_space<hbm>>) target(%arg12 : memref<128xi32, #tpu.memory_space<vmem>>) target_semaphore(%arg18 : memref<!tpu.dma_semaphore, #tpu.memory_space<semaphore_mem>>)
      } else {
      }
      %mul3A_126 = arith.constant 6 : i32
      %mul3A_127 = arith.muli %mul3A_126, %scan3A_90 : i32
      %add3A_128 = arith.constant 1 : i32
      %add3A_129 = arith.addi %mul3A_127, %add3A_128 : i32
      %add3A_130 = arith.constant 1 : i32
      %add3A_131 = arith.addi %add3A_129, %add3A_130 : i32
      %lt3A_132 = arith.constant 156 : i32
      %lt3A_133 = arith.cmpi slt, %add3A_131, %lt3A_132 : i32
      %convert_element_type3A_134 = arith.extui %lt3A_133 : i1 to i32
      %cond3A_135 = arith.constant 0 : i32
      %cond3A_136 = arith.cmpi ne, %convert_element_type3A_134, %cond3A_135 : i32
      scf.if %cond3A_136 {
        %dma_wait3A_297 = arith.constant 0 : i32
        %dma_wait3A_298 = tpu.memref_slice %arg3[%dma_wait3A_297] : memref<640000xi32, #tpu.memory_space<hbm>> -> memref<128xi32, #tpu.memory_space<hbm>>
        %dma_wait3A_299 = arith.constant 0 : i32
        %dma_wait3A_300 = tpu.memref_slice %arg3[%dma_wait3A_299] : memref<640000xi32, #tpu.memory_space<hbm>> -> memref<128xi32, #tpu.memory_space<hbm>>
        tpu.wait_dma2 semaphore(%arg18 : memref<!tpu.dma_semaphore, #tpu.memory_space<semaphore_mem>>) src(%dma_wait3A_300 : memref<128xi32, #tpu.memory_space<hbm>>) dst(%arg9 : memref<128xi32, #tpu.memory_space<vmem>>)
        %dma_wait3A_301 = arith.constant 0 : i32
        %dma_wait3A_302 = tpu.memref_slice %arg4[%dma_wait3A_301] : memref<320000xi32, #tpu.memory_space<hbm>> -> memref<128xi32, #tpu.memory_space<hbm>>
        %dma_wait3A_303 = arith.constant 0 : i32
        %dma_wait3A_304 = tpu.memref_slice %arg4[%dma_wait3A_303] : memref<320000xi32, #tpu.memory_space<hbm>> -> memref<128xi32, #tpu.memory_space<hbm>>
        tpu.wait_dma2 semaphore(%arg18 : memref<!tpu.dma_semaphore, #tpu.memory_space<semaphore_mem>>) src(%dma_wait3A_304 : memref<128xi32, #tpu.memory_space<hbm>>) dst(%arg12 : memref<128xi32, #tpu.memory_space<vmem>>)
      } else {
      }
      %dma_wait3A_137 = arith.constant 0 : i32
      %dma_wait3A_138 = arith.constant 0 : i32
      %dma_wait3A_139 = tpu.memref_slice %arg17[%dma_wait3A_137, %dma_wait3A_138] : memref<10240x128xf32, #tpu.memory_space<vmem_shared>> -> memref<10240x128xf32, #tpu.memory_space<vmem_shared>>
      tpu.wait_indirect_dma semaphore(%arg20 : memref<!tpu.dma_semaphore, #tpu.memory_space<semaphore_mem>>) src(%arg13 : memref<128x128xf32, #tpu.memory_space<vmem>>) dst(%dma_wait3A_139 : memref<10240x128xf32, #tpu.memory_space<vmem_shared>>)
      %add3A_140 = arith.constant 1 : i32
      %add3A_141 = arith.addi %add3A_129, %add3A_140 : i32
      %lt3A_142 = arith.constant 156 : i32
      %lt3A_143 = arith.cmpi slt, %add3A_141, %lt3A_142 : i32
      %convert_element_type3A_144 = arith.extui %lt3A_143 : i1 to i32
      %cond3A_145 = arith.constant 0 : i32
      %cond3A_146 = arith.cmpi ne, %convert_element_type3A_144, %cond3A_145 : i32
      scf.if %cond3A_146 {
        %dma_start3A_297 = arith.constant 0 : i32
        %dma_start3A_298 = arith.constant 0 : i32
        %dma_start3A_299 = tpu.memref_slice %arg2[%dma_start3A_297, %dma_start3A_298] : memref<20000x128xf32, #tpu.memory_space<hbm>> -> memref<20000x128xf32, #tpu.memory_space<hbm>>
        tpu.enqueue_indirect_dma source(%dma_start3A_299 : memref<20000x128xf32, #tpu.memory_space<hbm>>) target(%arg13 : memref<128x128xf32, #tpu.memory_space<vmem>>) offsets(%arg9 : memref<128xi32, #tpu.memory_space<vmem>>) semaphore(%arg19 : memref<!tpu.dma_semaphore, #tpu.memory_space<semaphore_mem>>)
      } else {
      }
      %dma_wait3A_147 = arith.constant 0 : i32
      %dma_wait3A_148 = arith.constant 0 : i32
      %dma_wait3A_149 = tpu.memref_slice %arg2[%dma_wait3A_147, %dma_wait3A_148] : memref<20000x128xf32, #tpu.memory_space<hbm>> -> memref<20000x128xf32, #tpu.memory_space<hbm>>
      tpu.wait_indirect_dma semaphore(%arg19 : memref<!tpu.dma_semaphore, #tpu.memory_space<semaphore_mem>>) src(%dma_wait3A_149 : memref<20000x128xf32, #tpu.memory_space<hbm>>) dst(%arg14 : memref<128x128xf32, #tpu.memory_space<vmem>>)
      %dma_start3A_150 = arith.constant 0 : i32
      %dma_start3A_151 = arith.constant 0 : i32
      %dma_start3A_152 = tpu.memref_slice %arg17[%dma_start3A_150, %dma_start3A_151] : memref<10240x128xf32, #tpu.memory_space<vmem_shared>> -> memref<10240x128xf32, #tpu.memory_space<vmem_shared>>
      tpu.enqueue_indirect_dma source(%arg14 : memref<128x128xf32, #tpu.memory_space<vmem>>) target(%dma_start3A_152 : memref<10240x128xf32, #tpu.memory_space<vmem_shared>>) offsets(%arg11 : memref<128xi32, #tpu.memory_space<vmem>>) semaphore(%arg20 : memref<!tpu.dma_semaphore, #tpu.memory_space<semaphore_mem>>) {add = true}
      %add3A_153 = arith.constant 2 : i32
      %add3A_154 = arith.addi %add3A_129, %add3A_153 : i32
      %lt3A_155 = arith.constant 156 : i32
      %lt3A_156 = arith.cmpi slt, %add3A_154, %lt3A_155 : i32
      %convert_element_type3A_157 = arith.extui %lt3A_156 : i1 to i32
      %cond3A_158 = arith.constant 0 : i32
      %cond3A_159 = arith.cmpi ne, %convert_element_type3A_157, %cond3A_158 : i32
      scf.if %cond3A_159 {
        %add3A_297 = arith.constant 2 : i32
        %add3A_298 = arith.addi %add3A_129, %add3A_297 : i32
        %mul3A_299 = arith.constant 128 : i32
        %mul3A_300 = arith.muli %add3A_298, %mul3A_299 : i32
        %add3A_301 = arith.addi %mul3A_0, %mul3A_300 : i32
        %mul3A_302 = arith.constant 320000 : i32
        %mul3A_303 = arith.muli %arg0, %mul3A_302 : i32
        %add3A_304 = arith.addi %mul3A_303, %add3A_301 : i32
        %dma_start3A_305 = tpu.memref_slice %arg3[%add3A_304] : memref<640000xi32, #tpu.memory_space<hbm>> -> memref<128xi32, #tpu.memory_space<hbm>>
        %dma_start3A_306 = tpu.memref_slice %arg3[%add3A_304] : memref<640000xi32, #tpu.memory_space<hbm>> -> memref<128xi32, #tpu.memory_space<hbm>>
        tpu.enqueue_dma source(%dma_start3A_306 : memref<128xi32, #tpu.memory_space<hbm>>) target(%arg7 : memref<128xi32, #tpu.memory_space<vmem>>) target_semaphore(%arg18 : memref<!tpu.dma_semaphore, #tpu.memory_space<semaphore_mem>>)
        %dma_start3A_307 = tpu.memref_slice %arg4[%add3A_301] : memref<320000xi32, #tpu.memory_space<hbm>> -> memref<128xi32, #tpu.memory_space<hbm>>
        %dma_start3A_308 = tpu.memref_slice %arg4[%add3A_301] : memref<320000xi32, #tpu.memory_space<hbm>> -> memref<128xi32, #tpu.memory_space<hbm>>
        tpu.enqueue_dma source(%dma_start3A_308 : memref<128xi32, #tpu.memory_space<hbm>>) target(%arg10 : memref<128xi32, #tpu.memory_space<vmem>>) target_semaphore(%arg18 : memref<!tpu.dma_semaphore, #tpu.memory_space<semaphore_mem>>)
      } else {
      }
      %mul3A_160 = arith.constant 6 : i32
      %mul3A_161 = arith.muli %mul3A_160, %scan3A_90 : i32
      %add3A_162 = arith.constant 2 : i32
      %add3A_163 = arith.addi %mul3A_161, %add3A_162 : i32
      %add3A_164 = arith.constant 1 : i32
      %add3A_165 = arith.addi %add3A_163, %add3A_164 : i32
      %lt3A_166 = arith.constant 156 : i32
      %lt3A_167 = arith.cmpi slt, %add3A_165, %lt3A_166 : i32
      %convert_element_type3A_168 = arith.extui %lt3A_167 : i1 to i32
      %cond3A_169 = arith.constant 0 : i32
      %cond3A_170 = arith.cmpi ne, %convert_element_type3A_168, %cond3A_169 : i32
      scf.if %cond3A_170 {
        %dma_wait3A_297 = arith.constant 0 : i32
        %dma_wait3A_298 = tpu.memref_slice %arg3[%dma_wait3A_297] : memref<640000xi32, #tpu.memory_space<hbm>> -> memref<128xi32, #tpu.memory_space<hbm>>
        %dma_wait3A_299 = arith.constant 0 : i32
        %dma_wait3A_300 = tpu.memref_slice %arg3[%dma_wait3A_299] : memref<640000xi32, #tpu.memory_space<hbm>> -> memref<128xi32, #tpu.memory_space<hbm>>
        tpu.wait_dma2 semaphore(%arg18 : memref<!tpu.dma_semaphore, #tpu.memory_space<semaphore_mem>>) src(%dma_wait3A_300 : memref<128xi32, #tpu.memory_space<hbm>>) dst(%arg7 : memref<128xi32, #tpu.memory_space<vmem>>)
        %dma_wait3A_301 = arith.constant 0 : i32
        %dma_wait3A_302 = tpu.memref_slice %arg4[%dma_wait3A_301] : memref<320000xi32, #tpu.memory_space<hbm>> -> memref<128xi32, #tpu.memory_space<hbm>>
        %dma_wait3A_303 = arith.constant 0 : i32
        %dma_wait3A_304 = tpu.memref_slice %arg4[%dma_wait3A_303] : memref<320000xi32, #tpu.memory_space<hbm>> -> memref<128xi32, #tpu.memory_space<hbm>>
        tpu.wait_dma2 semaphore(%arg18 : memref<!tpu.dma_semaphore, #tpu.memory_space<semaphore_mem>>) src(%dma_wait3A_304 : memref<128xi32, #tpu.memory_space<hbm>>) dst(%arg10 : memref<128xi32, #tpu.memory_space<vmem>>)
      } else {
      }
      %dma_wait3A_171 = arith.constant 0 : i32
      %dma_wait3A_172 = arith.constant 0 : i32
      %dma_wait3A_173 = tpu.memref_slice %arg17[%dma_wait3A_171, %dma_wait3A_172] : memref<10240x128xf32, #tpu.memory_space<vmem_shared>> -> memref<10240x128xf32, #tpu.memory_space<vmem_shared>>
      tpu.wait_indirect_dma semaphore(%arg20 : memref<!tpu.dma_semaphore, #tpu.memory_space<semaphore_mem>>) src(%arg14 : memref<128x128xf32, #tpu.memory_space<vmem>>) dst(%dma_wait3A_173 : memref<10240x128xf32, #tpu.memory_space<vmem_shared>>)
      %add3A_174 = arith.constant 1 : i32
      %add3A_175 = arith.addi %add3A_163, %add3A_174 : i32
      %lt3A_176 = arith.constant 156 : i32
      %lt3A_177 = arith.cmpi slt, %add3A_175, %lt3A_176 : i32
      %convert_element_type3A_178 = arith.extui %lt3A_177 : i1 to i32
      %cond3A_179 = arith.constant 0 : i32
      %cond3A_180 = arith.cmpi ne, %convert_element_type3A_178, %cond3A_179 : i32
      scf.if %cond3A_180 {
        %dma_start3A_297 = arith.constant 0 : i32
        %dma_start3A_298 = arith.constant 0 : i32
        %dma_start3A_299 = tpu.memref_slice %arg2[%dma_start3A_297, %dma_start3A_298] : memref<20000x128xf32, #tpu.memory_space<hbm>> -> memref<20000x128xf32, #tpu.memory_space<hbm>>
        tpu.enqueue_indirect_dma source(%dma_start3A_299 : memref<20000x128xf32, #tpu.memory_space<hbm>>) target(%arg14 : memref<128x128xf32, #tpu.memory_space<vmem>>) offsets(%arg7 : memref<128xi32, #tpu.memory_space<vmem>>) semaphore(%arg19 : memref<!tpu.dma_semaphore, #tpu.memory_space<semaphore_mem>>)
      } else {
      }
      %dma_wait3A_181 = arith.constant 0 : i32
      %dma_wait3A_182 = arith.constant 0 : i32
      %dma_wait3A_183 = tpu.memref_slice %arg2[%dma_wait3A_181, %dma_wait3A_182] : memref<20000x128xf32, #tpu.memory_space<hbm>> -> memref<20000x128xf32, #tpu.memory_space<hbm>>
      tpu.wait_indirect_dma semaphore(%arg19 : memref<!tpu.dma_semaphore, #tpu.memory_space<semaphore_mem>>) src(%dma_wait3A_183 : memref<20000x128xf32, #tpu.memory_space<hbm>>) dst(%arg13 : memref<128x128xf32, #tpu.memory_space<vmem>>)
      %dma_start3A_184 = arith.constant 0 : i32
      %dma_start3A_185 = arith.constant 0 : i32
      %dma_start3A_186 = tpu.memref_slice %arg17[%dma_start3A_184, %dma_start3A_185] : memref<10240x128xf32, #tpu.memory_space<vmem_shared>> -> memref<10240x128xf32, #tpu.memory_space<vmem_shared>>
      tpu.enqueue_indirect_dma source(%arg13 : memref<128x128xf32, #tpu.memory_space<vmem>>) target(%dma_start3A_186 : memref<10240x128xf32, #tpu.memory_space<vmem_shared>>) offsets(%arg12 : memref<128xi32, #tpu.memory_space<vmem>>) semaphore(%arg20 : memref<!tpu.dma_semaphore, #tpu.memory_space<semaphore_mem>>) {add = true}
      %add3A_187 = arith.constant 2 : i32
      %add3A_188 = arith.addi %add3A_163, %add3A_187 : i32
      %lt3A_189 = arith.constant 156 : i32
      %lt3A_190 = arith.cmpi slt, %add3A_188, %lt3A_189 : i32
      %convert_element_type3A_191 = arith.extui %lt3A_190 : i1 to i32
      %cond3A_192 = arith.constant 0 : i32
      %cond3A_193 = arith.cmpi ne, %convert_element_type3A_191, %cond3A_192 : i32
      scf.if %cond3A_193 {
        %add3A_297 = arith.constant 2 : i32
        %add3A_298 = arith.addi %add3A_163, %add3A_297 : i32
        %mul3A_299 = arith.constant 128 : i32
        %mul3A_300 = arith.muli %add3A_298, %mul3A_299 : i32
        %add3A_301 = arith.addi %mul3A_0, %mul3A_300 : i32
        %mul3A_302 = arith.constant 320000 : i32
        %mul3A_303 = arith.muli %arg0, %mul3A_302 : i32
        %add3A_304 = arith.addi %mul3A_303, %add3A_301 : i32
        %dma_start3A_305 = tpu.memref_slice %arg3[%add3A_304] : memref<640000xi32, #tpu.memory_space<hbm>> -> memref<128xi32, #tpu.memory_space<hbm>>
        %dma_start3A_306 = tpu.memref_slice %arg3[%add3A_304] : memref<640000xi32, #tpu.memory_space<hbm>> -> memref<128xi32, #tpu.memory_space<hbm>>
        tpu.enqueue_dma source(%dma_start3A_306 : memref<128xi32, #tpu.memory_space<hbm>>) target(%arg8 : memref<128xi32, #tpu.memory_space<vmem>>) target_semaphore(%arg18 : memref<!tpu.dma_semaphore, #tpu.memory_space<semaphore_mem>>)
        %dma_start3A_307 = tpu.memref_slice %arg4[%add3A_301] : memref<320000xi32, #tpu.memory_space<hbm>> -> memref<128xi32, #tpu.memory_space<hbm>>
        %dma_start3A_308 = tpu.memref_slice %arg4[%add3A_301] : memref<320000xi32, #tpu.memory_space<hbm>> -> memref<128xi32, #tpu.memory_space<hbm>>
        tpu.enqueue_dma source(%dma_start3A_308 : memref<128xi32, #tpu.memory_space<hbm>>) target(%arg11 : memref<128xi32, #tpu.memory_space<vmem>>) target_semaphore(%arg18 : memref<!tpu.dma_semaphore, #tpu.memory_space<semaphore_mem>>)
      } else {
      }
      %mul3A_194 = arith.constant 6 : i32
      %mul3A_195 = arith.muli %mul3A_194, %scan3A_90 : i32
      %add3A_196 = arith.constant 3 : i32
      %add3A_197 = arith.addi %mul3A_195, %add3A_196 : i32
      %add3A_198 = arith.constant 1 : i32
      %add3A_199 = arith.addi %add3A_197, %add3A_198 : i32
      %lt3A_200 = arith.constant 156 : i32
      %lt3A_201 = arith.cmpi slt, %add3A_199, %lt3A_200 : i32
      %convert_element_type3A_202 = arith.extui %lt3A_201 : i1 to i32
      %cond3A_203 = arith.constant 0 : i32
      %cond3A_204 = arith.cmpi ne, %convert_element_type3A_202, %cond3A_203 : i32
      scf.if %cond3A_204 {
        %dma_wait3A_297 = arith.constant 0 : i32
        %dma_wait3A_298 = tpu.memref_slice %arg3[%dma_wait3A_297] : memref<640000xi32, #tpu.memory_space<hbm>> -> memref<128xi32, #tpu.memory_space<hbm>>
        %dma_wait3A_299 = arith.constant 0 : i32
        %dma_wait3A_300 = tpu.memref_slice %arg3[%dma_wait3A_299] : memref<640000xi32, #tpu.memory_space<hbm>> -> memref<128xi32, #tpu.memory_space<hbm>>
        tpu.wait_dma2 semaphore(%arg18 : memref<!tpu.dma_semaphore, #tpu.memory_space<semaphore_mem>>) src(%dma_wait3A_300 : memref<128xi32, #tpu.memory_space<hbm>>) dst(%arg8 : memref<128xi32, #tpu.memory_space<vmem>>)
        %dma_wait3A_301 = arith.constant 0 : i32
        %dma_wait3A_302 = tpu.memref_slice %arg4[%dma_wait3A_301] : memref<320000xi32, #tpu.memory_space<hbm>> -> memref<128xi32, #tpu.memory_space<hbm>>
        %dma_wait3A_303 = arith.constant 0 : i32
        %dma_wait3A_304 = tpu.memref_slice %arg4[%dma_wait3A_303] : memref<320000xi32, #tpu.memory_space<hbm>> -> memref<128xi32, #tpu.memory_space<hbm>>
        tpu.wait_dma2 semaphore(%arg18 : memref<!tpu.dma_semaphore, #tpu.memory_space<semaphore_mem>>) src(%dma_wait3A_304 : memref<128xi32, #tpu.memory_space<hbm>>) dst(%arg11 : memref<128xi32, #tpu.memory_space<vmem>>)
      } else {
      }
      %dma_wait3A_205 = arith.constant 0 : i32
      %dma_wait3A_206 = arith.constant 0 : i32
      %dma_wait3A_207 = tpu.memref_slice %arg17[%dma_wait3A_205, %dma_wait3A_206] : memref<10240x128xf32, #tpu.memory_space<vmem_shared>> -> memref<10240x128xf32, #tpu.memory_space<vmem_shared>>
      tpu.wait_indirect_dma semaphore(%arg20 : memref<!tpu.dma_semaphore, #tpu.memory_space<semaphore_mem>>) src(%arg13 : memref<128x128xf32, #tpu.memory_space<vmem>>) dst(%dma_wait3A_207 : memref<10240x128xf32, #tpu.memory_space<vmem_shared>>)
      %add3A_208 = arith.constant 1 : i32
      %add3A_209 = arith.addi %add3A_197, %add3A_208 : i32
      %lt3A_210 = arith.constant 156 : i32
      %lt3A_211 = arith.cmpi slt, %add3A_209, %lt3A_210 : i32
      %convert_element_type3A_212 = arith.extui %lt3A_211 : i1 to i32
      %cond3A_213 = arith.constant 0 : i32
      %cond3A_214 = arith.cmpi ne, %convert_element_type3A_212, %cond3A_213 : i32
      scf.if %cond3A_214 {
        %dma_start3A_297 = arith.constant 0 : i32
        %dma_start3A_298 = arith.constant 0 : i32
        %dma_start3A_299 = tpu.memref_slice %arg2[%dma_start3A_297, %dma_start3A_298] : memref<20000x128xf32, #tpu.memory_space<hbm>> -> memref<20000x128xf32, #tpu.memory_space<hbm>>
        tpu.enqueue_indirect_dma source(%dma_start3A_299 : memref<20000x128xf32, #tpu.memory_space<hbm>>) target(%arg13 : memref<128x128xf32, #tpu.memory_space<vmem>>) offsets(%arg8 : memref<128xi32, #tpu.memory_space<vmem>>) semaphore(%arg19 : memref<!tpu.dma_semaphore, #tpu.memory_space<semaphore_mem>>)
      } else {
      }
      %dma_wait3A_215 = arith.constant 0 : i32
      %dma_wait3A_216 = arith.constant 0 : i32
      %dma_wait3A_217 = tpu.memref_slice %arg2[%dma_wait3A_215, %dma_wait3A_216] : memref<20000x128xf32, #tpu.memory_space<hbm>> -> memref<20000x128xf32, #tpu.memory_space<hbm>>
      tpu.wait_indirect_dma semaphore(%arg19 : memref<!tpu.dma_semaphore, #tpu.memory_space<semaphore_mem>>) src(%dma_wait3A_217 : memref<20000x128xf32, #tpu.memory_space<hbm>>) dst(%arg14 : memref<128x128xf32, #tpu.memory_space<vmem>>)
      %dma_start3A_218 = arith.constant 0 : i32
      %dma_start3A_219 = arith.constant 0 : i32
      %dma_start3A_220 = tpu.memref_slice %arg17[%dma_start3A_218, %dma_start3A_219] : memref<10240x128xf32, #tpu.memory_space<vmem_shared>> -> memref<10240x128xf32, #tpu.memory_space<vmem_shared>>
      tpu.enqueue_indirect_dma source(%arg14 : memref<128x128xf32, #tpu.memory_space<vmem>>) target(%dma_start3A_220 : memref<10240x128xf32, #tpu.memory_space<vmem_shared>>) offsets(%arg10 : memref<128xi32, #tpu.memory_space<vmem>>) semaphore(%arg20 : memref<!tpu.dma_semaphore, #tpu.memory_space<semaphore_mem>>) {add = true}
      %add3A_221 = arith.constant 2 : i32
      %add3A_222 = arith.addi %add3A_197, %add3A_221 : i32
      %lt3A_223 = arith.constant 156 : i32
      %lt3A_224 = arith.cmpi slt, %add3A_222, %lt3A_223 : i32
      %convert_element_type3A_225 = arith.extui %lt3A_224 : i1 to i32
      %cond3A_226 = arith.constant 0 : i32
      %cond3A_227 = arith.cmpi ne, %convert_element_type3A_225, %cond3A_226 : i32
      scf.if %cond3A_227 {
        %add3A_297 = arith.constant 2 : i32
        %add3A_298 = arith.addi %add3A_197, %add3A_297 : i32
        %mul3A_299 = arith.constant 128 : i32
        %mul3A_300 = arith.muli %add3A_298, %mul3A_299 : i32
        %add3A_301 = arith.addi %mul3A_0, %mul3A_300 : i32
        %mul3A_302 = arith.constant 320000 : i32
        %mul3A_303 = arith.muli %arg0, %mul3A_302 : i32
        %add3A_304 = arith.addi %mul3A_303, %add3A_301 : i32
        %dma_start3A_305 = tpu.memref_slice %arg3[%add3A_304] : memref<640000xi32, #tpu.memory_space<hbm>> -> memref<128xi32, #tpu.memory_space<hbm>>
        %dma_start3A_306 = tpu.memref_slice %arg3[%add3A_304] : memref<640000xi32, #tpu.memory_space<hbm>> -> memref<128xi32, #tpu.memory_space<hbm>>
        tpu.enqueue_dma source(%dma_start3A_306 : memref<128xi32, #tpu.memory_space<hbm>>) target(%arg9 : memref<128xi32, #tpu.memory_space<vmem>>) target_semaphore(%arg18 : memref<!tpu.dma_semaphore, #tpu.memory_space<semaphore_mem>>)
        %dma_start3A_307 = tpu.memref_slice %arg4[%add3A_301] : memref<320000xi32, #tpu.memory_space<hbm>> -> memref<128xi32, #tpu.memory_space<hbm>>
        %dma_start3A_308 = tpu.memref_slice %arg4[%add3A_301] : memref<320000xi32, #tpu.memory_space<hbm>> -> memref<128xi32, #tpu.memory_space<hbm>>
        tpu.enqueue_dma source(%dma_start3A_308 : memref<128xi32, #tpu.memory_space<hbm>>) target(%arg12 : memref<128xi32, #tpu.memory_space<vmem>>) target_semaphore(%arg18 : memref<!tpu.dma_semaphore, #tpu.memory_space<semaphore_mem>>)
      } else {
      }
      %mul3A_228 = arith.constant 6 : i32
      %mul3A_229 = arith.muli %mul3A_228, %scan3A_90 : i32
      %add3A_230 = arith.constant 4 : i32
      %add3A_231 = arith.addi %mul3A_229, %add3A_230 : i32
      %add3A_232 = arith.constant 1 : i32
      %add3A_233 = arith.addi %add3A_231, %add3A_232 : i32
      %lt3A_234 = arith.constant 156 : i32
      %lt3A_235 = arith.cmpi slt, %add3A_233, %lt3A_234 : i32
      %convert_element_type3A_236 = arith.extui %lt3A_235 : i1 to i32
      %cond3A_237 = arith.constant 0 : i32
      %cond3A_238 = arith.cmpi ne, %convert_element_type3A_236, %cond3A_237 : i32
      scf.if %cond3A_238 {
        %dma_wait3A_297 = arith.constant 0 : i32
        %dma_wait3A_298 = tpu.memref_slice %arg3[%dma_wait3A_297] : memref<640000xi32, #tpu.memory_space<hbm>> -> memref<128xi32, #tpu.memory_space<hbm>>
        %dma_wait3A_299 = arith.constant 0 : i32
        %dma_wait3A_300 = tpu.memref_slice %arg3[%dma_wait3A_299] : memref<640000xi32, #tpu.memory_space<hbm>> -> memref<128xi32, #tpu.memory_space<hbm>>
        tpu.wait_dma2 semaphore(%arg18 : memref<!tpu.dma_semaphore, #tpu.memory_space<semaphore_mem>>) src(%dma_wait3A_300 : memref<128xi32, #tpu.memory_space<hbm>>) dst(%arg9 : memref<128xi32, #tpu.memory_space<vmem>>)
        %dma_wait3A_301 = arith.constant 0 : i32
        %dma_wait3A_302 = tpu.memref_slice %arg4[%dma_wait3A_301] : memref<320000xi32, #tpu.memory_space<hbm>> -> memref<128xi32, #tpu.memory_space<hbm>>
        %dma_wait3A_303 = arith.constant 0 : i32
        %dma_wait3A_304 = tpu.memref_slice %arg4[%dma_wait3A_303] : memref<320000xi32, #tpu.memory_space<hbm>> -> memref<128xi32, #tpu.memory_space<hbm>>
        tpu.wait_dma2 semaphore(%arg18 : memref<!tpu.dma_semaphore, #tpu.memory_space<semaphore_mem>>) src(%dma_wait3A_304 : memref<128xi32, #tpu.memory_space<hbm>>) dst(%arg12 : memref<128xi32, #tpu.memory_space<vmem>>)
      } else {
      }
      %dma_wait3A_239 = arith.constant 0 : i32
      %dma_wait3A_240 = arith.constant 0 : i32
      %dma_wait3A_241 = tpu.memref_slice %arg17[%dma_wait3A_239, %dma_wait3A_240] : memref<10240x128xf32, #tpu.memory_space<vmem_shared>> -> memref<10240x128xf32, #tpu.memory_space<vmem_shared>>
      tpu.wait_indirect_dma semaphore(%arg20 : memref<!tpu.dma_semaphore, #tpu.memory_space<semaphore_mem>>) src(%arg14 : memref<128x128xf32, #tpu.memory_space<vmem>>) dst(%dma_wait3A_241 : memref<10240x128xf32, #tpu.memory_space<vmem_shared>>)
      %add3A_242 = arith.constant 1 : i32
      %add3A_243 = arith.addi %add3A_231, %add3A_242 : i32
      %lt3A_244 = arith.constant 156 : i32
      %lt3A_245 = arith.cmpi slt, %add3A_243, %lt3A_244 : i32
      %convert_element_type3A_246 = arith.extui %lt3A_245 : i1 to i32
      %cond3A_247 = arith.constant 0 : i32
      %cond3A_248 = arith.cmpi ne, %convert_element_type3A_246, %cond3A_247 : i32
      scf.if %cond3A_248 {
        %dma_start3A_297 = arith.constant 0 : i32
        %dma_start3A_298 = arith.constant 0 : i32
        %dma_start3A_299 = tpu.memref_slice %arg2[%dma_start3A_297, %dma_start3A_298] : memref<20000x128xf32, #tpu.memory_space<hbm>> -> memref<20000x128xf32, #tpu.memory_space<hbm>>
        tpu.enqueue_indirect_dma source(%dma_start3A_299 : memref<20000x128xf32, #tpu.memory_space<hbm>>) target(%arg14 : memref<128x128xf32, #tpu.memory_space<vmem>>) offsets(%arg9 : memref<128xi32, #tpu.memory_space<vmem>>) semaphore(%arg19 : memref<!tpu.dma_semaphore, #tpu.memory_space<semaphore_mem>>)
      } else {
      }
      %dma_wait3A_249 = arith.constant 0 : i32
      %dma_wait3A_250 = arith.constant 0 : i32
      %dma_wait3A_251 = tpu.memref_slice %arg2[%dma_wait3A_249, %dma_wait3A_250] : memref<20000x128xf32, #tpu.memory_space<hbm>> -> memref<20000x128xf32, #tpu.memory_space<hbm>>
      tpu.wait_indirect_dma semaphore(%arg19 : memref<!tpu.dma_semaphore, #tpu.memory_space<semaphore_mem>>) src(%dma_wait3A_251 : memref<20000x128xf32, #tpu.memory_space<hbm>>) dst(%arg13 : memref<128x128xf32, #tpu.memory_space<vmem>>)
      %dma_start3A_252 = arith.constant 0 : i32
      %dma_start3A_253 = arith.constant 0 : i32
      %dma_start3A_254 = tpu.memref_slice %arg17[%dma_start3A_252, %dma_start3A_253] : memref<10240x128xf32, #tpu.memory_space<vmem_shared>> -> memref<10240x128xf32, #tpu.memory_space<vmem_shared>>
      tpu.enqueue_indirect_dma source(%arg13 : memref<128x128xf32, #tpu.memory_space<vmem>>) target(%dma_start3A_254 : memref<10240x128xf32, #tpu.memory_space<vmem_shared>>) offsets(%arg11 : memref<128xi32, #tpu.memory_space<vmem>>) semaphore(%arg20 : memref<!tpu.dma_semaphore, #tpu.memory_space<semaphore_mem>>) {add = true}
      %add3A_255 = arith.constant 2 : i32
      %add3A_256 = arith.addi %add3A_231, %add3A_255 : i32
      %lt3A_257 = arith.constant 156 : i32
      %lt3A_258 = arith.cmpi slt, %add3A_256, %lt3A_257 : i32
      %convert_element_type3A_259 = arith.extui %lt3A_258 : i1 to i32
      %cond3A_260 = arith.constant 0 : i32
      %cond3A_261 = arith.cmpi ne, %convert_element_type3A_259, %cond3A_260 : i32
      scf.if %cond3A_261 {
        %add3A_297 = arith.constant 2 : i32
        %add3A_298 = arith.addi %add3A_231, %add3A_297 : i32
        %mul3A_299 = arith.constant 128 : i32
        %mul3A_300 = arith.muli %add3A_298, %mul3A_299 : i32
        %add3A_301 = arith.addi %mul3A_0, %mul3A_300 : i32
        %mul3A_302 = arith.constant 320000 : i32
        %mul3A_303 = arith.muli %arg0, %mul3A_302 : i32
        %add3A_304 = arith.addi %mul3A_303, %add3A_301 : i32
        %dma_start3A_305 = tpu.memref_slice %arg3[%add3A_304] : memref<640000xi32, #tpu.memory_space<hbm>> -> memref<128xi32, #tpu.memory_space<hbm>>
        %dma_start3A_306 = tpu.memref_slice %arg3[%add3A_304] : memref<640000xi32, #tpu.memory_space<hbm>> -> memref<128xi32, #tpu.memory_space<hbm>>
        tpu.enqueue_dma source(%dma_start3A_306 : memref<128xi32, #tpu.memory_space<hbm>>) target(%arg7 : memref<128xi32, #tpu.memory_space<vmem>>) target_semaphore(%arg18 : memref<!tpu.dma_semaphore, #tpu.memory_space<semaphore_mem>>)
        %dma_start3A_307 = tpu.memref_slice %arg4[%add3A_301] : memref<320000xi32, #tpu.memory_space<hbm>> -> memref<128xi32, #tpu.memory_space<hbm>>
        %dma_start3A_308 = tpu.memref_slice %arg4[%add3A_301] : memref<320000xi32, #tpu.memory_space<hbm>> -> memref<128xi32, #tpu.memory_space<hbm>>
        tpu.enqueue_dma source(%dma_start3A_308 : memref<128xi32, #tpu.memory_space<hbm>>) target(%arg10 : memref<128xi32, #tpu.memory_space<vmem>>) target_semaphore(%arg18 : memref<!tpu.dma_semaphore, #tpu.memory_space<semaphore_mem>>)
      } else {
      }
      %mul3A_262 = arith.constant 6 : i32
      %mul3A_263 = arith.muli %mul3A_262, %scan3A_90 : i32
      %add3A_264 = arith.constant 5 : i32
      %add3A_265 = arith.addi %mul3A_263, %add3A_264 : i32
      %add3A_266 = arith.constant 1 : i32
      %add3A_267 = arith.addi %add3A_265, %add3A_266 : i32
      %lt3A_268 = arith.constant 156 : i32
      %lt3A_269 = arith.cmpi slt, %add3A_267, %lt3A_268 : i32
      %convert_element_type3A_270 = arith.extui %lt3A_269 : i1 to i32
      %cond3A_271 = arith.constant 0 : i32
      %cond3A_272 = arith.cmpi ne, %convert_element_type3A_270, %cond3A_271 : i32
      scf.if %cond3A_272 {
        %dma_wait3A_297 = arith.constant 0 : i32
        %dma_wait3A_298 = tpu.memref_slice %arg3[%dma_wait3A_297] : memref<640000xi32, #tpu.memory_space<hbm>> -> memref<128xi32, #tpu.memory_space<hbm>>
        %dma_wait3A_299 = arith.constant 0 : i32
        %dma_wait3A_300 = tpu.memref_slice %arg3[%dma_wait3A_299] : memref<640000xi32, #tpu.memory_space<hbm>> -> memref<128xi32, #tpu.memory_space<hbm>>
        tpu.wait_dma2 semaphore(%arg18 : memref<!tpu.dma_semaphore, #tpu.memory_space<semaphore_mem>>) src(%dma_wait3A_300 : memref<128xi32, #tpu.memory_space<hbm>>) dst(%arg7 : memref<128xi32, #tpu.memory_space<vmem>>)
        %dma_wait3A_301 = arith.constant 0 : i32
        %dma_wait3A_302 = tpu.memref_slice %arg4[%dma_wait3A_301] : memref<320000xi32, #tpu.memory_space<hbm>> -> memref<128xi32, #tpu.memory_space<hbm>>
        %dma_wait3A_303 = arith.constant 0 : i32
        %dma_wait3A_304 = tpu.memref_slice %arg4[%dma_wait3A_303] : memref<320000xi32, #tpu.memory_space<hbm>> -> memref<128xi32, #tpu.memory_space<hbm>>
        tpu.wait_dma2 semaphore(%arg18 : memref<!tpu.dma_semaphore, #tpu.memory_space<semaphore_mem>>) src(%dma_wait3A_304 : memref<128xi32, #tpu.memory_space<hbm>>) dst(%arg10 : memref<128xi32, #tpu.memory_space<vmem>>)
      } else {
      }
      %dma_wait3A_273 = arith.constant 0 : i32
      %dma_wait3A_274 = arith.constant 0 : i32
      %dma_wait3A_275 = tpu.memref_slice %arg17[%dma_wait3A_273, %dma_wait3A_274] : memref<10240x128xf32, #tpu.memory_space<vmem_shared>> -> memref<10240x128xf32, #tpu.memory_space<vmem_shared>>
      tpu.wait_indirect_dma semaphore(%arg20 : memref<!tpu.dma_semaphore, #tpu.memory_space<semaphore_mem>>) src(%arg13 : memref<128x128xf32, #tpu.memory_space<vmem>>) dst(%dma_wait3A_275 : memref<10240x128xf32, #tpu.memory_space<vmem_shared>>)
      %add3A_276 = arith.constant 1 : i32
      %add3A_277 = arith.addi %add3A_265, %add3A_276 : i32
      %lt3A_278 = arith.constant 156 : i32
      %lt3A_279 = arith.cmpi slt, %add3A_277, %lt3A_278 : i32
      %convert_element_type3A_280 = arith.extui %lt3A_279 : i1 to i32
      %cond3A_281 = arith.constant 0 : i32
      %cond3A_282 = arith.cmpi ne, %convert_element_type3A_280, %cond3A_281 : i32
      scf.if %cond3A_282 {
        %dma_start3A_297 = arith.constant 0 : i32
        %dma_start3A_298 = arith.constant 0 : i32
        %dma_start3A_299 = tpu.memref_slice %arg2[%dma_start3A_297, %dma_start3A_298] : memref<20000x128xf32, #tpu.memory_space<hbm>> -> memref<20000x128xf32, #tpu.memory_space<hbm>>
        tpu.enqueue_indirect_dma source(%dma_start3A_299 : memref<20000x128xf32, #tpu.memory_space<hbm>>) target(%arg13 : memref<128x128xf32, #tpu.memory_space<vmem>>) offsets(%arg7 : memref<128xi32, #tpu.memory_space<vmem>>) semaphore(%arg19 : memref<!tpu.dma_semaphore, #tpu.memory_space<semaphore_mem>>)
      } else {
      }
      %dma_wait3A_283 = arith.constant 0 : i32
      %dma_wait3A_284 = arith.constant 0 : i32
      %dma_wait3A_285 = tpu.memref_slice %arg2[%dma_wait3A_283, %dma_wait3A_284] : memref<20000x128xf32, #tpu.memory_space<hbm>> -> memref<20000x128xf32, #tpu.memory_space<hbm>>
      tpu.wait_indirect_dma semaphore(%arg19 : memref<!tpu.dma_semaphore, #tpu.memory_space<semaphore_mem>>) src(%dma_wait3A_285 : memref<20000x128xf32, #tpu.memory_space<hbm>>) dst(%arg14 : memref<128x128xf32, #tpu.memory_space<vmem>>)
      %dma_start3A_286 = arith.constant 0 : i32
      %dma_start3A_287 = arith.constant 0 : i32
      %dma_start3A_288 = tpu.memref_slice %arg17[%dma_start3A_286, %dma_start3A_287] : memref<10240x128xf32, #tpu.memory_space<vmem_shared>> -> memref<10240x128xf32, #tpu.memory_space<vmem_shared>>
      tpu.enqueue_indirect_dma source(%arg14 : memref<128x128xf32, #tpu.memory_space<vmem>>) target(%dma_start3A_288 : memref<10240x128xf32, #tpu.memory_space<vmem_shared>>) offsets(%arg12 : memref<128xi32, #tpu.memory_space<vmem>>) semaphore(%arg20 : memref<!tpu.dma_semaphore, #tpu.memory_space<semaphore_mem>>) {add = true}
      %add3A_289 = arith.constant 2 : i32
      %add3A_290 = arith.addi %add3A_265, %add3A_289 : i32
      %lt3A_291 = arith.constant 156 : i32
      %lt3A_292 = arith.cmpi slt, %add3A_290, %lt3A_291 : i32
      %convert_element_type3A_293 = arith.extui %lt3A_292 : i1 to i32
      %cond3A_294 = arith.constant 0 : i32
      %cond3A_295 = arith.cmpi ne, %convert_element_type3A_293, %cond3A_294 : i32
      scf.if %cond3A_295 {
        %add3A_297 = arith.constant 2 : i32
        %add3A_298 = arith.addi %add3A_265, %add3A_297 : i32
        %mul3A_299 = arith.constant 128 : i32
        %mul3A_300 = arith.muli %add3A_298, %mul3A_299 : i32
        %add3A_301 = arith.addi %mul3A_0, %mul3A_300 : i32
        %mul3A_302 = arith.constant 320000 : i32
        %mul3A_303 = arith.muli %arg0, %mul3A_302 : i32
        %add3A_304 = arith.addi %mul3A_303, %add3A_301 : i32
        %dma_start3A_305 = tpu.memref_slice %arg3[%add3A_304] : memref<640000xi32, #tpu.memory_space<hbm>> -> memref<128xi32, #tpu.memory_space<hbm>>
        %dma_start3A_306 = tpu.memref_slice %arg3[%add3A_304] : memref<640000xi32, #tpu.memory_space<hbm>> -> memref<128xi32, #tpu.memory_space<hbm>>
        tpu.enqueue_dma source(%dma_start3A_306 : memref<128xi32, #tpu.memory_space<hbm>>) target(%arg8 : memref<128xi32, #tpu.memory_space<vmem>>) target_semaphore(%arg18 : memref<!tpu.dma_semaphore, #tpu.memory_space<semaphore_mem>>)
        %dma_start3A_307 = tpu.memref_slice %arg4[%add3A_301] : memref<320000xi32, #tpu.memory_space<hbm>> -> memref<128xi32, #tpu.memory_space<hbm>>
        %dma_start3A_308 = tpu.memref_slice %arg4[%add3A_301] : memref<320000xi32, #tpu.memory_space<hbm>> -> memref<128xi32, #tpu.memory_space<hbm>>
        tpu.enqueue_dma source(%dma_start3A_308 : memref<128xi32, #tpu.memory_space<hbm>>) target(%arg11 : memref<128xi32, #tpu.memory_space<vmem>>) target_semaphore(%arg18 : memref<!tpu.dma_semaphore, #tpu.memory_space<semaphore_mem>>)
      } else {
      }
      %scan3A_296 = arith.constant 0 : i32
      scf.yield %scan3A_296 : i32
    }
    %scan3A_59 = arith.constant 26 : i32
    %dma_wait3A_60 = arith.constant 0 : i32
    %dma_wait3A_61 = arith.constant 0 : i32
    %dma_wait3A_62 = tpu.memref_slice %arg17[%dma_wait3A_60, %dma_wait3A_61] : memref<10240x128xf32, #tpu.memory_space<vmem_shared>> -> memref<10240x128xf32, #tpu.memory_space<vmem_shared>>
    tpu.wait_indirect_dma semaphore(%arg20 : memref<!tpu.dma_semaphore, #tpu.memory_space<semaphore_mem>>) src(%arg14 : memref<128x128xf32, #tpu.memory_space<vmem>>) dst(%dma_wait3A_62 : memref<10240x128xf32, #tpu.memory_space<vmem_shared>>)
    %add3A_63 = arith.constant 19968 : i32
    %add3A_64 = arith.addi %mul3A_0, %add3A_63 : i32
    %mul3A_65 = arith.constant 320000 : i32
    %mul3A_66 = arith.muli %arg0, %mul3A_65 : i32
    %add3A_67 = arith.addi %mul3A_66, %add3A_64 : i32
    "tpu.region"() ({
      %run_scoped3A = tpu.sem_alloc : memref<!tpu.dma_semaphore, #tpu.memory_space<semaphore_mem>>
      %dma_start3A_90 = tpu.memref_slice %arg3[%add3A_67] : memref<640000xi32, #tpu.memory_space<hbm>> -> memref<32xi32, #tpu.memory_space<hbm>>
      %dma_start3A_91 = tpu.memref_slice %arg3[%add3A_67] : memref<640000xi32, #tpu.memory_space<hbm>> -> memref<32xi32, #tpu.memory_space<hbm>>
      tpu.enqueue_dma source(%dma_start3A_91 : memref<32xi32, #tpu.memory_space<hbm>>) target(%arg15 : memref<32xi32, #tpu.memory_space<vmem>>) target_semaphore(%run_scoped3A : memref<!tpu.dma_semaphore, #tpu.memory_space<semaphore_mem>>)
      %dma_wait3A_92 = tpu.memref_slice %arg3[%add3A_67] : memref<640000xi32, #tpu.memory_space<hbm>> -> memref<32xi32, #tpu.memory_space<hbm>>
      %dma_wait3A_93 = tpu.memref_slice %arg3[%add3A_67] : memref<640000xi32, #tpu.memory_space<hbm>> -> memref<32xi32, #tpu.memory_space<hbm>>
      tpu.wait_dma2 semaphore(%run_scoped3A : memref<!tpu.dma_semaphore, #tpu.memory_space<semaphore_mem>>) src(%dma_wait3A_93 : memref<32xi32, #tpu.memory_space<hbm>>) dst(%arg15 : memref<32xi32, #tpu.memory_space<vmem>>)
      tpu.yield
    }) : () -> ()
    "tpu.region"() ({
      %run_scoped3A = tpu.sem_alloc : memref<!tpu.dma_semaphore, #tpu.memory_space<semaphore_mem>>
      %dma_start3A_90 = tpu.memref_slice %arg4[%add3A_64] : memref<320000xi32, #tpu.memory_space<hbm>> -> memref<32xi32, #tpu.memory_space<hbm>>
      %dma_start3A_91 = tpu.memref_slice %arg4[%add3A_64] : memref<320000xi32, #tpu.memory_space<hbm>> -> memref<32xi32, #tpu.memory_space<hbm>>
      tpu.enqueue_dma source(%dma_start3A_91 : memref<32xi32, #tpu.memory_space<hbm>>) target(%arg16 : memref<32xi32, #tpu.memory_space<vmem>>) target_semaphore(%run_scoped3A : memref<!tpu.dma_semaphore, #tpu.memory_space<semaphore_mem>>)
      %dma_wait3A_92 = tpu.memref_slice %arg4[%add3A_64] : memref<320000xi32, #tpu.memory_space<hbm>> -> memref<32xi32, #tpu.memory_space<hbm>>
      %dma_wait3A_93 = tpu.memref_slice %arg4[%add3A_64] : memref<320000xi32, #tpu.memory_space<hbm>> -> memref<32xi32, #tpu.memory_space<hbm>>
      tpu.wait_dma2 semaphore(%run_scoped3A : memref<!tpu.dma_semaphore, #tpu.memory_space<semaphore_mem>>) src(%dma_wait3A_93 : memref<32xi32, #tpu.memory_space<hbm>>) dst(%arg16 : memref<32xi32, #tpu.memory_space<vmem>>)
      tpu.yield
    }) : () -> ()
    %dma_start3A_68 = arith.constant 0 : i32
    %dma_start3A_69 = arith.constant 0 : i32
    %dma_start3A_70 = tpu.memref_slice %arg13[%dma_start3A_68, %dma_start3A_69] : memref<128x128xf32, #tpu.memory_space<vmem>> -> memref<32x128xf32, #tpu.memory_space<vmem>>
    %dma_start3A_71 = arith.constant 0 : i32
    %dma_start3A_72 = arith.constant 0 : i32
    %dma_start3A_73 = tpu.memref_slice %arg2[%dma_start3A_71, %dma_start3A_72] : memref<20000x128xf32, #tpu.memory_space<hbm>> -> memref<20000x128xf32, #tpu.memory_space<hbm>>
    tpu.enqueue_indirect_dma source(%dma_start3A_73 : memref<20000x128xf32, #tpu.memory_space<hbm>>) target(%dma_start3A_70 : memref<32x128xf32, #tpu.memory_space<vmem>>) offsets(%arg15 : memref<32xi32, #tpu.memory_space<vmem>>) semaphore(%arg19 : memref<!tpu.dma_semaphore, #tpu.memory_space<semaphore_mem>>)
    %dma_wait3A_74 = arith.constant 0 : i32
    %dma_wait3A_75 = arith.constant 0 : i32
    %dma_wait3A_76 = tpu.memref_slice %arg13[%dma_wait3A_74, %dma_wait3A_75] : memref<128x128xf32, #tpu.memory_space<vmem>> -> memref<32x128xf32, #tpu.memory_space<vmem>>
    %dma_wait3A_77 = arith.constant 0 : i32
    %dma_wait3A_78 = arith.constant 0 : i32
    %dma_wait3A_79 = tpu.memref_slice %arg2[%dma_wait3A_77, %dma_wait3A_78] : memref<20000x128xf32, #tpu.memory_space<hbm>> -> memref<20000x128xf32, #tpu.memory_space<hbm>>
    tpu.wait_indirect_dma semaphore(%arg19 : memref<!tpu.dma_semaphore, #tpu.memory_space<semaphore_mem>>) src(%dma_wait3A_79 : memref<20000x128xf32, #tpu.memory_space<hbm>>) dst(%dma_wait3A_76 : memref<32x128xf32, #tpu.memory_space<vmem>>)
    "tpu.region"() ({
      %run_scoped3A = tpu.sem_alloc : memref<!tpu.dma_semaphore, #tpu.memory_space<semaphore_mem>>
      %dma_start3A_90 = arith.constant 0 : i32
      %dma_start3A_91 = arith.constant 0 : i32
      %dma_start3A_92 = tpu.memref_slice %arg13[%dma_start3A_90, %dma_start3A_91] : memref<128x128xf32, #tpu.memory_space<vmem>> -> memref<32x128xf32, #tpu.memory_space<vmem>>
      %dma_start3A_93 = arith.constant 0 : i32
      %dma_start3A_94 = arith.constant 0 : i32
      %dma_start3A_95 = tpu.memref_slice %arg17[%dma_start3A_93, %dma_start3A_94] : memref<10240x128xf32, #tpu.memory_space<vmem_shared>> -> memref<10240x128xf32, #tpu.memory_space<vmem_shared>>
      tpu.enqueue_indirect_dma source(%dma_start3A_92 : memref<32x128xf32, #tpu.memory_space<vmem>>) target(%dma_start3A_95 : memref<10240x128xf32, #tpu.memory_space<vmem_shared>>) offsets(%arg16 : memref<32xi32, #tpu.memory_space<vmem>>) semaphore(%run_scoped3A : memref<!tpu.dma_semaphore, #tpu.memory_space<semaphore_mem>>) {add = true}
      %dma_wait3A_96 = arith.constant 0 : i32
      %dma_wait3A_97 = arith.constant 0 : i32
      %dma_wait3A_98 = tpu.memref_slice %arg13[%dma_wait3A_96, %dma_wait3A_97] : memref<128x128xf32, #tpu.memory_space<vmem>> -> memref<32x128xf32, #tpu.memory_space<vmem>>
      %dma_wait3A_99 = arith.constant 0 : i32
      %dma_wait3A_100 = arith.constant 0 : i32
      %dma_wait3A_101 = tpu.memref_slice %arg17[%dma_wait3A_99, %dma_wait3A_100] : memref<10240x128xf32, #tpu.memory_space<vmem_shared>> -> memref<10240x128xf32, #tpu.memory_space<vmem_shared>>
      tpu.wait_indirect_dma semaphore(%run_scoped3A : memref<!tpu.dma_semaphore, #tpu.memory_space<semaphore_mem>>) src(%dma_wait3A_98 : memref<32x128xf32, #tpu.memory_space<vmem>>) dst(%dma_wait3A_101 : memref<10240x128xf32, #tpu.memory_space<vmem_shared>>)
      tpu.yield
    }) : () -> ()
    %barrier3A_80 = arith.constant 0 : index
    tpu.barrier barrier_id(%barrier3A_80)
    %mul3A_81 = arith.constant 640 : i32
    %mul3A_82 = arith.muli %arg1, %mul3A_81 : i32
    %eq3A = arith.constant 0 : i32
    %eq3A_83 = arith.cmpi eq, %arg0, %eq3A : i32
    %convert_element_type3A = arith.extui %eq3A_83 : i1 to i32
    %cond3A = arith.constant 0 : i32
    %cond3A_84 = arith.cmpi ne, %convert_element_type3A, %cond3A : i32
    scf.if %cond3A_84 {
      "tpu.region"() ({
        %run_scoped3A = tpu.sem_alloc : memref<!tpu.dma_semaphore, #tpu.memory_space<semaphore_mem>>
        %dma_start3A_90 = arith.constant 0 : i32
        %dma_start3A_91 = tpu.memref_slice %arg5[%mul3A_82, %dma_start3A_90] : memref<10240x128xf32, #tpu.memory_space<hbm>> -> memref<640x128xf32, #tpu.memory_space<hbm>>
        %dma_start3A_92 = arith.constant 0 : i32
        %dma_start3A_93 = tpu.memref_slice %arg17[%mul3A_82, %dma_start3A_92] : memref<10240x128xf32, #tpu.memory_space<vmem_shared>> -> memref<640x128xf32, #tpu.memory_space<vmem_shared>>
        tpu.enqueue_dma source(%dma_start3A_93 : memref<640x128xf32, #tpu.memory_space<vmem_shared>>) target(%dma_start3A_91 : memref<640x128xf32, #tpu.memory_space<hbm>>) target_semaphore(%run_scoped3A : memref<!tpu.dma_semaphore, #tpu.memory_space<semaphore_mem>>)
        %dma_wait3A_94 = arith.constant 0 : i32
        %dma_wait3A_95 = tpu.memref_slice %arg5[%mul3A_82, %dma_wait3A_94] : memref<10240x128xf32, #tpu.memory_space<hbm>> -> memref<640x128xf32, #tpu.memory_space<hbm>>
        %dma_wait3A_96 = arith.constant 0 : i32
        %dma_wait3A_97 = tpu.memref_slice %arg17[%mul3A_82, %dma_wait3A_96] : memref<10240x128xf32, #tpu.memory_space<vmem_shared>> -> memref<640x128xf32, #tpu.memory_space<vmem_shared>>
        tpu.wait_dma2 semaphore(%run_scoped3A : memref<!tpu.dma_semaphore, #tpu.memory_space<semaphore_mem>>) src(%dma_wait3A_97 : memref<640x128xf32, #tpu.memory_space<vmem_shared>>) dst(%dma_wait3A_95 : memref<640x128xf32, #tpu.memory_space<hbm>>)
        tpu.yield
      }) : () -> ()
    } else {
    }
    %eq3A_85 = arith.constant 1 : i32
    %eq3A_86 = arith.cmpi eq, %arg0, %eq3A_85 : i32
    %convert_element_type3A_87 = arith.extui %eq3A_86 : i1 to i32
    %cond3A_88 = arith.constant 0 : i32
    %cond3A_89 = arith.cmpi ne, %convert_element_type3A_87, %cond3A_88 : i32
    scf.if %cond3A_89 {
      "tpu.region"() ({
        %run_scoped3A = tpu.sem_alloc : memref<!tpu.dma_semaphore, #tpu.memory_space<semaphore_mem>>
        %dma_start3A_90 = arith.constant 0 : i32
        %dma_start3A_91 = tpu.memref_slice %arg6[%mul3A_82, %dma_start3A_90] : memref<10240x128xf32, #tpu.memory_space<hbm>> -> memref<640x128xf32, #tpu.memory_space<hbm>>
        %dma_start3A_92 = arith.constant 0 : i32
        %dma_start3A_93 = tpu.memref_slice %arg17[%mul3A_82, %dma_start3A_92] : memref<10240x128xf32, #tpu.memory_space<vmem_shared>> -> memref<640x128xf32, #tpu.memory_space<vmem_shared>>
        tpu.enqueue_dma source(%dma_start3A_93 : memref<640x128xf32, #tpu.memory_space<vmem_shared>>) target(%dma_start3A_91 : memref<640x128xf32, #tpu.memory_space<hbm>>) target_semaphore(%run_scoped3A : memref<!tpu.dma_semaphore, #tpu.memory_space<semaphore_mem>>)
        %dma_wait3A_94 = arith.constant 0 : i32
        %dma_wait3A_95 = tpu.memref_slice %arg6[%mul3A_82, %dma_wait3A_94] : memref<10240x128xf32, #tpu.memory_space<hbm>> -> memref<640x128xf32, #tpu.memory_space<hbm>>
        %dma_wait3A_96 = arith.constant 0 : i32
        %dma_wait3A_97 = tpu.memref_slice %arg17[%mul3A_82, %dma_wait3A_96] : memref<10240x128xf32, #tpu.memory_space<vmem_shared>> -> memref<640x128xf32, #tpu.memory_space<vmem_shared>>
        tpu.wait_dma2 semaphore(%run_scoped3A : memref<!tpu.dma_semaphore, #tpu.memory_space<semaphore_mem>>) src(%dma_wait3A_97 : memref<640x128xf32, #tpu.memory_space<vmem_shared>>) dst(%dma_wait3A_95 : memref<640x128xf32, #tpu.memory_space<hbm>>)
        tpu.yield
      }) : () -> ()
    } else {
    }
    return
  }
}

module attributes {stable_mosaic.version = 14 : i64} {
  func.func @_enc_body(%arg0: i32, %arg1: memref<2000x128xf32, #tpu.memory_space<vmem>>, %arg2: memref<128x128xf32, #tpu.memory_space<vmem>>, %arg3: memref<1x128xf32, #tpu.memory_space<vmem>>, %arg4: memref<1x1xf32, #tpu.memory_space<vmem>>, %arg5: memref<2000x128xf32, #tpu.memory_space<vmem>>, %arg6: memref<2x2000x128xf32, #tpu.memory_space<vmem>>) attributes {dimension_semantics = [#tpu.dimension_semantics<arbitrary>], iteration_bounds = array<i64: 5>, scalar_prefetch = 0 : i64, scratch_operands = 0 : i64, tpu.core_type = #tpu.core_type<tc>, window_params = [{transform_indices = @transform_0, window_bounds = array<i64: 2000, 128>}, {pipeline_mode = #tpu.pipeline_mode<synchronous>, transform_indices = @transform_1, window_bounds = array<i64: 128, 128>}, {pipeline_mode = #tpu.pipeline_mode<synchronous>, transform_indices = @transform_2, window_bounds = array<i64: 1, 128>}, {pipeline_mode = #tpu.pipeline_mode<synchronous>, transform_indices = @transform_3, window_bounds = array<i64: 1, 1>}, {transform_indices = @transform_4, window_bounds = array<i64: 2000, 128>}, {transform_indices = @transform_5, window_bounds = array<i64: 2, 2000, 128>}]} {
    %get3A = arith.constant 0 : index
    %get3A_0 = arith.constant 0 : index
    %get3A_1 = vector.load %arg1[%get3A, %get3A_0] : memref<2000x128xf32, #tpu.memory_space<vmem>>, vector<2000x128xf32>
    %get3A_2 = arith.constant 0 : index
    %get3A_3 = arith.constant 0 : index
    %get3A_4 = vector.load %arg2[%get3A_2, %get3A_3] : memref<128x128xf32, #tpu.memory_space<vmem>>, vector<128x128xf32>
    %dot_general3A = arith.constant dense<0.000000e+00> : vector<2000x128xf32>
    %dot_general3A_5 = tpu.matmul %get3A_1, %get3A_4, %dot_general3A {dimension_numbers = #tpu.dot_dimension_numbers<[1], [0], [0], [1], [0, 0, 1, 1], [], []>, transpose_lhs_hint = false} : vector<2000x128xf32>, vector<128x128xf32>, vector<2000x128xf32> -> vector<2000x128xf32>
    %get3A_6 = arith.constant 0 : index
    %get3A_7 = arith.constant 0 : index
    %get3A_8 = vector.load %arg3[%get3A_6, %get3A_7] : memref<1x128xf32, #tpu.memory_space<vmem>>, vector<1x128xf32>
    %add3A = vector.broadcast %get3A_8 : vector<1x128xf32> to vector<2000x128xf32>
    %add3A_9 = arith.addf %dot_general3A_5, %add3A : vector<2000x128xf32>
    %swap3A = arith.constant 0 : index
    %swap3A_10 = arith.constant 0 : index
    %swap3A_11 = vector.load %arg5[%swap3A, %swap3A_10] : memref<2000x128xf32, #tpu.memory_space<vmem>>, vector<2000x128xf32>
    tpu.vector_store %arg5[%swap3A, %swap3A_10], %add3A_9 {strides = array<i32>} : memref<2000x128xf32, #tpu.memory_space<vmem>>, vector<2000x128xf32>,
    %max3A = arith.constant 0.000000e+00 : f32
    %max3A_12 = vector.broadcast %max3A : f32 to vector<2000x128xf32>
    %max3A_13 = arith.maximumf %add3A_9, %max3A_12 : vector<2000x128xf32>
    %add3A_14 = arith.constant 1.000000e-07 : f32
    %add3A_15 = vector.broadcast %add3A_14 : f32 to vector<2000x128xf32>
    %add3A_16 = arith.addf %max3A_13, %add3A_15 : vector<2000x128xf32>
    %get3A_17 = arith.constant 0 : index
    %get3A_18 = arith.constant 0 : index
    %get3A_19 = vector.load %arg4[%get3A_17, %get3A_18] : memref<1x1xf32, #tpu.memory_space<vmem>>, vector<1x1xf32>
    %get3A_20 = vector.extract %get3A_19[0, 0] : f32 from vector<1x1xf32>
    %mul3A = vector.broadcast %get3A_20 : f32 to vector<2000x128xf32>
    %mul3A_21 = arith.mulf %add3A_16, %mul3A : vector<2000x128xf32>
    %exp3A = math.exp %mul3A_21 : vector<2000x128xf32>
    %swap3A_22 = arith.constant 0 : index
    %swap3A_23 = arith.constant 0 : index
    %swap3A_24 = arith.constant 0 : index
    %swap3A_25 = vector.load %arg6[%swap3A_22, %swap3A_23, %swap3A_24] : memref<2x2000x128xf32, #tpu.memory_space<vmem>>, vector<1x2000x128xf32>
    %swap3A_26 = vector.shape_cast %swap3A_25 : vector<1x2000x128xf32> to vector<2000x128xf32>
    %swap3A_27 = vector.shape_cast %exp3A : vector<2000x128xf32> to vector<1x2000x128xf32>
    tpu.vector_store %arg6[%swap3A_22, %swap3A_23, %swap3A_24], %swap3A_27 {strides = array<i32>} : memref<2x2000x128xf32, #tpu.memory_space<vmem>>, vector<1x2000x128xf32>,
    %mul3A_28 = arith.mulf %add3A_16, %exp3A : vector<2000x128xf32>
    %swap3A_29 = arith.constant 1 : index
    %swap3A_30 = arith.constant 0 : index
    %swap3A_31 = arith.constant 0 : index
    %swap3A_32 = vector.load %arg6[%swap3A_29, %swap3A_30, %swap3A_31] : memref<2x2000x128xf32, #tpu.memory_space<vmem>>, vector<1x2000x128xf32>
    %swap3A_33 = vector.shape_cast %swap3A_32 : vector<1x2000x128xf32> to vector<2000x128xf32>
    %swap3A_34 = vector.shape_cast %mul3A_28 : vector<2000x128xf32> to vector<1x2000x128xf32>
    tpu.vector_store %arg6[%swap3A_29, %swap3A_30, %swap3A_31], %swap3A_34 {strides = array<i32>} : memref<2x2000x128xf32, #tpu.memory_space<vmem>>, vector<1x2000x128xf32>,
    return
  }
  func.func @transform_0(%arg0: i32) -> (i32, i32) {
    %add3A = arith.constant 0 : i32
    %add3A_0 = arith.addi %arg0, %add3A : i32
    %c0_i32 = arith.constant 0 : i32
    %c0_i32_1 = arith.constant 0 : i32
    return %add3A_0, %c0_i32 : i32, i32
  }
  func.func @transform_1(%arg0: i32) -> (i32, i32) {
    %c0_i32 = arith.constant 0 : i32
    %c0_i32_0 = arith.constant 0 : i32
    %c0_i32_1 = arith.constant 0 : i32
    return %c0_i32, %c0_i32_0 : i32, i32
  }
  func.func @transform_2(%arg0: i32) -> (i32, i32) {
    %c0_i32 = arith.constant 0 : i32
    %c0_i32_0 = arith.constant 0 : i32
    %c0_i32_1 = arith.constant 0 : i32
    return %c0_i32, %c0_i32_0 : i32, i32
  }
  func.func @transform_3(%arg0: i32) -> (i32, i32) {
    %c0_i32 = arith.constant 0 : i32
    %c0_i32_0 = arith.constant 0 : i32
    %c0_i32_1 = arith.constant 0 : i32
    return %c0_i32, %c0_i32_0 : i32, i32
  }
  func.func @transform_4(%arg0: i32) -> (i32, i32) {
    %add3A = arith.constant 0 : i32
    %add3A_0 = arith.addi %arg0, %add3A : i32
    %c0_i32 = arith.constant 0 : i32
    %c0_i32_1 = arith.constant 0 : i32
    return %add3A_0, %c0_i32 : i32, i32
  }
  func.func @transform_5(%arg0: i32) -> (i32, i32, i32) {
    %c0_i32 = arith.constant 0 : i32
    %c0_i32_0 = arith.constant 0 : i32
    %c0_i32_1 = arith.constant 0 : i32
    return %c0_i32, %arg0, %c0_i32_0 : i32, i32, i32
  }
}

module attributes {stable_mosaic.version = 14 : i64} {
  func.func @_mid_body(%arg0: i32, %arg1: memref<2000x128xf32, #tpu.memory_space<vmem>>, %arg2: memref<2000x128xf32, #tpu.memory_space<vmem>>, %arg3: memref<2000x128xf32, #tpu.memory_space<vmem>>, %arg4: memref<128x256xf32, #tpu.memory_space<vmem>>, %arg5: memref<1x256xf32, #tpu.memory_space<vmem>>, %arg6: memref<1x256xf32, #tpu.memory_space<vmem>>, %arg7: memref<1x256xf32, #tpu.memory_space<vmem>>, %arg8: memref<256x128xf32, #tpu.memory_space<vmem>>, %arg9: memref<1x128xf32, #tpu.memory_space<vmem>>, %arg10: memref<1x128xf32, #tpu.memory_space<vmem>>, %arg11: memref<1x128xf32, #tpu.memory_space<vmem>>, %arg12: memref<1x1xf32, #tpu.memory_space<vmem>>, %arg13: memref<2000x128xf32, #tpu.memory_space<vmem>>, %arg14: memref<2000x128xf32, #tpu.memory_space<vmem>>, %arg15: memref<2x2000x128xf32, #tpu.memory_space<vmem>>) attributes {dimension_semantics = [#tpu.dimension_semantics<arbitrary>], iteration_bounds = array<i64: 5>, scalar_prefetch = 0 : i64, scratch_operands = 0 : i64, tpu.core_type = #tpu.core_type<tc>, window_params = [{transform_indices = @transform_0, window_bounds = array<i64: 2000, 128>}, {transform_indices = @transform_1, window_bounds = array<i64: 2000, 128>}, {transform_indices = @transform_2, window_bounds = array<i64: 2000, 128>}, {pipeline_mode = #tpu.pipeline_mode<synchronous>, transform_indices = @transform_3, window_bounds = array<i64: 128, 256>}, {pipeline_mode = #tpu.pipeline_mode<synchronous>, transform_indices = @transform_4, window_bounds = array<i64: 1, 256>}, {pipeline_mode = #tpu.pipeline_mode<synchronous>, transform_indices = @transform_5, window_bounds = array<i64: 1, 256>}, {pipeline_mode = #tpu.pipeline_mode<synchronous>, transform_indices = @transform_6, window_bounds = array<i64: 1, 256>}, {pipeline_mode = #tpu.pipeline_mode<synchronous>, transform_indices = @transform_7, window_bounds = array<i64: 256, 128>}, {pipeline_mode = #tpu.pipeline_mode<synchronous>, transform_indices = @transform_8, window_bounds = array<i64: 1, 128>}, {pipeline_mode = #tpu.pipeline_mode<synchronous>, transform_indices = @transform_9, window_bounds = array<i64: 1, 128>}, {pipeline_mode = #tpu.pipeline_mode<synchronous>, transform_indices = @transform_10, window_bounds = array<i64: 1, 128>}, {pipeline_mode = #tpu.pipeline_mode<synchronous>, transform_indices = @transform_11, window_bounds = array<i64: 1, 1>}, {transform_indices = @transform_12, window_bounds = array<i64: 2000, 128>}, {transform_indices = @transform_13, window_bounds = array<i64: 2000, 128>}, {transform_indices = @transform_14, window_bounds = array<i64: 2, 2000, 128>}]} {
    %get3A = arith.constant 0 : index
    %get3A_0 = arith.constant 0 : index
    %get3A_1 = vector.load %arg2[%get3A, %get3A_0] : memref<2000x128xf32, #tpu.memory_space<vmem>>, vector<2000x128xf32>
    %get3A_2 = arith.constant 0 : index
    %get3A_3 = arith.constant 0 : index
    %get3A_4 = vector.load %arg1[%get3A_2, %get3A_3] : memref<2000x128xf32, #tpu.memory_space<vmem>>, vector<2000x128xf32>
    %add3A = arith.constant 1.000000e-16 : f32
    %add3A_5 = vector.broadcast %add3A : f32 to vector<2000x128xf32>
    %add3A_6 = arith.addf %get3A_4, %add3A_5 : vector<2000x128xf32>
    %div3A = arith.divf %get3A_1, %add3A_6 : vector<2000x128xf32>
    %get3A_7 = arith.constant 0 : index
    %get3A_8 = arith.constant 0 : index
    %get3A_9 = vector.load %arg3[%get3A_7, %get3A_8] : memref<2000x128xf32, #tpu.memory_space<vmem>>, vector<2000x128xf32>
    %add3A_10 = arith.addf %div3A, %get3A_9 : vector<2000x128xf32>
    %get3A_11 = arith.constant 0 : index
    %get3A_12 = arith.constant 0 : index
    %get3A_13 = vector.load %arg4[%get3A_11, %get3A_12] : memref<128x256xf32, #tpu.memory_space<vmem>>, vector<128x256xf32>
    %dot_general3A = arith.constant dense<0.000000e+00> : vector<2000x256xf32>
    %dot_general3A_14 = tpu.matmul %add3A_10, %get3A_13, %dot_general3A {dimension_numbers = #tpu.dot_dimension_numbers<[1], [0], [0], [1], [0, 0, 1, 1], [], []>, transpose_lhs_hint = false} : vector<2000x128xf32>, vector<128x256xf32>, vector<2000x256xf32> -> vector<2000x256xf32>
    %get3A_15 = arith.constant 0 : index
    %get3A_16 = arith.constant 0 : index
    %get3A_17 = vector.load %arg5[%get3A_15, %get3A_16] : memref<1x256xf32, #tpu.memory_space<vmem>>, vector<1x256xf32>
    %add3A_18 = vector.broadcast %get3A_17 : vector<1x256xf32> to vector<2000x256xf32>
    %add3A_19 = arith.addf %dot_general3A_14, %add3A_18 : vector<2000x256xf32>
    %get3A_20 = arith.constant 0 : index
    %get3A_21 = arith.constant 0 : index
    %get3A_22 = vector.load %arg6[%get3A_20, %get3A_21] : memref<1x256xf32, #tpu.memory_space<vmem>>, vector<1x256xf32>
    %get3A_23 = arith.constant 0 : index
    %get3A_24 = arith.constant 0 : index
    %get3A_25 = vector.load %arg7[%get3A_23, %get3A_24] : memref<1x256xf32, #tpu.memory_space<vmem>>, vector<1x256xf32>
    %reduce_sum3A = arith.constant dense<0.000000e+00> : vector<2000xf32>
    %reduce_sum3A_26 = vector.multi_reduction <add>, %add3A_19, %reduce_sum3A [1] : vector<2000x256xf32> to vector<2000xf32>
    %broadcast_in_dim3A = vector.shape_cast %reduce_sum3A_26 : vector<2000xf32> to vector<2000x1xf32>
    %div3A_27 = arith.constant 2.560000e+02 : f32
    %div3A_28 = vector.broadcast %div3A_27 : f32 to vector<2000x1xf32>
    %div3A_29 = arith.divf %broadcast_in_dim3A, %div3A_28 : vector<2000x1xf32>
    %sub3A = vector.broadcast %div3A_29 : vector<2000x1xf32> to vector<2000x256xf32>
    %sub3A_30 = arith.subf %add3A_19, %sub3A : vector<2000x256xf32>
    %integer_pow3A = arith.mulf %sub3A_30, %sub3A_30 : vector<2000x256xf32>
    %reduce_sum3A_31 = arith.constant dense<0.000000e+00> : vector<2000xf32>
    %reduce_sum3A_32 = vector.multi_reduction <add>, %integer_pow3A, %reduce_sum3A_31 [1] : vector<2000x256xf32> to vector<2000xf32>
    %broadcast_in_dim3A_33 = vector.shape_cast %reduce_sum3A_32 : vector<2000xf32> to vector<2000x1xf32>
    %div3A_34 = arith.constant 2.560000e+02 : f32
    %div3A_35 = vector.broadcast %div3A_34 : f32 to vector<2000x1xf32>
    %div3A_36 = arith.divf %broadcast_in_dim3A_33, %div3A_35 : vector<2000x1xf32>
    %sub3A_37 = vector.broadcast %div3A_29 : vector<2000x1xf32> to vector<2000x256xf32>
    %sub3A_38 = arith.subf %add3A_19, %sub3A_37 : vector<2000x256xf32>
    %add3A_39 = arith.constant 9.99999974E-6 : f32
    %add3A_40 = vector.broadcast %add3A_39 : f32 to vector<2000x1xf32>
    %add3A_41 = arith.addf %div3A_36, %add3A_40 : vector<2000x1xf32>
    %sqrt3A = math.sqrt %add3A_41 : vector<2000x1xf32>
    %div3A_42 = vector.broadcast %sqrt3A : vector<2000x1xf32> to vector<2000x256xf32>
    %div3A_43 = arith.divf %sub3A_38, %div3A_42 : vector<2000x256xf32>
    %mul3A = vector.broadcast %get3A_22 : vector<1x256xf32> to vector<2000x256xf32>
    %mul3A_44 = arith.mulf %div3A_43, %mul3A : vector<2000x256xf32>
    %add3A_45 = vector.broadcast %get3A_25 : vector<1x256xf32> to vector<2000x256xf32>
    %add3A_46 = arith.addf %mul3A_44, %add3A_45 : vector<2000x256xf32>
    %max3A = arith.constant 0.000000e+00 : f32
    %max3A_47 = vector.broadcast %max3A : f32 to vector<2000x256xf32>
    %max3A_48 = arith.maximumf %add3A_46, %max3A_47 : vector<2000x256xf32>
    %get3A_49 = arith.constant 0 : index
    %get3A_50 = arith.constant 0 : index
    %get3A_51 = vector.load %arg8[%get3A_49, %get3A_50] : memref<256x128xf32, #tpu.memory_space<vmem>>, vector<256x128xf32>
    %dot_general3A_52 = arith.constant dense<0.000000e+00> : vector<2000x128xf32>
    %dot_general3A_53 = tpu.matmul %max3A_48, %get3A_51, %dot_general3A_52 {dimension_numbers = #tpu.dot_dimension_numbers<[1], [0], [0], [1], [0, 0, 1, 1], [], []>, transpose_lhs_hint = false} : vector<2000x256xf32>, vector<256x128xf32>, vector<2000x128xf32> -> vector<2000x128xf32>
    %get3A_54 = arith.constant 0 : index
    %get3A_55 = arith.constant 0 : index
    %get3A_56 = vector.load %arg9[%get3A_54, %get3A_55] : memref<1x128xf32, #tpu.memory_space<vmem>>, vector<1x128xf32>
    %add3A_57 = vector.broadcast %get3A_56 : vector<1x128xf32> to vector<2000x128xf32>
    %add3A_58 = arith.addf %dot_general3A_53, %add3A_57 : vector<2000x128xf32>
    %swap3A = arith.constant 0 : index
    %swap3A_59 = arith.constant 0 : index
    %swap3A_60 = vector.load %arg13[%swap3A, %swap3A_59] : memref<2000x128xf32, #tpu.memory_space<vmem>>, vector<2000x128xf32>
    tpu.vector_store %arg13[%swap3A, %swap3A_59], %add3A_58 {strides = array<i32>} : memref<2000x128xf32, #tpu.memory_space<vmem>>, vector<2000x128xf32>,
    %get3A_61 = arith.constant 0 : index
    %get3A_62 = arith.constant 0 : index
    %get3A_63 = vector.load %arg10[%get3A_61, %get3A_62] : memref<1x128xf32, #tpu.memory_space<vmem>>, vector<1x128xf32>
    %get3A_64 = arith.constant 0 : index
    %get3A_65 = arith.constant 0 : index
    %get3A_66 = vector.load %arg11[%get3A_64, %get3A_65] : memref<1x128xf32, #tpu.memory_space<vmem>>, vector<1x128xf32>
    %reduce_sum3A_67 = arith.constant dense<0.000000e+00> : vector<2000xf32>
    %reduce_sum3A_68 = vector.multi_reduction <add>, %add3A_58, %reduce_sum3A_67 [1] : vector<2000x128xf32> to vector<2000xf32>
    %broadcast_in_dim3A_69 = vector.shape_cast %reduce_sum3A_68 : vector<2000xf32> to vector<2000x1xf32>
    %div3A_70 = arith.constant 1.280000e+02 : f32
    %div3A_71 = vector.broadcast %div3A_70 : f32 to vector<2000x1xf32>
    %div3A_72 = arith.divf %broadcast_in_dim3A_69, %div3A_71 : vector<2000x1xf32>
    %sub3A_73 = vector.broadcast %div3A_72 : vector<2000x1xf32> to vector<2000x128xf32>
    %sub3A_74 = arith.subf %add3A_58, %sub3A_73 : vector<2000x128xf32>
    %integer_pow3A_75 = arith.mulf %sub3A_74, %sub3A_74 : vector<2000x128xf32>
    %reduce_sum3A_76 = arith.constant dense<0.000000e+00> : vector<2000xf32>
    %reduce_sum3A_77 = vector.multi_reduction <add>, %integer_pow3A_75, %reduce_sum3A_76 [1] : vector<2000x128xf32> to vector<2000xf32>
    %broadcast_in_dim3A_78 = vector.shape_cast %reduce_sum3A_77 : vector<2000xf32> to vector<2000x1xf32>
    %div3A_79 = arith.constant 1.280000e+02 : f32
    %div3A_80 = vector.broadcast %div3A_79 : f32 to vector<2000x1xf32>
    %div3A_81 = arith.divf %broadcast_in_dim3A_78, %div3A_80 : vector<2000x1xf32>
    %sub3A_82 = vector.broadcast %div3A_72 : vector<2000x1xf32> to vector<2000x128xf32>
    %sub3A_83 = arith.subf %add3A_58, %sub3A_82 : vector<2000x128xf32>
    %add3A_84 = arith.constant 9.99999974E-6 : f32
    %add3A_85 = vector.broadcast %add3A_84 : f32 to vector<2000x1xf32>
    %add3A_86 = arith.addf %div3A_81, %add3A_85 : vector<2000x1xf32>
    %sqrt3A_87 = math.sqrt %add3A_86 : vector<2000x1xf32>
    %div3A_88 = vector.broadcast %sqrt3A_87 : vector<2000x1xf32> to vector<2000x128xf32>
    %div3A_89 = arith.divf %sub3A_83, %div3A_88 : vector<2000x128xf32>
    %mul3A_90 = vector.broadcast %get3A_63 : vector<1x128xf32> to vector<2000x128xf32>
    %mul3A_91 = arith.mulf %div3A_89, %mul3A_90 : vector<2000x128xf32>
    %add3A_92 = vector.broadcast %get3A_66 : vector<1x128xf32> to vector<2000x128xf32>
    %add3A_93 = arith.addf %mul3A_91, %add3A_92 : vector<2000x128xf32>
    %max3A_94 = arith.constant 0.000000e+00 : f32
    %max3A_95 = vector.broadcast %max3A_94 : f32 to vector<2000x128xf32>
    %max3A_96 = arith.maximumf %add3A_93, %max3A_95 : vector<2000x128xf32>
    %swap3A_97 = arith.constant 0 : index
    %swap3A_98 = arith.constant 0 : index
    %swap3A_99 = vector.load %arg14[%swap3A_97, %swap3A_98] : memref<2000x128xf32, #tpu.memory_space<vmem>>, vector<2000x128xf32>
    tpu.vector_store %arg14[%swap3A_97, %swap3A_98], %max3A_96 {strides = array<i32>} : memref<2000x128xf32, #tpu.memory_space<vmem>>, vector<2000x128xf32>,
    %add3A_100 = arith.constant 1.000000e-07 : f32
    %add3A_101 = vector.broadcast %add3A_100 : f32 to vector<2000x128xf32>
    %add3A_102 = arith.addf %max3A_96, %add3A_101 : vector<2000x128xf32>
    %get3A_103 = arith.constant 0 : index
    %get3A_104 = arith.constant 0 : index
    %get3A_105 = vector.load %arg12[%get3A_103, %get3A_104] : memref<1x1xf32, #tpu.memory_space<vmem>>, vector<1x1xf32>
    %get3A_106 = vector.extract %get3A_105[0, 0] : f32 from vector<1x1xf32>
    %mul3A_107 = vector.broadcast %get3A_106 : f32 to vector<2000x128xf32>
    %mul3A_108 = arith.mulf %add3A_102, %mul3A_107 : vector<2000x128xf32>
    %exp3A = math.exp %mul3A_108 : vector<2000x128xf32>
    %swap3A_109 = arith.constant 0 : index
    %swap3A_110 = arith.constant 0 : index
    %swap3A_111 = arith.constant 0 : index
    %swap3A_112 = vector.load %arg15[%swap3A_109, %swap3A_110, %swap3A_111] : memref<2x2000x128xf32, #tpu.memory_space<vmem>>, vector<1x2000x128xf32>
    %swap3A_113 = vector.shape_cast %swap3A_112 : vector<1x2000x128xf32> to vector<2000x128xf32>
    %swap3A_114 = vector.shape_cast %exp3A : vector<2000x128xf32> to vector<1x2000x128xf32>
    tpu.vector_store %arg15[%swap3A_109, %swap3A_110, %swap3A_111], %swap3A_114 {strides = array<i32>} : memref<2x2000x128xf32, #tpu.memory_space<vmem>>, vector<1x2000x128xf32>,
    %mul3A_115 = arith.mulf %add3A_102, %exp3A : vector<2000x128xf32>
    %swap3A_116 = arith.constant 1 : index
    %swap3A_117 = arith.constant 0 : index
    %swap3A_118 = arith.constant 0 : index
    %swap3A_119 = vector.load %arg15[%swap3A_116, %swap3A_117, %swap3A_118] : memref<2x2000x128xf32, #tpu.memory_space<vmem>>, vector<1x2000x128xf32>
    %swap3A_120 = vector.shape_cast %swap3A_119 : vector<1x2000x128xf32> to vector<2000x128xf32>
    %swap3A_121 = vector.shape_cast %mul3A_115 : vector<2000x128xf32> to vector<1x2000x128xf32>
    tpu.vector_store %arg15[%swap3A_116, %swap3A_117, %swap3A_118], %swap3A_121 {strides = array<i32>} : memref<2x2000x128xf32, #tpu.memory_space<vmem>>, vector<1x2000x128xf32>,
    return
  }
  func.func @transform_0(%arg0: i32) -> (i32, i32) {
    %add3A = arith.constant 0 : i32
    %add3A_0 = arith.addi %arg0, %add3A : i32
    %c0_i32 = arith.constant 0 : i32
    %c0_i32_1 = arith.constant 0 : i32
    return %add3A_0, %c0_i32 : i32, i32
  }
  func.func @transform_1(%arg0: i32) -> (i32, i32) {
    %add3A = arith.constant 0 : i32
    %add3A_0 = arith.addi %arg0, %add3A : i32
    %c0_i32 = arith.constant 0 : i32
    %c0_i32_1 = arith.constant 0 : i32
    return %add3A_0, %c0_i32 : i32, i32
  }
  func.func @transform_2(%arg0: i32) -> (i32, i32) {
    %add3A = arith.constant 0 : i32
    %add3A_0 = arith.addi %arg0, %add3A : i32
    %c0_i32 = arith.constant 0 : i32
    %c0_i32_1 = arith.constant 0 : i32
    return %add3A_0, %c0_i32 : i32, i32
  }
  func.func @transform_3(%arg0: i32) -> (i32, i32) {
    %c0_i32 = arith.constant 0 : i32
    %c0_i32_0 = arith.constant 0 : i32
    %c0_i32_1 = arith.constant 0 : i32
    return %c0_i32, %c0_i32_0 : i32, i32
  }
  func.func @transform_4(%arg0: i32) -> (i32, i32) {
    %c0_i32 = arith.constant 0 : i32
    %c0_i32_0 = arith.constant 0 : i32
    %c0_i32_1 = arith.constant 0 : i32
    return %c0_i32, %c0_i32_0 : i32, i32
  }
  func.func @transform_5(%arg0: i32) -> (i32, i32) {
    %c0_i32 = arith.constant 0 : i32
    %c0_i32_0 = arith.constant 0 : i32
    %c0_i32_1 = arith.constant 0 : i32
    return %c0_i32, %c0_i32_0 : i32, i32
  }
  func.func @transform_6(%arg0: i32) -> (i32, i32) {
    %c0_i32 = arith.constant 0 : i32
    %c0_i32_0 = arith.constant 0 : i32
    %c0_i32_1 = arith.constant 0 : i32
    return %c0_i32, %c0_i32_0 : i32, i32
  }
  func.func @transform_7(%arg0: i32) -> (i32, i32) {
    %c0_i32 = arith.constant 0 : i32
    %c0_i32_0 = arith.constant 0 : i32
    %c0_i32_1 = arith.constant 0 : i32
    return %c0_i32, %c0_i32_0 : i32, i32
  }
  func.func @transform_8(%arg0: i32) -> (i32, i32) {
    %c0_i32 = arith.constant 0 : i32
    %c0_i32_0 = arith.constant 0 : i32
    %c0_i32_1 = arith.constant 0 : i32
    return %c0_i32, %c0_i32_0 : i32, i32
  }
  func.func @transform_9(%arg0: i32) -> (i32, i32) {
    %c0_i32 = arith.constant 0 : i32
    %c0_i32_0 = arith.constant 0 : i32
    %c0_i32_1 = arith.constant 0 : i32
    return %c0_i32, %c0_i32_0 : i32, i32
  }
  func.func @transform_10(%arg0: i32) -> (i32, i32) {
    %c0_i32 = arith.constant 0 : i32
    %c0_i32_0 = arith.constant 0 : i32
    %c0_i32_1 = arith.constant 0 : i32
    return %c0_i32, %c0_i32_0 : i32, i32
  }
  func.func @transform_11(%arg0: i32) -> (i32, i32) {
    %c0_i32 = arith.constant 0 : i32
    %c0_i32_0 = arith.constant 0 : i32
    %c0_i32_1 = arith.constant 0 : i32
    return %c0_i32, %c0_i32_0 : i32, i32
  }
  func.func @transform_12(%arg0: i32) -> (i32, i32) {
    %add3A = arith.constant 0 : i32
    %add3A_0 = arith.addi %arg0, %add3A : i32
    %c0_i32 = arith.constant 0 : i32
    %c0_i32_1 = arith.constant 0 : i32
    return %add3A_0, %c0_i32 : i32, i32
  }
  func.func @transform_13(%arg0: i32) -> (i32, i32) {
    %add3A = arith.constant 0 : i32
    %add3A_0 = arith.addi %arg0, %add3A : i32
    %c0_i32 = arith.constant 0 : i32
    %c0_i32_1 = arith.constant 0 : i32
    return %add3A_0, %c0_i32 : i32, i32
  }
  func.func @transform_14(%arg0: i32) -> (i32, i32, i32) {
    %c0_i32 = arith.constant 0 : i32
    %c0_i32_0 = arith.constant 0 : i32
    %c0_i32_1 = arith.constant 0 : i32
    return %c0_i32, %arg0, %c0_i32_0 : i32, i32, i32
  }
}

module attributes {stable_mosaic.version = 14 : i64} {
  func.func @_fin_body(%arg0: i32, %arg1: memref<2000x128xf32, #tpu.memory_space<vmem>>, %arg2: memref<2000x128xf32, #tpu.memory_space<vmem>>, %arg3: memref<2000x128xf32, #tpu.memory_space<vmem>>, %arg4: memref<2000x128xf32, #tpu.memory_space<vmem>>, %arg5: memref<128x256xf32, #tpu.memory_space<vmem>>, %arg6: memref<1x256xf32, #tpu.memory_space<vmem>>, %arg7: memref<1x256xf32, #tpu.memory_space<vmem>>, %arg8: memref<1x256xf32, #tpu.memory_space<vmem>>, %arg9: memref<256x128xf32, #tpu.memory_space<vmem>>, %arg10: memref<1x128xf32, #tpu.memory_space<vmem>>, %arg11: memref<1x128xf32, #tpu.memory_space<vmem>>, %arg12: memref<1x128xf32, #tpu.memory_space<vmem>>, %arg13: memref<1x1x2000xi32, #tpu.memory_space<vmem>>, %arg14: memref<128x64xf32, #tpu.memory_space<vmem>>, %arg15: memref<1x64xf32, #tpu.memory_space<vmem>>, %arg16: memref<64x112xf32, #tpu.memory_space<vmem>>, %arg17: memref<1x112xf32, #tpu.memory_space<vmem>>, %arg18: memref<64x112xf32, #tpu.memory_space<vmem>>, %arg19: memref<64x128xf32, #tpu.memory_space<vmem>>) attributes {dimension_semantics = [#tpu.dimension_semantics<arbitrary>], iteration_bounds = array<i64: 5>, scalar_prefetch = 0 : i64, scratch_operands = 1 : i64, tpu.core_type = #tpu.core_type<tc>, window_params = [{transform_indices = @transform_0, window_bounds = array<i64: 2000, 128>}, {transform_indices = @transform_1, window_bounds = array<i64: 2000, 128>}, {transform_indices = @transform_2, window_bounds = array<i64: 2000, 128>}, {transform_indices = @transform_3, window_bounds = array<i64: 2000, 128>}, {pipeline_mode = #tpu.pipeline_mode<synchronous>, transform_indices = @transform_4, window_bounds = array<i64: 128, 256>}, {pipeline_mode = #tpu.pipeline_mode<synchronous>, transform_indices = @transform_5, window_bounds = array<i64: 1, 256>}, {pipeline_mode = #tpu.pipeline_mode<synchronous>, transform_indices = @transform_6, window_bounds = array<i64: 1, 256>}, {pipeline_mode = #tpu.pipeline_mode<synchronous>, transform_indices = @transform_7, window_bounds = array<i64: 1, 256>}, {pipeline_mode = #tpu.pipeline_mode<synchronous>, transform_indices = @transform_8, window_bounds = array<i64: 256, 128>}, {pipeline_mode = #tpu.pipeline_mode<synchronous>, transform_indices = @transform_9, window_bounds = array<i64: 1, 128>}, {pipeline_mode = #tpu.pipeline_mode<synchronous>, transform_indices = @transform_10, window_bounds = array<i64: 1, 128>}, {pipeline_mode = #tpu.pipeline_mode<synchronous>, transform_indices = @transform_11, window_bounds = array<i64: 1, 128>}, {transform_indices = @transform_12, window_bounds = array<i64: 1, 1, 2000>}, {pipeline_mode = #tpu.pipeline_mode<synchronous>, transform_indices = @transform_13, window_bounds = array<i64: 128, 64>}, {pipeline_mode = #tpu.pipeline_mode<synchronous>, transform_indices = @transform_14, window_bounds = array<i64: 1, 64>}, {pipeline_mode = #tpu.pipeline_mode<synchronous>, transform_indices = @transform_15, window_bounds = array<i64: 64, 112>}, {pipeline_mode = #tpu.pipeline_mode<synchronous>, transform_indices = @transform_16, window_bounds = array<i64: 1, 112>}, {pipeline_mode = #tpu.pipeline_mode<synchronous>, transform_indices = @transform_17, window_bounds = array<i64: 64, 112>}]} {
    %get3A = arith.constant 0 : index
    %get3A_0 = arith.constant 0 : index
    %get3A_1 = vector.load %arg2[%get3A, %get3A_0] : memref<2000x128xf32, #tpu.memory_space<vmem>>, vector<2000x128xf32>
    %get3A_2 = arith.constant 0 : index
    %get3A_3 = arith.constant 0 : index
    %get3A_4 = vector.load %arg1[%get3A_2, %get3A_3] : memref<2000x128xf32, #tpu.memory_space<vmem>>, vector<2000x128xf32>
    %add3A = arith.constant 1.000000e-16 : f32
    %add3A_5 = vector.broadcast %add3A : f32 to vector<2000x128xf32>
    %add3A_6 = arith.addf %get3A_4, %add3A_5 : vector<2000x128xf32>
    %div3A = arith.divf %get3A_1, %add3A_6 : vector<2000x128xf32>
    %get3A_7 = arith.constant 0 : index
    %get3A_8 = arith.constant 0 : index
    %get3A_9 = vector.load %arg3[%get3A_7, %get3A_8] : memref<2000x128xf32, #tpu.memory_space<vmem>>, vector<2000x128xf32>
    %add3A_10 = arith.addf %div3A, %get3A_9 : vector<2000x128xf32>
    %get3A_11 = arith.constant 0 : index
    %get3A_12 = arith.constant 0 : index
    %get3A_13 = vector.load %arg5[%get3A_11, %get3A_12] : memref<128x256xf32, #tpu.memory_space<vmem>>, vector<128x256xf32>
    %dot_general3A = arith.constant dense<0.000000e+00> : vector<2000x256xf32>
    %dot_general3A_14 = tpu.matmul %add3A_10, %get3A_13, %dot_general3A {dimension_numbers = #tpu.dot_dimension_numbers<[1], [0], [0], [1], [0, 0, 1, 1], [], []>, transpose_lhs_hint = false} : vector<2000x128xf32>, vector<128x256xf32>, vector<2000x256xf32> -> vector<2000x256xf32>
    %get3A_15 = arith.constant 0 : index
    %get3A_16 = arith.constant 0 : index
    %get3A_17 = vector.load %arg6[%get3A_15, %get3A_16] : memref<1x256xf32, #tpu.memory_space<vmem>>, vector<1x256xf32>
    %add3A_18 = vector.broadcast %get3A_17 : vector<1x256xf32> to vector<2000x256xf32>
    %add3A_19 = arith.addf %dot_general3A_14, %add3A_18 : vector<2000x256xf32>
    %get3A_20 = arith.constant 0 : index
    %get3A_21 = arith.constant 0 : index
    %get3A_22 = vector.load %arg7[%get3A_20, %get3A_21] : memref<1x256xf32, #tpu.memory_space<vmem>>, vector<1x256xf32>
    %get3A_23 = arith.constant 0 : index
    %get3A_24 = arith.constant 0 : index
    %get3A_25 = vector.load %arg8[%get3A_23, %get3A_24] : memref<1x256xf32, #tpu.memory_space<vmem>>, vector<1x256xf32>
    %reduce_sum3A = arith.constant dense<0.000000e+00> : vector<2000xf32>
    %reduce_sum3A_26 = vector.multi_reduction <add>, %add3A_19, %reduce_sum3A [1] : vector<2000x256xf32> to vector<2000xf32>
    %broadcast_in_dim3A = vector.shape_cast %reduce_sum3A_26 : vector<2000xf32> to vector<2000x1xf32>
    %div3A_27 = arith.constant 2.560000e+02 : f32
    %div3A_28 = vector.broadcast %div3A_27 : f32 to vector<2000x1xf32>
    %div3A_29 = arith.divf %broadcast_in_dim3A, %div3A_28 : vector<2000x1xf32>
    %sub3A = vector.broadcast %div3A_29 : vector<2000x1xf32> to vector<2000x256xf32>
    %sub3A_30 = arith.subf %add3A_19, %sub3A : vector<2000x256xf32>
    %integer_pow3A = arith.mulf %sub3A_30, %sub3A_30 : vector<2000x256xf32>
    %reduce_sum3A_31 = arith.constant dense<0.000000e+00> : vector<2000xf32>
    %reduce_sum3A_32 = vector.multi_reduction <add>, %integer_pow3A, %reduce_sum3A_31 [1] : vector<2000x256xf32> to vector<2000xf32>
    %broadcast_in_dim3A_33 = vector.shape_cast %reduce_sum3A_32 : vector<2000xf32> to vector<2000x1xf32>
    %div3A_34 = arith.constant 2.560000e+02 : f32
    %div3A_35 = vector.broadcast %div3A_34 : f32 to vector<2000x1xf32>
    %div3A_36 = arith.divf %broadcast_in_dim3A_33, %div3A_35 : vector<2000x1xf32>
    %sub3A_37 = vector.broadcast %div3A_29 : vector<2000x1xf32> to vector<2000x256xf32>
    %sub3A_38 = arith.subf %add3A_19, %sub3A_37 : vector<2000x256xf32>
    %add3A_39 = arith.constant 9.99999974E-6 : f32
    %add3A_40 = vector.broadcast %add3A_39 : f32 to vector<2000x1xf32>
    %add3A_41 = arith.addf %div3A_36, %add3A_40 : vector<2000x1xf32>
    %sqrt3A = math.sqrt %add3A_41 : vector<2000x1xf32>
    %div3A_42 = vector.broadcast %sqrt3A : vector<2000x1xf32> to vector<2000x256xf32>
    %div3A_43 = arith.divf %sub3A_38, %div3A_42 : vector<2000x256xf32>
    %mul3A = vector.broadcast %get3A_22 : vector<1x256xf32> to vector<2000x256xf32>
    %mul3A_44 = arith.mulf %div3A_43, %mul3A : vector<2000x256xf32>
    %add3A_45 = vector.broadcast %get3A_25 : vector<1x256xf32> to vector<2000x256xf32>
    %add3A_46 = arith.addf %mul3A_44, %add3A_45 : vector<2000x256xf32>
    %max3A = arith.constant 0.000000e+00 : f32
    %max3A_47 = vector.broadcast %max3A : f32 to vector<2000x256xf32>
    %max3A_48 = arith.maximumf %add3A_46, %max3A_47 : vector<2000x256xf32>
    %get3A_49 = arith.constant 0 : index
    %get3A_50 = arith.constant 0 : index
    %get3A_51 = vector.load %arg4[%get3A_49, %get3A_50] : memref<2000x128xf32, #tpu.memory_space<vmem>>, vector<2000x128xf32>
    %get3A_52 = arith.constant 0 : index
    %get3A_53 = arith.constant 0 : index
    %get3A_54 = vector.load %arg9[%get3A_52, %get3A_53] : memref<256x128xf32, #tpu.memory_space<vmem>>, vector<256x128xf32>
    %dot_general3A_55 = arith.constant dense<0.000000e+00> : vector<2000x128xf32>
    %dot_general3A_56 = tpu.matmul %max3A_48, %get3A_54, %dot_general3A_55 {dimension_numbers = #tpu.dot_dimension_numbers<[1], [0], [0], [1], [0, 0, 1, 1], [], []>, transpose_lhs_hint = false} : vector<2000x256xf32>, vector<256x128xf32>, vector<2000x128xf32> -> vector<2000x128xf32>
    %add3A_57 = arith.addf %get3A_51, %dot_general3A_56 : vector<2000x128xf32>
    %get3A_58 = arith.constant 0 : index
    %get3A_59 = arith.constant 0 : index
    %get3A_60 = vector.load %arg10[%get3A_58, %get3A_59] : memref<1x128xf32, #tpu.memory_space<vmem>>, vector<1x128xf32>
    %add3A_61 = vector.broadcast %get3A_60 : vector<1x128xf32> to vector<2000x128xf32>
    %add3A_62 = arith.addf %add3A_57, %add3A_61 : vector<2000x128xf32>
    %get3A_63 = arith.constant 0 : index
    %get3A_64 = arith.constant 0 : index
    %get3A_65 = vector.load %arg11[%get3A_63, %get3A_64] : memref<1x128xf32, #tpu.memory_space<vmem>>, vector<1x128xf32>
    %get3A_66 = arith.constant 0 : index
    %get3A_67 = arith.constant 0 : index
    %get3A_68 = vector.load %arg12[%get3A_66, %get3A_67] : memref<1x128xf32, #tpu.memory_space<vmem>>, vector<1x128xf32>
    %reduce_sum3A_69 = arith.constant dense<0.000000e+00> : vector<2000xf32>
    %reduce_sum3A_70 = vector.multi_reduction <add>, %add3A_62, %reduce_sum3A_69 [1] : vector<2000x128xf32> to vector<2000xf32>
    %broadcast_in_dim3A_71 = vector.shape_cast %reduce_sum3A_70 : vector<2000xf32> to vector<2000x1xf32>
    %div3A_72 = arith.constant 1.280000e+02 : f32
    %div3A_73 = vector.broadcast %div3A_72 : f32 to vector<2000x1xf32>
    %div3A_74 = arith.divf %broadcast_in_dim3A_71, %div3A_73 : vector<2000x1xf32>
    %sub3A_75 = vector.broadcast %div3A_74 : vector<2000x1xf32> to vector<2000x128xf32>
    %sub3A_76 = arith.subf %add3A_62, %sub3A_75 : vector<2000x128xf32>
    %integer_pow3A_77 = arith.mulf %sub3A_76, %sub3A_76 : vector<2000x128xf32>
    %reduce_sum3A_78 = arith.constant dense<0.000000e+00> : vector<2000xf32>
    %reduce_sum3A_79 = vector.multi_reduction <add>, %integer_pow3A_77, %reduce_sum3A_78 [1] : vector<2000x128xf32> to vector<2000xf32>
    %broadcast_in_dim3A_80 = vector.shape_cast %reduce_sum3A_79 : vector<2000xf32> to vector<2000x1xf32>
    %div3A_81 = arith.constant 1.280000e+02 : f32
    %div3A_82 = vector.broadcast %div3A_81 : f32 to vector<2000x1xf32>
    %div3A_83 = arith.divf %broadcast_in_dim3A_80, %div3A_82 : vector<2000x1xf32>
    %sub3A_84 = vector.broadcast %div3A_74 : vector<2000x1xf32> to vector<2000x128xf32>
    %sub3A_85 = arith.subf %add3A_62, %sub3A_84 : vector<2000x128xf32>
    %add3A_86 = arith.constant 9.99999974E-6 : f32
    %add3A_87 = vector.broadcast %add3A_86 : f32 to vector<2000x1xf32>
    %add3A_88 = arith.addf %div3A_83, %add3A_87 : vector<2000x1xf32>
    %sqrt3A_89 = math.sqrt %add3A_88 : vector<2000x1xf32>
    %div3A_90 = vector.broadcast %sqrt3A_89 : vector<2000x1xf32> to vector<2000x128xf32>
    %div3A_91 = arith.divf %sub3A_85, %div3A_90 : vector<2000x128xf32>
    %mul3A_92 = vector.broadcast %get3A_65 : vector<1x128xf32> to vector<2000x128xf32>
    %mul3A_93 = arith.mulf %div3A_91, %mul3A_92 : vector<2000x128xf32>
    %add3A_94 = vector.broadcast %get3A_68 : vector<1x128xf32> to vector<2000x128xf32>
    %add3A_95 = arith.addf %mul3A_93, %add3A_94 : vector<2000x128xf32>
    %max3A_96 = arith.constant 0.000000e+00 : f32
    %max3A_97 = vector.broadcast %max3A_96 : f32 to vector<2000x128xf32>
    %max3A_98 = arith.maximumf %add3A_95, %max3A_97 : vector<2000x128xf32>
    %get3A_99 = arith.constant 0 : index
    %get3A_100 = arith.constant 0 : index
    %get3A_101 = arith.constant 0 : index
    %get3A_102 = vector.load %arg13[%get3A_99, %get3A_100, %get3A_101] : memref<1x1x2000xi32, #tpu.memory_space<vmem>>, vector<1x1x2000xi32>
    %get3A_103 = vector.shape_cast %get3A_102 : vector<1x1x2000xi32> to vector<1x2000xi32>
    %iota3A = tpu.iota {dimensions = array<i32: 0>} : vector<64x2000xi32>
    %eq3A = vector.broadcast %get3A_103 : vector<1x2000xi32> to vector<64x2000xi32>
    %eq3A_104 = arith.cmpi eq, %iota3A, %eq3A : vector<64x2000xi32>
    %convert_element_type3A = arith.extui %eq3A_104 : vector<64x2000xi1> to vector<64x2000xi32>
    %convert_element_type3A_105 = arith.sitofp %convert_element_type3A : vector<64x2000xi32> to vector<64x2000xf32>
    %dot_general3A_106 = arith.constant dense<0.000000e+00> : vector<64x128xf32>
    %dot_general3A_107 = tpu.matmul %convert_element_type3A_105, %max3A_98, %dot_general3A_106 {dimension_numbers = #tpu.dot_dimension_numbers<[1], [0], [0], [1], [0, 0, 1, 1], [], []>, transpose_lhs_hint = false} : vector<64x2000xf32>, vector<2000x128xf32>, vector<64x128xf32> -> vector<64x128xf32>
    %eq3A_108 = arith.constant 0 : i32
    %eq3A_109 = arith.cmpi eq, %arg0, %eq3A_108 : i32
    %convert_element_type3A_110 = arith.extui %eq3A_109 : i1 to i32
    %cond3A = arith.constant 0 : i32
    %cond3A_111 = arith.cmpi ne, %convert_element_type3A_110, %cond3A : i32
    scf.if %cond3A_111 {
      %broadcast_in_dim3A_123 = arith.constant 0.000000e+00 : f32
      %broadcast_in_dim3A_124 = vector.broadcast %broadcast_in_dim3A_123 : f32 to vector<64x128xf32>
      %swap3A_125 = arith.constant 0 : index
      %swap3A_126 = arith.constant 0 : index
      %swap3A_127 = vector.load %arg19[%swap3A_125, %swap3A_126] : memref<64x128xf32, #tpu.memory_space<vmem>>, vector<64x128xf32>
      tpu.vector_store %arg19[%swap3A_125, %swap3A_126], %broadcast_in_dim3A_124 {strides = array<i32>} : memref<64x128xf32, #tpu.memory_space<vmem>>, vector<64x128xf32>,
    } else {
    }
    %get3A_112 = arith.constant 0 : index
    %get3A_113 = arith.constant 0 : index
    %get3A_114 = vector.load %arg19[%get3A_112, %get3A_113] : memref<64x128xf32, #tpu.memory_space<vmem>>, vector<64x128xf32>
    %add3A_115 = arith.addf %get3A_114, %dot_general3A_107 : vector<64x128xf32>
    %swap3A = arith.constant 0 : index
    %swap3A_116 = arith.constant 0 : index
    %swap3A_117 = vector.load %arg19[%swap3A, %swap3A_116] : memref<64x128xf32, #tpu.memory_space<vmem>>, vector<64x128xf32>
    tpu.vector_store %arg19[%swap3A, %swap3A_116], %add3A_115 {strides = array<i32>} : memref<64x128xf32, #tpu.memory_space<vmem>>, vector<64x128xf32>,
    %eq3A_118 = arith.constant 4 : i32
    %eq3A_119 = arith.cmpi eq, %arg0, %eq3A_118 : i32
    %convert_element_type3A_120 = arith.extui %eq3A_119 : i1 to i32
    %cond3A_121 = arith.constant 0 : i32
    %cond3A_122 = arith.cmpi ne, %convert_element_type3A_120, %cond3A_121 : i32
    scf.if %cond3A_122 {
      %get3A_123 = arith.constant 0 : index
      %get3A_124 = arith.constant 0 : index
      %get3A_125 = vector.load %arg19[%get3A_123, %get3A_124] : memref<64x128xf32, #tpu.memory_space<vmem>>, vector<64x128xf32>
      %get3A_126 = arith.constant 0 : index
      %get3A_127 = arith.constant 0 : index
      %get3A_128 = vector.load %arg14[%get3A_126, %get3A_127] : memref<128x64xf32, #tpu.memory_space<vmem>>, vector<128x64xf32>
      %dot_general3A_129 = arith.constant dense<0.000000e+00> : vector<64x64xf32>
      %dot_general3A_130 = tpu.matmul %get3A_125, %get3A_128, %dot_general3A_129 {dimension_numbers = #tpu.dot_dimension_numbers<[1], [0], [0], [1], [0, 0, 1, 1], [], []>, transpose_lhs_hint = false} : vector<64x128xf32>, vector<128x64xf32>, vector<64x64xf32> -> vector<64x64xf32>
      %get3A_131 = arith.constant 0 : index
      %get3A_132 = arith.constant 0 : index
      %get3A_133 = vector.load %arg15[%get3A_131, %get3A_132] : memref<1x64xf32, #tpu.memory_space<vmem>>, vector<1x64xf32>
      %add3A_134 = vector.broadcast %get3A_133 : vector<1x64xf32> to vector<64x64xf32>
      %add3A_135 = arith.addf %dot_general3A_130, %add3A_134 : vector<64x64xf32>
      %max3A_136 = arith.constant 0.000000e+00 : f32
      %max3A_137 = vector.broadcast %max3A_136 : f32 to vector<64x64xf32>
      %max3A_138 = arith.maximumf %add3A_135, %max3A_137 : vector<64x64xf32>
      %get3A_139 = arith.constant 0 : index
      %get3A_140 = arith.constant 0 : index
      %get3A_141 = vector.load %arg16[%get3A_139, %get3A_140] : memref<64x112xf32, #tpu.memory_space<vmem>>, vector<64x112xf32>
      %dot_general3A_142 = arith.constant dense<0.000000e+00> : vector<64x112xf32>
      %dot_general3A_143 = tpu.matmul %max3A_138, %get3A_141, %dot_general3A_142 {dimension_numbers = #tpu.dot_dimension_numbers<[1], [0], [0], [1], [0, 0, 1, 1], [], []>, transpose_lhs_hint = false} : vector<64x64xf32>, vector<64x112xf32>, vector<64x112xf32> -> vector<64x112xf32>
      %get3A_144 = arith.constant 0 : index
      %get3A_145 = arith.constant 0 : index
      %get3A_146 = vector.load %arg17[%get3A_144, %get3A_145] : memref<1x112xf32, #tpu.memory_space<vmem>>, vector<1x112xf32>
      %add3A_147 = vector.broadcast %get3A_146 : vector<1x112xf32> to vector<64x112xf32>
      %add3A_148 = arith.addf %dot_general3A_143, %add3A_147 : vector<64x112xf32>
      %swap3A_149 = arith.constant 0 : index
      %swap3A_150 = arith.constant 0 : index
      %swap3A_151 = vector.load %arg18[%swap3A_149, %swap3A_150] : memref<64x112xf32, #tpu.memory_space<vmem>>, vector<64x112xf32>
      tpu.vector_store %arg18[%swap3A_149, %swap3A_150], %add3A_148 {strides = array<i32>} : memref<64x112xf32, #tpu.memory_space<vmem>>, vector<64x112xf32>,
    } else {
    }
    return
  }
  func.func @transform_0(%arg0: i32) -> (i32, i32) {
    %add3A = arith.constant 0 : i32
    %add3A_0 = arith.addi %arg0, %add3A : i32
    %c0_i32 = arith.constant 0 : i32
    %c0_i32_1 = arith.constant 0 : i32
    return %add3A_0, %c0_i32 : i32, i32
  }
  func.func @transform_1(%arg0: i32) -> (i32, i32) {
    %add3A = arith.constant 0 : i32
    %add3A_0 = arith.addi %arg0, %add3A : i32
    %c0_i32 = arith.constant 0 : i32
    %c0_i32_1 = arith.constant 0 : i32
    return %add3A_0, %c0_i32 : i32, i32
  }
  func.func @transform_2(%arg0: i32) -> (i32, i32) {
    %add3A = arith.constant 0 : i32
    %add3A_0 = arith.addi %arg0, %add3A : i32
    %c0_i32 = arith.constant 0 : i32
    %c0_i32_1 = arith.constant 0 : i32
    return %add3A_0, %c0_i32 : i32, i32
  }
  func.func @transform_3(%arg0: i32) -> (i32, i32) {
    %add3A = arith.constant 0 : i32
    %add3A_0 = arith.addi %arg0, %add3A : i32
    %c0_i32 = arith.constant 0 : i32
    %c0_i32_1 = arith.constant 0 : i32
    return %add3A_0, %c0_i32 : i32, i32
  }
  func.func @transform_4(%arg0: i32) -> (i32, i32) {
    %c0_i32 = arith.constant 0 : i32
    %c0_i32_0 = arith.constant 0 : i32
    %c0_i32_1 = arith.constant 0 : i32
    return %c0_i32, %c0_i32_0 : i32, i32
  }
  func.func @transform_5(%arg0: i32) -> (i32, i32) {
    %c0_i32 = arith.constant 0 : i32
    %c0_i32_0 = arith.constant 0 : i32
    %c0_i32_1 = arith.constant 0 : i32
    return %c0_i32, %c0_i32_0 : i32, i32
  }
  func.func @transform_6(%arg0: i32) -> (i32, i32) {
    %c0_i32 = arith.constant 0 : i32
    %c0_i32_0 = arith.constant 0 : i32
    %c0_i32_1 = arith.constant 0 : i32
    return %c0_i32, %c0_i32_0 : i32, i32
  }
  func.func @transform_7(%arg0: i32) -> (i32, i32) {
    %c0_i32 = arith.constant 0 : i32
    %c0_i32_0 = arith.constant 0 : i32
    %c0_i32_1 = arith.constant 0 : i32
    return %c0_i32, %c0_i32_0 : i32, i32
  }
  func.func @transform_8(%arg0: i32) -> (i32, i32) {
    %c0_i32 = arith.constant 0 : i32
    %c0_i32_0 = arith.constant 0 : i32
    %c0_i32_1 = arith.constant 0 : i32
    return %c0_i32, %c0_i32_0 : i32, i32
  }
  func.func @transform_9(%arg0: i32) -> (i32, i32) {
    %c0_i32 = arith.constant 0 : i32
    %c0_i32_0 = arith.constant 0 : i32
    %c0_i32_1 = arith.constant 0 : i32
    return %c0_i32, %c0_i32_0 : i32, i32
  }
  func.func @transform_10(%arg0: i32) -> (i32, i32) {
    %c0_i32 = arith.constant 0 : i32
    %c0_i32_0 = arith.constant 0 : i32
    %c0_i32_1 = arith.constant 0 : i32
    return %c0_i32, %c0_i32_0 : i32, i32
  }
  func.func @transform_11(%arg0: i32) -> (i32, i32) {
    %c0_i32 = arith.constant 0 : i32
    %c0_i32_0 = arith.constant 0 : i32
    %c0_i32_1 = arith.constant 0 : i32
    return %c0_i32, %c0_i32_0 : i32, i32
  }
  func.func @transform_12(%arg0: i32) -> (i32, i32, i32) {
    %c0_i32 = arith.constant 0 : i32
    %c0_i32_0 = arith.constant 0 : i32
    %c0_i32_1 = arith.constant 0 : i32
    return %arg0, %c0_i32, %c0_i32_0 : i32, i32, i32
  }
  func.func @transform_13(%arg0: i32) -> (i32, i32) {
    %c0_i32 = arith.constant 0 : i32
    %c0_i32_0 = arith.constant 0 : i32
    %c0_i32_1 = arith.constant 0 : i32
    return %c0_i32, %c0_i32_0 : i32, i32
  }
  func.func @transform_14(%arg0: i32) -> (i32, i32) {
    %c0_i32 = arith.constant 0 : i32
    %c0_i32_0 = arith.constant 0 : i32
    %c0_i32_1 = arith.constant 0 : i32
    return %c0_i32, %c0_i32_0 : i32, i32
  }
  func.func @transform_15(%arg0: i32) -> (i32, i32) {
    %c0_i32 = arith.constant 0 : i32
    %c0_i32_0 = arith.constant 0 : i32
    %c0_i32_1 = arith.constant 0 : i32
    return %c0_i32, %c0_i32_0 : i32, i32
  }
  func.func @transform_16(%arg0: i32) -> (i32, i32) {
    %c0_i32 = arith.constant 0 : i32
    %c0_i32_0 = arith.constant 0 : i32
    %c0_i32_1 = arith.constant 0 : i32
    return %c0_i32, %c0_i32_0 : i32, i32
  }
  func.func @transform_17(%arg0: i32) -> (i32, i32) {
    %c0_i32 = arith.constant 0 : i32
    %c0_i32_0 = arith.constant 0 : i32
    %c0_i32_1 = arith.constant 0 : i32
    return %c0_i32, %c0_i32_0 : i32, i32
  }
}

</mosaic_0001>

<sc_bundles>
// kernel: kernel.10.cloned.1.call-start
scs
__scs_entry_jumppad:
0x0: {  	(pc) =	sbr.rel $0x88, $3  }
0x1: {  	(tag) =	ssettag $0x0;
	lr =	simm.s32 $0x1  }
0x2: {  	[smem:$0x3F86] =	sst lr;
	_ =	strace $0xD0000000  }
0x3: {  	_ = 	snop  }
0x4: {  	_ = 	snop  }
0x5: {  	_ = 	snop  }
0x6: {  	_ = 	snop  }
0x7: {  	_ = 	snop  }
__scs_overlays_trampoline_lowered:
0x8: {  	[smem:$0x3F95] =	sst s0  }
0x9: {  	[smem:$0x3F96] =	sst s1  }
0xa: {  	[smem:$0x3F97] =	sst s2  }
0xb: {  	[smem:$0x3F98] =	sst s3  }
0xc: {  	[smem:$0x3F99] =	sst s4  }
0xd: {  	[smem:$0x3F9A] =	sst s5  }
0xe: {  	[smem:$0x3F9B] =	sst s6  }
0xf: {  	[smem:$0x3F9C] =	sst s7  }
0x10: {  	[smem:$0x3F9D] =	sst s8  }
0x11: {  	[smem:$0x3F9E] =	sst s9;
	s0 =	simm.s32 @!p0 $0x0  }
0x12: {  	s1 =	sld [smem:$0x3F84];
	s0 =	simm.s32 @p0 $0x1  }
0x13: {  	[smem:$0x3F9F] =	sst s0;
	s0 =	simm.s32 @!p1 $0x0  }
0x14: {  	s2 =	sld [smem:$0x3F83];
	s0 =	simm.s32 @p1 $0x1  }
0x15: {  	[smem:$0x3FA0] =	sst s0;
	s0 =	simm.s32 @!p2 $0x0  }
0x16: {  	s3 =	sld [smem:$0x3FDB];
	s0 =	simm.s32 @p2 $0x1  }
0x17: {  	s4 =	simm.s32 $0x1BF5;
	[smem:$0x3FA2] =	sst s0  }
0x18: {  	s0 =	sld [smem:$0x3F85];
	_ =	swait.ge [sflag:s4], $0x0  }
0x19: {  	s7 =	sld [smem:$0x3F86]  }
0x1a: {  	s8 =	sadd.s32 $0xFFFFE003, lr  }
0x1b: {  	s9 =	sadd.s32 $0xFFFFFEF7, lr;
	s5 =	simm.s32 $0xFFFFFFFF;
	p2 =	slt.u32 s8, $0xFFFFF086  }
0x1c: {  	p1 =	slt.u32 s9, $0xF7A;
	s5 =	simm.s32 @!p2 $0x0  }
0x1d: {  	s5 =	simm.s32 @p1 $0x1;
	p0 =	seq.s32 s7, s2  }
0x1e: {  	s7 =	smul.u32 @!p0 $0xF7A, s2;
	p2 =	seq.s32 @!p0 s5, $0x0  }
0x1f: {  	s9 =	smul.u32 $0xF7A, s1;
	s8 =	simm.s32 @!p0 $0x1BF5;
	p2 =	por !p2, p0  }
0x20: {  	[sflag:s8] =	ssyncset.s32 @!p0 $0xFFFFF086;
	s6 =	sadd.s32 @!p0 s3, s7;
	s7 =	simm.s32 @!p0 $0x108  }
0x21: {  	s3 =	sadd.s32 s3, s9;
	s6 =	sadd.s32 @!p0 $0x88, s6;
	s7 =	simm.s32 @p2 $0x1082  }
0x22: {  	[simem:s7], [sflag:s8] =	dma.local @!p0 [hbm:s6], $0xF7A  }
0x23: {  	s9 =	sor.u32 $0xD0000000, s2;
	s6 =	simm.s32 $0x108;
	_ =	swait.ge @!p0 [sflag:s8], $0x0  }
0x24: {  	s3 =	sadd.s32 $0x88, s3;
	s6 =	simm.s32 @!p1 $0x1082;
	[sflag:s4] =	ssyncset.s32 $0xFFFFF086  }
0x25: {  	[simem:s6], [sflag:s4] =	dma.local [hbm:s3], $0xF7A  }
0x26: {  	[smem:$0x3F86] =	sst s1;
	(tag) =	ssettag s2;
	_ =	strace s9  }
0x27: {  	s1 =	sld [smem:$0x3F96]  }
0x28: {  	s2 =	sld [smem:$0x3F97]  }
0x29: {  	s4 =	sld [smem:$0x3F99]  }
0x2a: {  	p0 =	seq.s32 s5, $0x0;
	s5 =	sld [smem:$0x3F9A]  }
0x2b: {  	s6 =	sld [smem:$0x3F9B]  }
0x2c: {  	s7 =	sld [smem:$0x3F9C]  }
0x2d: {  	s3 =	simm.s32 $0x108;
	s8 =	sld [smem:$0x3F9D]  }
0x2e: {  	s3 =	simm.s32 @!p0 $0x1082;
	s9 =	sld [smem:$0x3F9E]  }
0x2f: {  	lr =	sadd.s32 s0, s3;
	s0 =	sld [smem:$0x3F95]  }
0x30: {  	s3 =	sld [smem:$0x3F98]  }
0x31: {  	[smem:$0x3FA1] =	sst s10  }
0x32: {  	s10 =	sld [smem:$0x3F9F];
	_ =	sdelay $0x3  }
0x33: {  	p0 =	seq.s32 s10, $0x1;
	s10 =	sld [smem:$0x3FA1];
	_ =	sdelay $0x3  }
0x34: {  	[smem:$0x3FA1] =	sst s10  }
0x35: {  	s10 =	sld [smem:$0x3FA0];
	_ =	sdelay $0x3  }
0x36: {  	p1 =	seq.s32 s10, $0x1;
	s10 =	sld [smem:$0x3FA1];
	_ =	sdelay $0x3  }
0x37: {  	[smem:$0x3FA1] =	sst s10  }
0x38: {  	s10 =	sld [smem:$0x3FA2]  }
0x39: {  	_ = 	snop;
	(pc) =	sbr.ind lr, $3  }
0x3a: {  	_ = 	snop  }
0x3b: {  	_ = 	snop  }
0x3c: {  	p2 =	seq.s32 s10, $0x1;
	s10 =	sld [smem:$0x3FA1]  }
0x3d: {  	_ =	shalt  }
0x3e: {  	_ =	shalt  }
0x3f: {  	_ =	shalt  }
0x40: {  	_ =	shalt  }
0x41: {  	_ =	shalt  }
0x42: {  	_ =	shalt  }
0x43: {  	_ =	shalt  }
0x44: {  	_ =	shalt  }
0x45: {  	_ =	shalt  }
0x46: {  	_ =	shalt  }
0x47: {  	_ =	shalt  }
0x48: {  	_ =	shalt  }
0x49: {  	_ =	shalt  }
0x4a: {  	_ =	shalt  }
0x4b: {  	_ =	shalt  }
0x4c: {  	_ =	shalt  }
0x4d: {  	_ =	shalt  }
0x4e: {  	_ =	shalt  }
0x4f: {  	_ =	shalt  }
0x50: {  	_ =	shalt  }
0x51: {  	_ =	shalt  }
0x52: {  	_ =	shalt  }
0x53: {  	_ =	shalt  }
0x54: {  	_ =	shalt  }
0x55: {  	_ =	shalt  }
0x56: {  	_ =	shalt  }
0x57: {  	_ =	shalt  }
0x58: {  	_ =	shalt  }
0x59: {  	_ =	shalt  }
0x5a: {  	_ =	shalt  }
0x5b: {  	_ =	shalt  }
0x5c: {  	_ =	shalt  }
0x5d: {  	_ =	shalt  }
0x5e: {  	_ =	shalt  }
0x5f: {  	_ =	shalt  }
0x60: {  	_ =	shalt  }
0x61: {  	_ =	shalt  }
0x62: {  	_ =	shalt  }
0x63: {  	_ =	shalt  }
0x64: {  	_ =	shalt  }
0x65: {  	_ =	shalt  }
0x66: {  	_ =	shalt  }
0x67: {  	_ =	shalt  }
0x68: {  	_ =	shalt  }
0x69: {  	_ =	shalt  }
0x6a: {  	_ =	shalt  }
0x6b: {  	_ =	shalt  }
0x6c: {  	_ =	shalt  }
0x6d: {  	_ =	shalt  }
0x6e: {  	_ =	shalt  }
0x6f: {  	_ =	shalt  }
0x70: {  	_ =	shalt  }
0x71: {  	_ =	shalt  }
0x72: {  	_ =	shalt  }
0x73: {  	_ =	shalt  }
0x74: {  	_ =	shalt  }
0x75: {  	_ =	shalt  }
0x76: {  	_ =	shalt  }
0x77: {  	_ =	shalt  }
0x78: {  	_ =	shalt  }
0x79: {  	_ =	shalt  }
0x7a: {  	_ =	shalt  }
0x7b: {  	_ =	shalt  }
0x7c: {  	_ =	shalt  }
0x7d: {  	_ =	shalt  }
0x7e: {  	_ =	shalt  }
0x7f: {  	_ =	shalt  }
0x80: {  	_ =	shalt  }
0x81: {  	_ =	shalt  }
0x82: {  	_ =	shalt  }
0x83: {  	_ =	shalt  }
0x84: {  	_ =	shalt  }
0x85: {  	_ =	shalt  }
0x86: {  	_ =	shalt  }
0x87: {  	_ =	shalt  }
.Lfunc_end0:
.L_simem_size_0:
called_computation.1_lowered:
.L_overlay_start_0:
0x88: {  	s2 =	sld [smem:$0x3FD9]  }
0x89: {  	s3 =	sld [smem:$0x3FFE];
	_ =	sdelay $0x1  }
0x8a: {  	s1 =	srdreg.scid  }
0x8b: {  	s0 =	sand.u32 $0x1, s1  }
0x8c: {  	s16 =	sshll.u32 s0, $0xA;
	s2 =	sadd.s32 s3, s2  }
0x8d: {  	s2 =	sadd.s32 s2, s16  }
0x8e: {  	[smem:$0x3FAD] =	sst s2  }
0x8f: {  	_ = 	snop  }
0x90: {  	(tm) =	ssettm $0x1  }
0x91: {  	s17 =	sld [smem:$0x3FFB];
	_ =	sdelay $0x3  }
0x92: {  	_ =	strace s17  }
0x93: {  	s2 =	sld [smem:$0x3FFC];
	_ =	sdelay $0x3  }
0x94: {  	_ =	strace s2  }
0x95: {  	s2 =	sld [smem:$0x3FFD];
	_ =	sdelay $0x3  }
0x96: {  	_ =	strace s2  }
0x97: {  	_ =	strace $0x8FFFFFFF  }
0x98: {  	s18 =	sld [smem:$0x3FDB];
	_ =	sdelay $0x1  }
0x99: {  	s19 =	simm.s32 $_scs_section_size  }
0x9a: {  	s4 =	simm.s32 $_size__tile_overlayer_lowered;
	s5 =	simm.s32 $_tile_overlayer_lowered  }
0x9b: {  	s22 =	simm.s32 $0x1BFF;
	s21 =	sshll.u32 s5, $0x1;
	s2 =	sadd.s32 s19, s18  }
0x9c: {  	s6 =	simm.s32 $0x0;
	s20 =	sshll.u32 s4, $0x1;
	s4 =	sadd.s32 s21, s2  }
0x9d: {  	[timem:s6], [sflag:s22] =	dma.local [hbm:s4], s20  }
0x9e: {  	_ =	swait.ge [sflag:s22], s20  }
0x9f: {  	s3 =	ssub.s32 $0x0, s20;
	[sflag:s22] =	ssyncset.done $0x0  }
0xa0: {  	[sflag:s22] =	ssyncadd.s32 s3;
	_ =	sdelay $0x1  }
0xa1: {  	s23 =	simm.s32 $0x1B8B  }
0xa2: {  	_ =	swait.ge [sflag:s23], $0x1  }
0xa3: {  	[sflag:s23] =	ssyncset.done $0x0  }
0xa4: {  	s25 =	simm.s32 $0x1B8E;
	s24 =	sld [smem:$0x3FFE];
	[sflag:s23] =	ssyncadd.s32 $0xFFFFFFFF  }
0xa5: {  	s26 =	simm.s32 $execute0_lowered;
	[smem:$0x3FD2] =	sst s25  }
0xa6: {  	s4 =	sshll.u32 s26, $0x1;
	_ =	strace $0x80000049;
	[dreg:$0x1] =	wrdreg $0xFFFFFFFF  }
0xa7: {  	s28 =	simm.s32 $_size_execute0_lowered;
	s2 =	sadd.s32 s2, s4;
	[dreg:$0x0] =	wrdreg $0x0  }
0xa8: {  	s4 =	sshll.u32 s28, $0x1;
	[dreg:$0x2] =	wrdreg s2  }
0xa9: {  	[dreg:$0x3] =	wrdreg s4  }
0xaa: {  	[dreg:$0x4] =	wrdreg $0xC0  }
0xab: {  	_ =	task [dreg:s6], $0x5FFFF  }
0xac: {  	[dreg:$0x1] =	wrdreg $0xFFFFFFFF  }
0xad: {  	[dreg:$0x0] =	wrdreg $0x60  }
0xae: {  	[dreg:$0x2] =	wrdreg s24  }
0xaf: {  	[dreg:$0x3] =	wrdreg $0x84000  }
0xb0: {  	[dreg:$0x4] =	wrdreg $0x9  }
0xb1: {  	_ =	task.clear_ibuf [dreg:s6], $0x5FFFF;
	_ =	strace $0x90000049  }
0xb2: {  	s29 =	simm.s32 $0x9;
	_ =	strace $0x8000004B  }
0xb3: {  	_ =	swait.ge [sflag:s29], $0x1  }
0xb4: {  	[sflag:s29] =	ssyncadd.s32 $0xFFFFFFFF  }
0xb5: {  	_ =	strace $0x9000004B  }
0xb6: {  	_ =	sfence  }
0xb7: {  	s30 =	sld [smem:$0x0];
	_ =	sdelay $0x2  }
0xb8: {  	s31 =	sshll.u32 s1, $0xD;
	s1 =	sshrl.u32 s1, $0x2  }
0xb9: {  	s3 =	sand.u32 $0x4000, s31;
	s1 =	sadd.s32 s1, s30  }
0xba: {  	s0 =	sor.u32 s3, s0;
	s1 =	sshll.u32 s1, $0x11  }
0xbb: {  	s0 =	sor.u32 s1, s0  }
0xbc: {  	s0 =	sadd.s32 $0x8F2B, s0  }
0xbd: {  	[sflag:s0] =	ssyncadd.remote.s32 $0x1  }
0xbe: {  	_ =	sfence.sel $0xFFFF  }
0xbf: {  	[dreg:$0x0] =	wrdreg $0xFFFFFFFF;
	(pc) =	sbr.abs _section_cstart, $3  }
0xc0: {  	[dreg:$0x1] =	wrdreg $0xFFFFFFFF  }
0xc1: {  	_ =	task.clear_ibuf [dreg:s6], $0x2FFFF;
	_ =	strace $0x9FFFFFFF  }
0xc2: {  	(tm) =	ssettm $0x7FFFFFFF  }
0xc3: {  	_ =	shalt  }
tec
execute0_lowered:
.L_overlay_start_1:
0x0: {  	(tag) =	ssettag $0x1  }
0x1: {  	s0 =	rddreg [dreg:$0x0]  }
0x2: {  	s2 =	rddreg [dreg:$0x1];
	s3 =	simm.s32 $0x0  }
0x3: {  	s1 =	srdreg.scid;
	s16 =	stileid.u32;
	s28 =	simm.s32 $0x80  }
0x4: {  	s29 =	simm.s32 $0x200;
	s30 =	simm.s32 $0x300;
	s6 =	smul.u32 $0x4E20, s16  }
0x5: {  	s31 =	simm.s32 $0x4;
	[smem:$0x7FF] =	sst s3;
	s15 =	smul.u32 $0x50000, s16  }
0x6: {  	s1 =	sand.u32 $0x1, s1;
	s4 =	sadd.s32 $0x22200, s0;
	s17 =	smul.u32 $0x2800, s16  }
0x7: {  	s5 =	sadd.s32 $0xE800, s0;
	s8 =	sadd.s32 $0x4A00, s0;
	s19 =	smul.u32 $0x9C4, s16  }
0x8: {  	_ =	strace $0x8000004A;
	s7 =	smul.u32 $0x4E200, s1;
	s9 =	ssub.s32 $0x2, s1  }
0x9: {  	p0 =	seq.s32 s1, $0x1;
	s1 =	simm.s32 $0x98400;
	s10 =	sshrl.u32 s9, $0x1  }
0xa: {  	s12 =	sadd.s32 $0x80, s6;
	s14 =	sshrl.u32 s6, $0x3;
	s26 =	sshrl.u32 s15, $0x2  }
0xb: {  	s1 =	simm.s32 @!p0 $0x70400;
	s19 =	sadd.s32 s19, s8;
	s11 =	sadd.s32 s6, s7  }
0xc: {  	s9 =	ssub.s32 s9, s10;
	s13 =	sadd.s32 s7, s12;
	s23 =	sadd.s32 s8, s14  }
0xd: {  	s25 =	sshrl.u32 s12, $0x3;
	s6 =	sadd.s32 $0x4E00, s6;
	s0 =	sadd.s32 s1, s0  }
0xe: {  	s22 =	sshrl.u32 s11, $0x3;
	s13 =	sshrl.u32 s13, $0x3;
	[dreg:$0x4] =	wrdreg s23  }
0xf: {  	s7 =	sadd.s32 s7, s6;
	s6 =	sshrl.u32 s6, $0x3;
	s18 =	smax.u32 s9, $0x1  }
0x10: {  	s0 =	sadd.s32 s0, s17;
	s20 =	sadd.s32 $0x380, s11;
	s21 =	sadd.s32 $0x280, s11  }
0x11: {  	s23 =	sadd.s32 $0x300, s11;
	s9 =	simm.s32 $0x3;
	[dreg:$0xd] =	wrdreg s18  }
0x12: {  	s10 =	sadd.s32 s5, s22;
	s24 =	sadd.s32 s5, s13;
	[dreg:$0xe] =	wrdreg s0  }
0x13: {  	s7 =	sshrl.u32 s7, $0x3;
	s6 =	sadd.s32 s8, s6;
	[dreg:$0xf] =	wrdreg s23  }
0x14: {  	s0 =	sshrl.u32 s20, $0x3;
	s22 =	sshrl.u32 s21, $0x3;
	[dreg:$0x3] =	wrdreg s10  }
0x15: {  	[dreg:$0x5] =	wrdreg s24;
	s10 =	sadd.s32 s8, s25;
	s7 =	sadd.s32 s5, s7  }
0x16: {  	[dreg:$0xc] =	wrdreg s6;
	s20 =	sadd.s32 s0, s5;
	s22 =	sadd.s32 s22, s5  }
0x17: {  	s24 =	sadd.s32 $0x200, s11;
	s25 =	sadd.s32 $0x180, s11;
	[dreg:$0x6] =	wrdreg s10  }
0x18: {  	s8 =	simm.s32 $0x280;
	s10 =	sadd.s32 s26, s2;
	[dreg:$0xb] =	wrdreg s7  }
0x19: {  	s26 =	sadd.s32 $0x100, s11;
	s0 =	sshrl.u32 s24, $0x3;
	s1 =	sshrl.u32 s25, $0x3  }
0x1a: {  	s7 =	simm.s32 $0x100;
	s12 =	sadd.s32 $0x4000, s10;
	s13 =	sadd.s32 $0x8000, s10  }
0x1b: {  	s14 =	sadd.s32 $0xC000, s10;
	s15 =	sadd.s32 $0x10000, s10;
	s6 =	sshrl.u32 s26, $0x3  }
.Ltmp0:
0x1c: {  	s23 =	sadd.s32 s0, s5;
	[dreg:$0x7] =	wrdreg s12;
	(pc) =	sbr.rel .LBB2_1-.Ltmp0, $4  }
0x1d: {  	s24 =	sadd.s32 s1, s5;
	s26 =	simm.s32 $0x180;
	[dreg:$0x8] =	wrdreg s13  }
0x1e: {  	s0 =	simm.s32 $0x1;
	s1 =	simm.s32 $0x4300;
	[dreg:$0x9] =	wrdreg s14  }
0x1f: {  	[dreg:$0xa] =	wrdreg s15;
	s25 =	sadd.s32 s6, s5;
	s6 =	simm.s32 $0x2  }
0x20: {  	v0 =	vimm.f32 $0.0e+00;
	s12 =	simm.s32 $0x8380;
	s13 =	simm.s32 $0x20;
	s14 =	simm.s32 $0x0  }
.LBB2_6:
0x21: {  	_ =	swait.ge [sflag:s9], $0x4000  }
0x22: {  	[sflag:s9] =	ssyncset.done $0x0  }
0x23: {  	s15 =	simm.s32 $0x8300;
	s11 =	rddreg [dreg:$0xb];
	[sflag:s9] =	ssyncadd.s32 $0xFFFFC000  }
0x24: {  	[tilespmem:s15], [sflag:$0x4] =	stream.linear.gather [hbm4b:s11+s3], $0x20, $0x38;
	[tilespmem:$0x1C400] =	vst v63  }
0x25: {  	_ =	swait.ge [sflag:s31], $0x20  }
0x26: {  	[sflag:s31] =	ssyncset.done $0x0  }
0x27: {  	s16 =	rddreg [dreg:$0xc];
	[sflag:s31] =	ssyncadd.s32 $0xFFFFFFE0  }
0x28: {  	[tilespmem:s12], [sflag:$0x4] =	stream.linear.gather [hbm4b:s16+s3], $0x20, $0x38;
	[tilespmem:$0x1C400] =	vst v63  }
0x29: {  	_ =	swait.ge [sflag:s31], $0x20  }
0x2a: {  	[sflag:s31] =	ssyncset.done $0x0  }
0x2b: {  	[sflag:s31] =	ssyncadd.s32 $0xFFFFFFE0  }
0x2c: {  	[tilespmem:s30], [sflag:$0x2] =	stream.indirect.gather [hbm4b:s4+s13], $0x80, s15, s13, $0xb8;
	[tilespmem:$0x1C400] =	vst v63  }
0x2d: {  	_ =	swait.ge [sflag:s6], $0x1000  }
0x2e: {  	[sflag:s6] =	ssyncset.done $0x0  }
0x2f: {  	[sflag:s6] =	ssyncadd.s32 $0xFFFFF000  }
0x30: {  	[spmem:s2] =	stream.indirect.scatter.add.f32 [tilespmem:s30], [sflag:$0x4], $0x80, s12, s13, $0xb8;
	[tilespmem:$0x1C400] =	vst v63  }
0x31: {  	_ =	swait.ge [sflag:s31], $0x1000  }
0x32: {  	[sflag:s31] =	ssyncset.done $0x0  }
0x33: {  	s17 =	stileid.u32;
	[sflag:s31] =	ssyncadd.s32 $0xFFFFF000  }
0x34: {  	s11 =	sshll.u32 s17, $0x6;
	[bflag:$0x0] =	sbarrier.arrive $0xFFFF  }
0x35: {  	s18 =	sshrl.u32 s10, $0x3;
	s11 =	sor.u32 $0x1C04, s11;
	s16 =	rddreg [dreg:$0xe]  }
0x36: {  	[hbm:s16], [sflag:s11] =	dma.local [spmem:s18], $0x2800  }
0x37: {  	_ =	swait.ge [sflag:s31], $0x2800  }
0x38: {  	s14 =	sadd.s32 $0x1, s14;
	s21 =	rddreg [dreg:$0xd]  }
0x39: {  	p0 =	sne.s32 s14, s21  }
.Ltmp1:
0x3a: {  	_ = 	snop;
	(pc) =	sbr.rel @!p0 .LBB2_7-.Ltmp1, $3  }
0x3b: {  	_ =	sdelay $0x1  }
0x3c: {  	[sflag:s31] =	ssyncset.done $0x0  }
0x3d: {  	[sflag:s31] =	ssyncadd.s32 $0xFFFFD800  }
.LBB2_1:
0x3e: {  	s11 =	rddreg [dreg:$0x3]  }
0x3f: {  	[tilespmem:s3], [sflag:$0x1] =	stream.linear.gather [hbm4b:s11+s3], $0x80, $0x38;
	[tilespmem:$0x1C400] =	vst v63  }
0x40: {  	s17 =	rddreg [dreg:$0x4]  }
0x41: {  	[tilespmem:s26], [sflag:$0x1] =	stream.linear.gather [hbm4b:s17+s3], $0x80, $0x38;
	[tilespmem:$0x1C400] =	vst v63  }
0x42: {  	s18 =	rddreg [dreg:$0x5]  }
0x43: {  	[tilespmem:s28], [sflag:$0x1] =	stream.linear.gather [hbm4b:s18+s3], $0x80, $0x38;
	[tilespmem:$0x1C400] =	vst v63  }
0x44: {  	s21 =	rddreg [dreg:$0x6];
	s15 =	simm.s32 $0x0;
	s17 =	simm.s32 $0x200  }
0x45: {  	[tilespmem:s29], [sflag:$0x1] =	stream.linear.gather [hbm4b:s21+s3], $0x80, $0x38;
	[tilespmem:$0x1C400] =	vst v63  }
.LBB2_2:
0x46: {  	p0 =	sne.s32 s17, $0xFE00;
	[tilespmem:s15+$0x370] =	vst v0  }
0x47: {  	[tilespmem:s15+$0x300] =	vst v0  }
0x48: {  	[tilespmem:s15+$0x310] =	vst v0  }
.Ltmp2:
0x49: {  	[tilespmem:s15+$0x320] =	vst v0;
	(pc) =	sbr.rel @p0 .LBB2_2-.Ltmp2, $4  }
0x4a: {  	[tilespmem:s15+$0x330] =	vst v0  }
0x4b: {  	[tilespmem:s15+$0x340] =	vst v0  }
0x4c: {  	[tilespmem:s15+$0x350] =	vst v0  }
0x4d: {  	[tilespmem:s15+$0x360] =	vst v0;
	s15 =	sshra.s32 s17, $0x2;
	s17 =	sadd.s32 $0x200, s17  }
0x4e: {  	[tilespmem:s15+$0x370] =	vst v0  }
0x4f: {  	[tilespmem:s15+$0x300] =	vst v0  }
0x50: {  	[tilespmem:s15+$0x310] =	vst v0  }
0x51: {  	[tilespmem:s15+$0x320] =	vst v0  }
0x52: {  	[tilespmem:s15+$0x330] =	vst v0  }
0x53: {  	[tilespmem:s15+$0x340] =	vst v0  }
0x54: {  	[tilespmem:s15+$0x350] =	vst v0  }
0x55: {  	[tilespmem:s15+$0x360] =	vst v0  }
0x56: {  	[spmem:s10] =	stream.linear.scatter [tilespmem:s30], [sflag:$0x4], $0x4000, $0x38;
	[tilespmem:$0x1C400] =	vst v63  }
0x57: {  	_ =	swait.ge [sflag:s31], $0x4000  }
0x58: {  	[sflag:s31] =	ssyncset.done $0x0  }
0x59: {  	s11 =	rddreg [dreg:$0x7];
	[sflag:s31] =	ssyncadd.s32 $0xFFFFC000  }
0x5a: {  	[spmem:s11] =	stream.linear.scatter [tilespmem:s30], [sflag:$0x4], $0x4000, $0x38;
	[tilespmem:$0x1C400] =	vst v63  }
0x5b: {  	_ =	swait.ge [sflag:s31], $0x4000  }
0x5c: {  	[sflag:s31] =	ssyncset.done $0x0  }
0x5d: {  	s17 =	rddreg [dreg:$0x8];
	[sflag:s31] =	ssyncadd.s32 $0xFFFFC000  }
0x5e: {  	[spmem:s17] =	stream.linear.scatter [tilespmem:s30], [sflag:$0x4], $0x4000, $0x38;
	[tilespmem:$0x1C400] =	vst v63  }
0x5f: {  	_ =	swait.ge [sflag:s31], $0x4000  }
0x60: {  	[sflag:s31] =	ssyncset.done $0x0  }
0x61: {  	s18 =	rddreg [dreg:$0x9];
	[sflag:s31] =	ssyncadd.s32 $0xFFFFC000  }
0x62: {  	[spmem:s18] =	stream.linear.scatter [tilespmem:s30], [sflag:$0x4], $0x4000, $0x38;
	[tilespmem:$0x1C400] =	vst v63  }
0x63: {  	_ =	swait.ge [sflag:s31], $0x4000  }
0x64: {  	[sflag:s31] =	ssyncset.done $0x0  }
0x65: {  	s21 =	rddreg [dreg:$0xa];
	[sflag:s31] =	ssyncadd.s32 $0xFFFFC000  }
0x66: {  	[spmem:s21] =	stream.linear.scatter [tilespmem:s30], [sflag:$0x4], $0x4000, $0x38;
	[tilespmem:$0x1C400] =	vst v63  }
0x67: {  	_ =	swait.ge [sflag:s31], $0x4000  }
0x68: {  	[sflag:s31] =	ssyncset.done $0x0  }
0x69: {  	[sflag:s31] =	ssyncadd.s32 $0xFFFFC000  }
0x6a: {  	[bflag:$0x0] =	sbarrier.arrive $0xFFFF  }
0x6b: {  	_ =	swait.ge [sflag:s0], $0x80  }
0x6c: {  	[sflag:s0] =	ssyncset.done $0x0  }
0x6d: {  	[sflag:s0] =	ssyncadd.s32 $0xFFFFFF80  }
0x6e: {  	_ =	swait.ge [sflag:s0], $0x80  }
0x6f: {  	[sflag:s0] =	ssyncset.done $0x0  }
0x70: {  	s15 =	simm.s32 $0x0;
	s21 =	rddreg [dreg:$0xf];
	[sflag:s0] =	ssyncadd.s32 $0xFFFFFF80  }
0x71: {  	[tilespmem:s30], [sflag:$0x2] =	stream.indirect.gather [hbm4b:s4+s28], $0x80, s15, s28, $0xb8;
	[tilespmem:$0x1C400] =	vst v63  }
.LBB2_4:
0x72: {  	_ =	swait.ge [sflag:s0], $0x80  }
0x73: {  	[sflag:s0] =	ssyncset.done $0x0  }
0x74: {  	[sflag:s0] =	ssyncadd.s32 $0xFFFFFF80  }
0x75: {  	_ =	swait.ge [sflag:s0], $0x80  }
0x76: {  	p0 =	seq.s32 s15, $0x0;
	[sflag:s0] =	ssyncset.done $0x0  }
0x77: {  	s17 =	simm.s32 @!p0 $0x3;
	[sflag:s0] =	ssyncadd.s32 $0xFFFFFF80  }
0x78: {  	_ =	swait.ge @!p0 [sflag:s17], $0x4000  }
0x79: {  	[sflag:s17] =	ssyncset.done @!p0 $0x0  }
0x7a: {  	[sflag:s17] =	ssyncadd.s32 @!p0 $0xFFFFC000  }
0x7b: {  	[tilespmem:s1], [sflag:$0x2] =	stream.indirect.gather [hbm4b:s4+s28], $0x80, s28, s28, $0xb8;
	[tilespmem:$0x1C400] =	vst v63  }
0x7c: {  	_ =	swait.ge [sflag:s6], $0x4000  }
0x7d: {  	[sflag:s6] =	ssyncset.done $0x0  }
0x7e: {  	[sflag:s6] =	ssyncadd.s32 $0xFFFFC000  }
0x7f: {  	[spmem:s2] =	stream.indirect.scatter.add.f32 [tilespmem:s30], [sflag:$0x3], $0x80, s26, s28, $0xb8;
	[tilespmem:$0x1C400] =	vst v63  }
0x80: {  	s18 =	sadd.s32 s15, s25;
	s17 =	sadd.s32 s15, s19  }
0x81: {  	[tilespmem:s7], [sflag:$0x1] =	stream.linear.gather [hbm4b:s18+s3], $0x80, $0x38;
	[tilespmem:$0x1C400] =	vst v63  }
0x82: {  	s18 =	sadd.s32 $0x20, s17  }
0x83: {  	[tilespmem:s8], [sflag:$0x1] =	stream.linear.gather [hbm4b:s18+s3], $0x80, $0x38;
	[tilespmem:$0x1C400] =	vst v63  }
0x84: {  	_ =	swait.ge [sflag:s0], $0x80  }
0x85: {  	[sflag:s0] =	ssyncset.done $0x0  }
0x86: {  	[sflag:s0] =	ssyncadd.s32 $0xFFFFFF80  }
0x87: {  	_ =	swait.ge [sflag:s0], $0x80  }
0x88: {  	[sflag:s0] =	ssyncset.done $0x0  }
0x89: {  	[sflag:s0] =	ssyncadd.s32 $0xFFFFFF80  }
0x8a: {  	_ =	swait.ge [sflag:s9], $0x4000  }
0x8b: {  	[sflag:s9] =	ssyncset.done $0x0  }
0x8c: {  	[sflag:s9] =	ssyncadd.s32 $0xFFFFC000  }
0x8d: {  	[tilespmem:s30], [sflag:$0x2] =	stream.indirect.gather [hbm4b:s4+s28], $0x80, s7, s28, $0xb8;
	[tilespmem:$0x1C400] =	vst v63  }
0x8e: {  	_ =	swait.ge [sflag:s6], $0x4000  }
0x8f: {  	[sflag:s6] =	ssyncset.done $0x0  }
0x90: {  	[sflag:s6] =	ssyncadd.s32 $0xFFFFC000  }
0x91: {  	[spmem:s2] =	stream.indirect.scatter.add.f32 [tilespmem:s1], [sflag:$0x3], $0x80, s29, s28, $0xb8;
	[tilespmem:$0x1C400] =	vst v63  }
0x92: {  	s11 =	sadd.s32 s15, s24  }
0x93: {  	[tilespmem:s3], [sflag:$0x1] =	stream.linear.gather [hbm4b:s11+s3], $0x80, $0x38;
	[tilespmem:$0x1C400] =	vst v63  }
0x94: {  	s16 =	sadd.s32 $0x30, s17  }
0x95: {  	[tilespmem:s26], [sflag:$0x1] =	stream.linear.gather [hbm4b:s16+s3], $0x80, $0x38;
	[tilespmem:$0x1C400] =	vst v63  }
0x96: {  	_ =	swait.ge [sflag:s0], $0x80  }
0x97: {  	[sflag:s0] =	ssyncset.done $0x0  }
0x98: {  	[sflag:s0] =	ssyncadd.s32 $0xFFFFFF80  }
0x99: {  	_ =	swait.ge [sflag:s0], $0x80  }
0x9a: {  	[sflag:s0] =	ssyncset.done $0x0  }
0x9b: {  	[sflag:s0] =	ssyncadd.s32 $0xFFFFFF80  }
0x9c: {  	_ =	swait.ge [sflag:s9], $0x4000  }
0x9d: {  	[sflag:s9] =	ssyncset.done $0x0  }
0x9e: {  	[sflag:s9] =	ssyncadd.s32 $0xFFFFC000  }
0x9f: {  	[tilespmem:s1], [sflag:$0x2] =	stream.indirect.gather [hbm4b:s4+s28], $0x80, s3, s28, $0xb8;
	[tilespmem:$0x1C400] =	vst v63  }
0xa0: {  	_ =	swait.ge [sflag:s6], $0x4000  }
0xa1: {  	[sflag:s6] =	ssyncset.done $0x0  }
0xa2: {  	[sflag:s6] =	ssyncadd.s32 $0xFFFFC000  }
0xa3: {  	[spmem:s2] =	stream.indirect.scatter.add.f32 [tilespmem:s30], [sflag:$0x3], $0x80, s8, s28, $0xb8;
	[tilespmem:$0x1C400] =	vst v63  }
0xa4: {  	s11 =	sadd.s32 s15, s23  }
0xa5: {  	[tilespmem:s28], [sflag:$0x1] =	stream.linear.gather [hbm4b:s11+s3], $0x80, $0x38;
	[tilespmem:$0x1C400] =	vst v63  }
0xa6: {  	s16 =	sadd.s32 $0x40, s17  }
0xa7: {  	[tilespmem:s29], [sflag:$0x1] =	stream.linear.gather [hbm4b:s16+s3], $0x80, $0x38;
	[tilespmem:$0x1C400] =	vst v63  }
0xa8: {  	_ =	swait.ge [sflag:s0], $0x80  }
0xa9: {  	[sflag:s0] =	ssyncset.done $0x0  }
0xaa: {  	[sflag:s0] =	ssyncadd.s32 $0xFFFFFF80  }
0xab: {  	_ =	swait.ge [sflag:s0], $0x80  }
0xac: {  	[sflag:s0] =	ssyncset.done $0x0  }
0xad: {  	[sflag:s0] =	ssyncadd.s32 $0xFFFFFF80  }
0xae: {  	_ =	swait.ge [sflag:s9], $0x4000  }
0xaf: {  	[sflag:s9] =	ssyncset.done $0x0  }
0xb0: {  	[sflag:s9] =	ssyncadd.s32 $0xFFFFC000  }
0xb1: {  	[tilespmem:s30], [sflag:$0x2] =	stream.indirect.gather [hbm4b:s4+s28], $0x80, s28, s28, $0xb8;
	[tilespmem:$0x1C400] =	vst v63  }
0xb2: {  	_ =	swait.ge [sflag:s6], $0x4000  }
0xb3: {  	[sflag:s6] =	ssyncset.done $0x0  }
0xb4: {  	[sflag:s6] =	ssyncadd.s32 $0xFFFFC000  }
0xb5: {  	[spmem:s2] =	stream.indirect.scatter.add.f32 [tilespmem:s1], [sflag:$0x3], $0x80, s26, s28, $0xb8;
	[tilespmem:$0x1C400] =	vst v63  }
0xb6: {  	s11 =	sadd.s32 s15, s22  }
0xb7: {  	[tilespmem:s7], [sflag:$0x1] =	stream.linear.gather [hbm4b:s11+s3], $0x80, $0x38;
	[tilespmem:$0x1C400] =	vst v63  }
0xb8: {  	s16 =	sadd.s32 $0x50, s17  }
0xb9: {  	[tilespmem:s8], [sflag:$0x1] =	stream.linear.gather [hbm4b:s16+s3], $0x80, $0x38;
	[tilespmem:$0x1C400] =	vst v63  }
0xba: {  	_ =	swait.ge [sflag:s0], $0x80  }
0xbb: {  	[sflag:s0] =	ssyncset.done $0x0  }
0xbc: {  	[sflag:s0] =	ssyncadd.s32 $0xFFFFFF80  }
0xbd: {  	_ =	swait.ge [sflag:s0], $0x80  }
0xbe: {  	[sflag:s0] =	ssyncset.done $0x0  }
0xbf: {  	[sflag:s0] =	ssyncadd.s32 $0xFFFFFF80  }
0xc0: {  	_ =	swait.ge [sflag:s9], $0x4000  }
0xc1: {  	[sflag:s9] =	ssyncset.done $0x0  }
0xc2: {  	[sflag:s9] =	ssyncadd.s32 $0xFFFFC000  }
0xc3: {  	[tilespmem:s1], [sflag:$0x2] =	stream.indirect.gather [hbm4b:s4+s28], $0x80, s7, s28, $0xb8;
	[tilespmem:$0x1C400] =	vst v63  }
0xc4: {  	_ =	swait.ge [sflag:s6], $0x4000  }
0xc5: {  	p0 =	seq.s32 s15, $0x960;
	[sflag:s6] =	ssyncset.done $0x0  }
0xc6: {  	s18 =	simm.s32 @p0 $0x3;
	[sflag:s6] =	ssyncadd.s32 $0xFFFFC000  }
0xc7: {  	[spmem:s2] =	stream.indirect.scatter.add.f32 [tilespmem:s30], [sflag:$0x3], $0x80, s29, s28, $0xb8;
	[tilespmem:$0x1C400] =	vst v63  }
0xc8: {  	_ =	swait.ge @p0 [sflag:s18], $0x4000  }
0xc9: {  	s16 =	sshrl.u32 @!p0 s21, $0x3;
	[sflag:s18] =	ssyncset.done @p0 $0x0  }
0xca: {  	s16 =	sadd.s32 @!p0 s5, s16;
	[sflag:s18] =	ssyncadd.s32 @p0 $0xFFFFC000;
	s18 =	simm.s32 @!p0 $0x0  }
0xcb: {  	[tilespmem:s18], [sflag:$0x1] =	stream.linear.gather @!p0 [hbm4b:s16+s18], $0x80, $0x38;
	[tilespmem:$0x1C400] =	vst v63  }
0xcc: {  	s16 =	sadd.s32 @!p0 s15, s19  }
0xcd: {  	s11 =	simm.s32 @!p0 $0x180;
	s16 =	sadd.s32 @!p0 $0x60, s16  }
0xce: {  	[tilespmem:s11], [sflag:$0x1] =	stream.linear.gather @!p0 [hbm4b:s16+s18], $0x80, $0x38;
	[tilespmem:$0x1C400] =	vst v63  }
0xcf: {  	s11 =	simm.s32 @!p0 $0x1  }
0xd0: {  	_ =	swait.ge @!p0 [sflag:s11], $0x80  }
0xd1: {  	[sflag:s11] =	ssyncset.done @!p0 $0x0  }
0xd2: {  	[sflag:s11] =	ssyncadd.s32 @!p0 $0xFFFFFF80  }
0xd3: {  	_ =	swait.ge @!p0 [sflag:s11], $0x80  }
0xd4: {  	[sflag:s11] =	ssyncset.done @!p0 $0x0  }
0xd5: {  	[sflag:s11] =	ssyncadd.s32 @!p0 $0xFFFFFF80;
	s11 =	simm.s32 @!p0 $0x3  }
0xd6: {  	_ =	swait.ge @!p0 [sflag:s11], $0x4000  }
0xd7: {  	[sflag:s11] =	ssyncset.done @!p0 $0x0  }
0xd8: {  	s16 =	simm.s32 @!p0 $0x300;
	[sflag:s11] =	ssyncadd.s32 @!p0 $0xFFFFC000;
	s11 =	simm.s32 @!p0 $0x80  }
0xd9: {  	[tilespmem:s16], [sflag:$0x2] =	stream.indirect.gather @!p0 [hbm4b:s4+s11], $0x80, s18, s11, $0xb8;
	[tilespmem:$0x1C400] =	vst v63  }
.Ltmp3:
0xda: {  	_ = 	snop;
	(pc) =	sbr.rel @p0 .LBB2_6-.Ltmp3, $4  }
0xdb: {  	_ =	swait.ge [sflag:s6], $0x4000  }
0xdc: {  	[sflag:s6] =	ssyncset.done $0x0  }
0xdd: {  	[sflag:s6] =	ssyncadd.s32 $0xFFFFC000  }
0xde: {  	[spmem:s2] =	stream.indirect.scatter.add.f32 [tilespmem:s1], [sflag:$0x3], $0x80, s8, s28, $0xb8;
	[tilespmem:$0x1C400] =	vst v63  }
.Ltmp4:
0xdf: {  	(pc) =	sbr.rel .LBB2_4-.Ltmp4, $4  }
0xe0: {  	s11 =	sadd.s32 s15, s20  }
0xe1: {  	[tilespmem:s28], [sflag:$0x1] =	stream.linear.gather [hbm4b:s11+s3], $0x80, $0x38;
	[tilespmem:$0x1C400] =	vst v63  }
0xe2: {  	s18 =	sadd.s32 $0x70, s17;
	s15 =	sadd.s32 $0x60, s15;
	s21 =	sadd.s32 $0x300, s21  }
0xe3: {  	[tilespmem:s29], [sflag:$0x1] =	stream.linear.gather [hbm4b:s18+s3], $0x80, $0x38;
	[tilespmem:$0x1C400] =	vst v63  }
.LBB2_7:
0xe4: {  	_ =	sfence.sel $0x180000  }
0xe5: {  	[bflag:$0x0] =	sbarrier.arrive $0xFFFF  }
0xe6: {  	_ =	strace $0x9000004A  }
0xe7: {  	s0 =	stileid.u32;
	[bflag:$0x2] =	sbarrier.arrive $0xFFFF  }
0xe8: {  	p0 =	sne.s32 s0, $0x0;
	s0 =	rddreg [dreg:$0x2]  }
0xe9: {  	s0 =	sadd.s32 @!p0 $0x100000, s0  }
0xea: {  	[sflag:s0] =	ssyncadd.tile.s32 @!p0 $0x1;
	_ =	shalt  }
.Lfunc_end2:
_tile_overlayer_lowered:
.L_overlay_start_2:
0xeb: {  	(tag) =	ssettag $0x2  }
0xec: {  	s0 =	rddreg [dreg:$0x0];
	s2 =	stileid.u32  }
0xed: {  	s1 =	rddreg [dreg:$0x1];
	p0 =	sne.s32 s2, $0x0  }
0xee: {  	s3 =	rddreg [dreg:$0x2];
	[bflag:$0x3] =	sbarrier.arrive $0xFFFF;
	s2 =	simm.s32 @!p0 $0x1C04  }
0xef: {  	[timem:s3], [sflag:s2] =	dma.local @!p0 [hbm:s0], s1  }
0xf0: {  	s0 =	simm.s32 @!p0 $0x4  }
0xf1: {  	_ =	swait.ge @!p0 [sflag:s0], s1  }
0xf2: {  	s1 =	ssub.s32 @!p0 $0x0, s1;
	[sflag:s0] =	ssyncset.done @!p0 $0x0  }
0xf3: {  	[sflag:s0] =	ssyncadd.s32 @!p0 s1  }
0xf4: {  	[bflag:$0x3] =	sbarrier.arrive $0xFFFF  }
0xf5: {  	_ =	shalt  }

// kernel: kernel.7.cloned.1.call-start
scs
__scs_entry_jumppad:
0x0: {  	(pc) =	sbr.rel $0x88, $3  }
0x1: {  	(tag) =	ssettag $0x0;
	lr =	simm.s32 $0x1  }
0x2: {  	[smem:$0x3F86] =	sst lr;
	_ =	strace $0xD0000000  }
0x3: {  	_ = 	snop  }
0x4: {  	_ = 	snop  }
0x5: {  	_ = 	snop  }
0x6: {  	_ = 	snop  }
0x7: {  	_ = 	snop  }
__scs_overlays_trampoline_lowered:
0x8: {  	[smem:$0x3F95] =	sst s0  }
0x9: {  	[smem:$0x3F96] =	sst s1  }
0xa: {  	[smem:$0x3F97] =	sst s2  }
0xb: {  	[smem:$0x3F98] =	sst s3  }
0xc: {  	[smem:$0x3F99] =	sst s4  }
0xd: {  	[smem:$0x3F9A] =	sst s5  }
0xe: {  	[smem:$0x3F9B] =	sst s6  }
0xf: {  	[smem:$0x3F9C] =	sst s7  }
0x10: {  	[smem:$0x3F9D] =	sst s8  }
0x11: {  	[smem:$0x3F9E] =	sst s9;
	s0 =	simm.s32 @!p0 $0x0  }
0x12: {  	s1 =	sld [smem:$0x3F84];
	s0 =	simm.s32 @p0 $0x1  }
0x13: {  	[smem:$0x3F9F] =	sst s0;
	s0 =	simm.s32 @!p1 $0x0  }
0x14: {  	s2 =	sld [smem:$0x3F83];
	s0 =	simm.s32 @p1 $0x1  }
0x15: {  	[smem:$0x3FA0] =	sst s0;
	s0 =	simm.s32 @!p2 $0x0  }
0x16: {  	s3 =	sld [smem:$0x3FDB];
	s0 =	simm.s32 @p2 $0x1  }
0x17: {  	s4 =	simm.s32 $0x1BF5;
	[smem:$0x3FA2] =	sst s0  }
0x18: {  	s0 =	sld [smem:$0x3F85];
	_ =	swait.ge [sflag:s4], $0x0  }
0x19: {  	s7 =	sld [smem:$0x3F86]  }
0x1a: {  	s8 =	sadd.s32 $0xFFFFE003, lr  }
0x1b: {  	s9 =	sadd.s32 $0xFFFFFEF7, lr;
	s5 =	simm.s32 $0xFFFFFFFF;
	p2 =	slt.u32 s8, $0xFFFFF086  }
0x1c: {  	p1 =	slt.u32 s9, $0xF7A;
	s5 =	simm.s32 @!p2 $0x0  }
0x1d: {  	s5 =	simm.s32 @p1 $0x1;
	p0 =	seq.s32 s7, s2  }
0x1e: {  	s7 =	smul.u32 @!p0 $0xF7A, s2;
	p2 =	seq.s32 @!p0 s5, $0x0  }
0x1f: {  	s9 =	smul.u32 $0xF7A, s1;
	s8 =	simm.s32 @!p0 $0x1BF5;
	p2 =	por !p2, p0  }
0x20: {  	[sflag:s8] =	ssyncset.s32 @!p0 $0xFFFFF086;
	s6 =	sadd.s32 @!p0 s3, s7;
	s7 =	simm.s32 @!p0 $0x108  }
0x21: {  	s3 =	sadd.s32 s3, s9;
	s6 =	sadd.s32 @!p0 $0x88, s6;
	s7 =	simm.s32 @p2 $0x1082  }
0x22: {  	[simem:s7], [sflag:s8] =	dma.local @!p0 [hbm:s6], $0xF7A  }
0x23: {  	s9 =	sor.u32 $0xD0000000, s2;
	s6 =	simm.s32 $0x108;
	_ =	swait.ge @!p0 [sflag:s8], $0x0  }
0x24: {  	s3 =	sadd.s32 $0x88, s3;
	s6 =	simm.s32 @!p1 $0x1082;
	[sflag:s4] =	ssyncset.s32 $0xFFFFF086  }
0x25: {  	[simem:s6], [sflag:s4] =	dma.local [hbm:s3], $0xF7A  }
0x26: {  	[smem:$0x3F86] =	sst s1;
	(tag) =	ssettag s2;
	_ =	strace s9  }
0x27: {  	s1 =	sld [smem:$0x3F96]  }
0x28: {  	s2 =	sld [smem:$0x3F97]  }
0x29: {  	s4 =	sld [smem:$0x3F99]  }
0x2a: {  	p0 =	seq.s32 s5, $0x0;
	s5 =	sld [smem:$0x3F9A]  }
0x2b: {  	s6 =	sld [smem:$0x3F9B]  }
0x2c: {  	s7 =	sld [smem:$0x3F9C]  }
0x2d: {  	s3 =	simm.s32 $0x108;
	s8 =	sld [smem:$0x3F9D]  }
0x2e: {  	s3 =	simm.s32 @!p0 $0x1082;
	s9 =	sld [smem:$0x3F9E]  }
0x2f: {  	lr =	sadd.s32 s0, s3;
	s0 =	sld [smem:$0x3F95]  }
0x30: {  	s3 =	sld [smem:$0x3F98]  }
0x31: {  	[smem:$0x3FA1] =	sst s10  }
0x32: {  	s10 =	sld [smem:$0x3F9F];
	_ =	sdelay $0x3  }
0x33: {  	p0 =	seq.s32 s10, $0x1;
	s10 =	sld [smem:$0x3FA1];
	_ =	sdelay $0x3  }
0x34: {  	[smem:$0x3FA1] =	sst s10  }
0x35: {  	s10 =	sld [smem:$0x3FA0];
	_ =	sdelay $0x3  }
0x36: {  	p1 =	seq.s32 s10, $0x1;
	s10 =	sld [smem:$0x3FA1];
	_ =	sdelay $0x3  }
0x37: {  	[smem:$0x3FA1] =	sst s10  }
0x38: {  	s10 =	sld [smem:$0x3FA2]  }
0x39: {  	_ = 	snop;
	(pc) =	sbr.ind lr, $3  }
0x3a: {  	_ = 	snop  }
0x3b: {  	_ = 	snop  }
0x3c: {  	p2 =	seq.s32 s10, $0x1;
	s10 =	sld [smem:$0x3FA1]  }
0x3d: {  	_ =	shalt  }
0x3e: {  	_ =	shalt  }
0x3f: {  	_ =	shalt  }
0x40: {  	_ =	shalt  }
0x41: {  	_ =	shalt  }
0x42: {  	_ =	shalt  }
0x43: {  	_ =	shalt  }
0x44: {  	_ =	shalt  }
0x45: {  	_ =	shalt  }
0x46: {  	_ =	shalt  }
0x47: {  	_ =	shalt  }
0x48: {  	_ =	shalt  }
0x49: {  	_ =	shalt  }
0x4a: {  	_ =	shalt  }
0x4b: {  	_ =	shalt  }
0x4c: {  	_ =	shalt  }
0x4d: {  	_ =	shalt  }
0x4e: {  	_ =	shalt  }
0x4f: {  	_ =	shalt  }
0x50: {  	_ =	shalt  }
0x51: {  	_ =	shalt  }
0x52: {  	_ =	shalt  }
0x53: {  	_ =	shalt  }
0x54: {  	_ =	shalt  }
0x55: {  	_ =	shalt  }
0x56: {  	_ =	shalt  }
0x57: {  	_ =	shalt  }
0x58: {  	_ =	shalt  }
0x59: {  	_ =	shalt  }
0x5a: {  	_ =	shalt  }
0x5b: {  	_ =	shalt  }
0x5c: {  	_ =	shalt  }
0x5d: {  	_ =	shalt  }
0x5e: {  	_ =	shalt  }
0x5f: {  	_ =	shalt  }
0x60: {  	_ =	shalt  }
0x61: {  	_ =	shalt  }
0x62: {  	_ =	shalt  }
0x63: {  	_ =	shalt  }
0x64: {  	_ =	shalt  }
0x65: {  	_ =	shalt  }
0x66: {  	_ =	shalt  }
0x67: {  	_ =	shalt  }
0x68: {  	_ =	shalt  }
0x69: {  	_ =	shalt  }
0x6a: {  	_ =	shalt  }
0x6b: {  	_ =	shalt  }
0x6c: {  	_ =	shalt  }
0x6d: {  	_ =	shalt  }
0x6e: {  	_ =	shalt  }
0x6f: {  	_ =	shalt  }
0x70: {  	_ =	shalt  }
0x71: {  	_ =	shalt  }
0x72: {  	_ =	shalt  }
0x73: {  	_ =	shalt  }
0x74: {  	_ =	shalt  }
0x75: {  	_ =	shalt  }
0x76: {  	_ =	shalt  }
0x77: {  	_ =	shalt  }
0x78: {  	_ =	shalt  }
0x79: {  	_ =	shalt  }
0x7a: {  	_ =	shalt  }
0x7b: {  	_ =	shalt  }
0x7c: {  	_ =	shalt  }
0x7d: {  	_ =	shalt  }
0x7e: {  	_ =	shalt  }
0x7f: {  	_ =	shalt  }
0x80: {  	_ =	shalt  }
0x81: {  	_ =	shalt  }
0x82: {  	_ =	shalt  }
0x83: {  	_ =	shalt  }
0x84: {  	_ =	shalt  }
0x85: {  	_ =	shalt  }
0x86: {  	_ =	shalt  }
0x87: {  	_ =	shalt  }
.Lfunc_end0:
.L_simem_size_0:
called_computation_lowered:
.L_overlay_start_0:
0x88: {  	s2 =	sld [smem:$0x3FD9]  }
0x89: {  	s3 =	sld [smem:$0x3FFE];
	_ =	sdelay $0x1  }
0x8a: {  	s1 =	srdreg.scid  }
0x8b: {  	s0 =	sand.u32 $0x1, s1  }
0x8c: {  	s16 =	sshll.u32 s0, $0xA;
	s2 =	sadd.s32 s3, s2  }
0x8d: {  	s2 =	sadd.s32 s2, s16  }
0x8e: {  	[smem:$0x3FAD] =	sst s2  }
0x8f: {  	_ = 	snop  }
0x90: {  	(tm) =	ssettm $0x1  }
0x91: {  	s17 =	sld [smem:$0x3FFB];
	_ =	sdelay $0x3  }
0x92: {  	_ =	strace s17  }
0x93: {  	s2 =	sld [smem:$0x3FFC];
	_ =	sdelay $0x3  }
0x94: {  	_ =	strace s2  }
0x95: {  	s2 =	sld [smem:$0x3FFD];
	_ =	sdelay $0x3  }
0x96: {  	_ =	strace s2  }
0x97: {  	_ =	strace $0x8FFFFFFF  }
0x98: {  	s18 =	sld [smem:$0x3FDB];
	_ =	sdelay $0x1  }
0x99: {  	s19 =	simm.s32 $_scs_section_size  }
0x9a: {  	s4 =	simm.s32 $_size__tile_overlayer_lowered;
	s5 =	simm.s32 $_tile_overlayer_lowered  }
0x9b: {  	s22 =	simm.s32 $0x1BFF;
	s21 =	sshll.u32 s5, $0x1;
	s2 =	sadd.s32 s19, s18  }
0x9c: {  	s6 =	simm.s32 $0x0;
	s20 =	sshll.u32 s4, $0x1;
	s4 =	sadd.s32 s21, s2  }
0x9d: {  	[timem:s6], [sflag:s22] =	dma.local [hbm:s4], s20  }
0x9e: {  	_ =	swait.ge [sflag:s22], s20  }
0x9f: {  	s3 =	ssub.s32 $0x0, s20;
	[sflag:s22] =	ssyncset.done $0x0  }
0xa0: {  	[sflag:s22] =	ssyncadd.s32 s3;
	_ =	sdelay $0x1  }
0xa1: {  	s23 =	simm.s32 $0x1B8B  }
0xa2: {  	_ =	swait.ge [sflag:s23], $0x1  }
0xa3: {  	[sflag:s23] =	ssyncset.done $0x0  }
0xa4: {  	s25 =	simm.s32 $0x1B8E;
	s24 =	sld [smem:$0x3FFE];
	[sflag:s23] =	ssyncadd.s32 $0xFFFFFFFF  }
0xa5: {  	s26 =	simm.s32 $execute0_lowered;
	[smem:$0x3FD2] =	sst s25  }
0xa6: {  	s4 =	sshll.u32 s26, $0x1;
	_ =	strace $0x80000046;
	[dreg:$0x1] =	wrdreg $0xFFFFFFFF  }
0xa7: {  	s28 =	simm.s32 $_size_execute0_lowered;
	s2 =	sadd.s32 s2, s4;
	[dreg:$0x0] =	wrdreg $0x0  }
0xa8: {  	s4 =	sshll.u32 s28, $0x1;
	[dreg:$0x2] =	wrdreg s2  }
0xa9: {  	[dreg:$0x3] =	wrdreg s4  }
0xaa: {  	[dreg:$0x4] =	wrdreg $0xC0  }
0xab: {  	_ =	task [dreg:s6], $0x5FFFF  }
0xac: {  	[dreg:$0x1] =	wrdreg $0xFFFFFFFF  }
0xad: {  	[dreg:$0x0] =	wrdreg $0x60  }
0xae: {  	[dreg:$0x2] =	wrdreg s24  }
0xaf: {  	[dreg:$0x3] =	wrdreg $0x84000  }
0xb0: {  	[dreg:$0x4] =	wrdreg $0x9  }
0xb1: {  	_ =	task.clear_ibuf [dreg:s6], $0x5FFFF;
	_ =	strace $0x90000046  }
0xb2: {  	s29 =	simm.s32 $0x9;
	_ =	strace $0x80000048  }
0xb3: {  	_ =	swait.ge [sflag:s29], $0x1  }
0xb4: {  	[sflag:s29] =	ssyncadd.s32 $0xFFFFFFFF  }
0xb5: {  	_ =	strace $0x90000048  }
0xb6: {  	_ =	sfence  }
0xb7: {  	s30 =	sld [smem:$0x0];
	_ =	sdelay $0x2  }
0xb8: {  	s31 =	sshll.u32 s1, $0xD;
	s1 =	sshrl.u32 s1, $0x2  }
0xb9: {  	s3 =	sand.u32 $0x4000, s31;
	s1 =	sadd.s32 s1, s30  }
0xba: {  	s0 =	sor.u32 s3, s0;
	s1 =	sshll.u32 s1, $0x11  }
0xbb: {  	s0 =	sor.u32 s1, s0  }
0xbc: {  	s0 =	sadd.s32 $0x8F2B, s0  }
0xbd: {  	[sflag:s0] =	ssyncadd.remote.s32 $0x1  }
0xbe: {  	_ =	sfence.sel $0xFFFF  }
0xbf: {  	[dreg:$0x0] =	wrdreg $0xFFFFFFFF;
	(pc) =	sbr.abs _section_cstart, $3  }
0xc0: {  	[dreg:$0x1] =	wrdreg $0xFFFFFFFF  }
0xc1: {  	_ =	task.clear_ibuf [dreg:s6], $0x2FFFF;
	_ =	strace $0x9FFFFFFF  }
0xc2: {  	(tm) =	ssettm $0x7FFFFFFF  }
0xc3: {  	_ =	shalt  }
tec
execute0_lowered:
.L_overlay_start_1:
0x0: {  	(tag) =	ssettag $0x1  }
0x1: {  	s0 =	rddreg [dreg:$0x0]  }
0x2: {  	s2 =	rddreg [dreg:$0x1];
	s3 =	simm.s32 $0x0  }
0x3: {  	s1 =	srdreg.scid;
	s16 =	stileid.u32;
	s28 =	simm.s32 $0x80  }
0x4: {  	s29 =	simm.s32 $0x200;
	s30 =	simm.s32 $0x300;
	s6 =	smul.u32 $0x4E20, s16  }
0x5: {  	s31 =	simm.s32 $0x4;
	[smem:$0x7FF] =	sst s3;
	s15 =	smul.u32 $0x50000, s16  }
0x6: {  	s1 =	sand.u32 $0x1, s1;
	s4 =	sadd.s32 $0x22200, s0;
	s17 =	smul.u32 $0x2800, s16  }
0x7: {  	s5 =	sadd.s32 $0xE800, s0;
	s8 =	sadd.s32 $0x4A00, s0;
	s19 =	smul.u32 $0x9C4, s16  }
0x8: {  	_ =	strace $0x80000047;
	s7 =	smul.u32 $0x4E200, s1;
	s9 =	ssub.s32 $0x2, s1  }
0x9: {  	p0 =	seq.s32 s1, $0x1;
	s1 =	simm.s32 $0x98400;
	s10 =	sshrl.u32 s9, $0x1  }
0xa: {  	s12 =	sadd.s32 $0x80, s6;
	s14 =	sshrl.u32 s6, $0x3;
	s26 =	sshrl.u32 s15, $0x2  }
0xb: {  	s1 =	simm.s32 @!p0 $0x70400;
	s19 =	sadd.s32 s19, s8;
	s11 =	sadd.s32 s6, s7  }
0xc: {  	s9 =	ssub.s32 s9, s10;
	s13 =	sadd.s32 s7, s12;
	s23 =	sadd.s32 s8, s14  }
0xd: {  	s25 =	sshrl.u32 s12, $0x3;
	s6 =	sadd.s32 $0x4E00, s6;
	s0 =	sadd.s32 s1, s0  }
0xe: {  	s22 =	sshrl.u32 s11, $0x3;
	s13 =	sshrl.u32 s13, $0x3;
	[dreg:$0x4] =	wrdreg s23  }
0xf: {  	s7 =	sadd.s32 s7, s6;
	s6 =	sshrl.u32 s6, $0x3;
	s18 =	smax.u32 s9, $0x1  }
0x10: {  	s0 =	sadd.s32 s0, s17;
	s20 =	sadd.s32 $0x380, s11;
	s21 =	sadd.s32 $0x280, s11  }
0x11: {  	s23 =	sadd.s32 $0x300, s11;
	s9 =	simm.s32 $0x3;
	[dreg:$0xd] =	wrdreg s18  }
0x12: {  	s10 =	sadd.s32 s5, s22;
	s24 =	sadd.s32 s5, s13;
	[dreg:$0xe] =	wrdreg s0  }
0x13: {  	s7 =	sshrl.u32 s7, $0x3;
	s6 =	sadd.s32 s8, s6;
	[dreg:$0xf] =	wrdreg s23  }
0x14: {  	s0 =	sshrl.u32 s20, $0x3;
	s22 =	sshrl.u32 s21, $0x3;
	[dreg:$0x3] =	wrdreg s10  }
0x15: {  	[dreg:$0x5] =	wrdreg s24;
	s10 =	sadd.s32 s8, s25;
	s7 =	sadd.s32 s5, s7  }
0x16: {  	[dreg:$0xc] =	wrdreg s6;
	s20 =	sadd.s32 s0, s5;
	s22 =	sadd.s32 s22, s5  }
0x17: {  	s24 =	sadd.s32 $0x200, s11;
	s25 =	sadd.s32 $0x180, s11;
	[dreg:$0x6] =	wrdreg s10  }
0x18: {  	s8 =	simm.s32 $0x280;
	s10 =	sadd.s32 s26, s2;
	[dreg:$0xb] =	wrdreg s7  }
0x19: {  	s26 =	sadd.s32 $0x100, s11;
	s0 =	sshrl.u32 s24, $0x3;
	s1 =	sshrl.u32 s25, $0x3  }
0x1a: {  	s7 =	simm.s32 $0x100;
	s12 =	sadd.s32 $0x4000, s10;
	s13 =	sadd.s32 $0x8000, s10  }
0x1b: {  	s14 =	sadd.s32 $0xC000, s10;
	s15 =	sadd.s32 $0x10000, s10;
	s6 =	sshrl.u32 s26, $0x3  }
.Ltmp0:
0x1c: {  	s23 =	sadd.s32 s0, s5;
	[dreg:$0x7] =	wrdreg s12;
	(pc) =	sbr.rel .LBB2_1-.Ltmp0, $4  }
0x1d: {  	s24 =	sadd.s32 s1, s5;
	s26 =	simm.s32 $0x180;
	[dreg:$0x8] =	wrdreg s13  }
0x1e: {  	s0 =	simm.s32 $0x1;
	s1 =	simm.s32 $0x4300;
	[dreg:$0x9] =	wrdreg s14  }
0x1f: {  	[dreg:$0xa] =	wrdreg s15;
	s25 =	sadd.s32 s6, s5;
	s6 =	simm.s32 $0x2  }
0x20: {  	v0 =	vimm.f32 $0.0e+00;
	s12 =	simm.s32 $0x8380;
	s13 =	simm.s32 $0x20;
	s14 =	simm.s32 $0x0  }
.LBB2_6:
0x21: {  	_ =	swait.ge [sflag:s9], $0x4000  }
0x22: {  	[sflag:s9] =	ssyncset.done $0x0  }
0x23: {  	s15 =	simm.s32 $0x8300;
	s11 =	rddreg [dreg:$0xb];
	[sflag:s9] =	ssyncadd.s32 $0xFFFFC000  }
0x24: {  	[tilespmem:s15], [sflag:$0x4] =	stream.linear.gather [hbm4b:s11+s3], $0x20, $0x38;
	[tilespmem:$0x1C400] =	vst v63  }
0x25: {  	_ =	swait.ge [sflag:s31], $0x20  }
0x26: {  	[sflag:s31] =	ssyncset.done $0x0  }
0x27: {  	s16 =	rddreg [dreg:$0xc];
	[sflag:s31] =	ssyncadd.s32 $0xFFFFFFE0  }
0x28: {  	[tilespmem:s12], [sflag:$0x4] =	stream.linear.gather [hbm4b:s16+s3], $0x20, $0x38;
	[tilespmem:$0x1C400] =	vst v63  }
0x29: {  	_ =	swait.ge [sflag:s31], $0x20  }
0x2a: {  	[sflag:s31] =	ssyncset.done $0x0  }
0x2b: {  	[sflag:s31] =	ssyncadd.s32 $0xFFFFFFE0  }
0x2c: {  	[tilespmem:s30], [sflag:$0x2] =	stream.indirect.gather [hbm4b:s4+s13], $0x80, s15, s13, $0xb8;
	[tilespmem:$0x1C400] =	vst v63  }
0x2d: {  	_ =	swait.ge [sflag:s6], $0x1000  }
0x2e: {  	[sflag:s6] =	ssyncset.done $0x0  }
0x2f: {  	[sflag:s6] =	ssyncadd.s32 $0xFFFFF000  }
0x30: {  	[spmem:s2] =	stream.indirect.scatter.add.f32 [tilespmem:s30], [sflag:$0x4], $0x80, s12, s13, $0xb8;
	[tilespmem:$0x1C400] =	vst v63  }
0x31: {  	_ =	swait.ge [sflag:s31], $0x1000  }
0x32: {  	[sflag:s31] =	ssyncset.done $0x0  }
0x33: {  	s17 =	stileid.u32;
	[sflag:s31] =	ssyncadd.s32 $0xFFFFF000  }
0x34: {  	s11 =	sshll.u32 s17, $0x6;
	[bflag:$0x0] =	sbarrier.arrive $0xFFFF  }
0x35: {  	s18 =	sshrl.u32 s10, $0x3;
	s11 =	sor.u32 $0x1C04, s11;
	s16 =	rddreg [dreg:$0xe]  }
0x36: {  	[hbm:s16], [sflag:s11] =	dma.local [spmem:s18], $0x2800  }
0x37: {  	_ =	swait.ge [sflag:s31], $0x2800  }
0x38: {  	s14 =	sadd.s32 $0x1, s14;
	s21 =	rddreg [dreg:$0xd]  }
0x39: {  	p0 =	sne.s32 s14, s21  }
.Ltmp1:
0x3a: {  	_ = 	snop;
	(pc) =	sbr.rel @!p0 .LBB2_7-.Ltmp1, $3  }
0x3b: {  	_ =	sdelay $0x1  }
0x3c: {  	[sflag:s31] =	ssyncset.done $0x0  }
0x3d: {  	[sflag:s31] =	ssyncadd.s32 $0xFFFFD800  }
.LBB2_1:
0x3e: {  	s11 =	rddreg [dreg:$0x3]  }
0x3f: {  	[tilespmem:s3], [sflag:$0x1] =	stream.linear.gather [hbm4b:s11+s3], $0x80, $0x38;
	[tilespmem:$0x1C400] =	vst v63  }
0x40: {  	s17 =	rddreg [dreg:$0x4]  }
0x41: {  	[tilespmem:s26], [sflag:$0x1] =	stream.linear.gather [hbm4b:s17+s3], $0x80, $0x38;
	[tilespmem:$0x1C400] =	vst v63  }
0x42: {  	s18 =	rddreg [dreg:$0x5]  }
0x43: {  	[tilespmem:s28], [sflag:$0x1] =	stream.linear.gather [hbm4b:s18+s3], $0x80, $0x38;
	[tilespmem:$0x1C400] =	vst v63  }
0x44: {  	s21 =	rddreg [dreg:$0x6];
	s15 =	simm.s32 $0x0;
	s17 =	simm.s32 $0x200  }
0x45: {  	[tilespmem:s29], [sflag:$0x1] =	stream.linear.gather [hbm4b:s21+s3], $0x80, $0x38;
	[tilespmem:$0x1C400] =	vst v63  }
.LBB2_2:
0x46: {  	p0 =	sne.s32 s17, $0xFE00;
	[tilespmem:s15+$0x370] =	vst v0  }
0x47: {  	[tilespmem:s15+$0x300] =	vst v0  }
0x48: {  	[tilespmem:s15+$0x310] =	vst v0  }
.Ltmp2:
0x49: {  	[tilespmem:s15+$0x320] =	vst v0;
	(pc) =	sbr.rel @p0 .LBB2_2-.Ltmp2, $4  }
0x4a: {  	[tilespmem:s15+$0x330] =	vst v0  }
0x4b: {  	[tilespmem:s15+$0x340] =	vst v0  }
0x4c: {  	[tilespmem:s15+$0x350] =	vst v0  }
0x4d: {  	[tilespmem:s15+$0x360] =	vst v0;
	s15 =	sshra.s32 s17, $0x2;
	s17 =	sadd.s32 $0x200, s17  }
0x4e: {  	[tilespmem:s15+$0x370] =	vst v0  }
0x4f: {  	[tilespmem:s15+$0x300] =	vst v0  }
0x50: {  	[tilespmem:s15+$0x310] =	vst v0  }
0x51: {  	[tilespmem:s15+$0x320] =	vst v0  }
0x52: {  	[tilespmem:s15+$0x330] =	vst v0  }
0x53: {  	[tilespmem:s15+$0x340] =	vst v0  }
0x54: {  	[tilespmem:s15+$0x350] =	vst v0  }
0x55: {  	[tilespmem:s15+$0x360] =	vst v0  }
0x56: {  	[spmem:s10] =	stream.linear.scatter [tilespmem:s30], [sflag:$0x4], $0x4000, $0x38;
	[tilespmem:$0x1C400] =	vst v63  }
0x57: {  	_ =	swait.ge [sflag:s31], $0x4000  }
0x58: {  	[sflag:s31] =	ssyncset.done $0x0  }
0x59: {  	s11 =	rddreg [dreg:$0x7];
	[sflag:s31] =	ssyncadd.s32 $0xFFFFC000  }
0x5a: {  	[spmem:s11] =	stream.linear.scatter [tilespmem:s30], [sflag:$0x4], $0x4000, $0x38;
	[tilespmem:$0x1C400] =	vst v63  }
0x5b: {  	_ =	swait.ge [sflag:s31], $0x4000  }
0x5c: {  	[sflag:s31] =	ssyncset.done $0x0  }
0x5d: {  	s17 =	rddreg [dreg:$0x8];
	[sflag:s31] =	ssyncadd.s32 $0xFFFFC000  }
0x5e: {  	[spmem:s17] =	stream.linear.scatter [tilespmem:s30], [sflag:$0x4], $0x4000, $0x38;
	[tilespmem:$0x1C400] =	vst v63  }
0x5f: {  	_ =	swait.ge [sflag:s31], $0x4000  }
0x60: {  	[sflag:s31] =	ssyncset.done $0x0  }
0x61: {  	s18 =	rddreg [dreg:$0x9];
	[sflag:s31] =	ssyncadd.s32 $0xFFFFC000  }
0x62: {  	[spmem:s18] =	stream.linear.scatter [tilespmem:s30], [sflag:$0x4], $0x4000, $0x38;
	[tilespmem:$0x1C400] =	vst v63  }
0x63: {  	_ =	swait.ge [sflag:s31], $0x4000  }
0x64: {  	[sflag:s31] =	ssyncset.done $0x0  }
0x65: {  	s21 =	rddreg [dreg:$0xa];
	[sflag:s31] =	ssyncadd.s32 $0xFFFFC000  }
0x66: {  	[spmem:s21] =	stream.linear.scatter [tilespmem:s30], [sflag:$0x4], $0x4000, $0x38;
	[tilespmem:$0x1C400] =	vst v63  }
0x67: {  	_ =	swait.ge [sflag:s31], $0x4000  }
0x68: {  	[sflag:s31] =	ssyncset.done $0x0  }
0x69: {  	[sflag:s31] =	ssyncadd.s32 $0xFFFFC000  }
0x6a: {  	[bflag:$0x0] =	sbarrier.arrive $0xFFFF  }
0x6b: {  	_ =	swait.ge [sflag:s0], $0x80  }
0x6c: {  	[sflag:s0] =	ssyncset.done $0x0  }
0x6d: {  	[sflag:s0] =	ssyncadd.s32 $0xFFFFFF80  }
0x6e: {  	_ =	swait.ge [sflag:s0], $0x80  }
0x6f: {  	[sflag:s0] =	ssyncset.done $0x0  }
0x70: {  	s15 =	simm.s32 $0x0;
	s21 =	rddreg [dreg:$0xf];
	[sflag:s0] =	ssyncadd.s32 $0xFFFFFF80  }
0x71: {  	[tilespmem:s30], [sflag:$0x2] =	stream.indirect.gather [hbm4b:s4+s28], $0x80, s15, s28, $0xb8;
	[tilespmem:$0x1C400] =	vst v63  }
.LBB2_4:
0x72: {  	_ =	swait.ge [sflag:s0], $0x80  }
0x73: {  	[sflag:s0] =	ssyncset.done $0x0  }
0x74: {  	[sflag:s0] =	ssyncadd.s32 $0xFFFFFF80  }
0x75: {  	_ =	swait.ge [sflag:s0], $0x80  }
0x76: {  	p0 =	seq.s32 s15, $0x0;
	[sflag:s0] =	ssyncset.done $0x0  }
0x77: {  	s17 =	simm.s32 @!p0 $0x3;
	[sflag:s0] =	ssyncadd.s32 $0xFFFFFF80  }
0x78: {  	_ =	swait.ge @!p0 [sflag:s17], $0x4000  }
0x79: {  	[sflag:s17] =	ssyncset.done @!p0 $0x0  }
0x7a: {  	[sflag:s17] =	ssyncadd.s32 @!p0 $0xFFFFC000  }
0x7b: {  	[tilespmem:s1], [sflag:$0x2] =	stream.indirect.gather [hbm4b:s4+s28], $0x80, s28, s28, $0xb8;
	[tilespmem:$0x1C400] =	vst v63  }
0x7c: {  	_ =	swait.ge [sflag:s6], $0x4000  }
0x7d: {  	[sflag:s6] =	ssyncset.done $0x0  }
0x7e: {  	[sflag:s6] =	ssyncadd.s32 $0xFFFFC000  }
0x7f: {  	[spmem:s2] =	stream.indirect.scatter.add.f32 [tilespmem:s30], [sflag:$0x3], $0x80, s26, s28, $0xb8;
	[tilespmem:$0x1C400] =	vst v63  }
0x80: {  	s18 =	sadd.s32 s15, s25;
	s17 =	sadd.s32 s15, s19  }
0x81: {  	[tilespmem:s7], [sflag:$0x1] =	stream.linear.gather [hbm4b:s18+s3], $0x80, $0x38;
	[tilespmem:$0x1C400] =	vst v63  }
0x82: {  	s18 =	sadd.s32 $0x20, s17  }
0x83: {  	[tilespmem:s8], [sflag:$0x1] =	stream.linear.gather [hbm4b:s18+s3], $0x80, $0x38;
	[tilespmem:$0x1C400] =	vst v63  }
0x84: {  	_ =	swait.ge [sflag:s0], $0x80  }
0x85: {  	[sflag:s0] =	ssyncset.done $0x0  }
0x86: {  	[sflag:s0] =	ssyncadd.s32 $0xFFFFFF80  }
0x87: {  	_ =	swait.ge [sflag:s0], $0x80  }
0x88: {  	[sflag:s0] =	ssyncset.done $0x0  }
0x89: {  	[sflag:s0] =	ssyncadd.s32 $0xFFFFFF80  }
0x8a: {  	_ =	swait.ge [sflag:s9], $0x4000  }
0x8b: {  	[sflag:s9] =	ssyncset.done $0x0  }
0x8c: {  	[sflag:s9] =	ssyncadd.s32 $0xFFFFC000  }
0x8d: {  	[tilespmem:s30], [sflag:$0x2] =	stream.indirect.gather [hbm4b:s4+s28], $0x80, s7, s28, $0xb8;
	[tilespmem:$0x1C400] =	vst v63  }
0x8e: {  	_ =	swait.ge [sflag:s6], $0x4000  }
0x8f: {  	[sflag:s6] =	ssyncset.done $0x0  }
0x90: {  	[sflag:s6] =	ssyncadd.s32 $0xFFFFC000  }
0x91: {  	[spmem:s2] =	stream.indirect.scatter.add.f32 [tilespmem:s1], [sflag:$0x3], $0x80, s29, s28, $0xb8;
	[tilespmem:$0x1C400] =	vst v63  }
0x92: {  	s11 =	sadd.s32 s15, s24  }
0x93: {  	[tilespmem:s3], [sflag:$0x1] =	stream.linear.gather [hbm4b:s11+s3], $0x80, $0x38;
	[tilespmem:$0x1C400] =	vst v63  }
0x94: {  	s16 =	sadd.s32 $0x30, s17  }
0x95: {  	[tilespmem:s26], [sflag:$0x1] =	stream.linear.gather [hbm4b:s16+s3], $0x80, $0x38;
	[tilespmem:$0x1C400] =	vst v63  }
0x96: {  	_ =	swait.ge [sflag:s0], $0x80  }
0x97: {  	[sflag:s0] =	ssyncset.done $0x0  }
0x98: {  	[sflag:s0] =	ssyncadd.s32 $0xFFFFFF80  }
0x99: {  	_ =	swait.ge [sflag:s0], $0x80  }
0x9a: {  	[sflag:s0] =	ssyncset.done $0x0  }
0x9b: {  	[sflag:s0] =	ssyncadd.s32 $0xFFFFFF80  }
0x9c: {  	_ =	swait.ge [sflag:s9], $0x4000  }
0x9d: {  	[sflag:s9] =	ssyncset.done $0x0  }
0x9e: {  	[sflag:s9] =	ssyncadd.s32 $0xFFFFC000  }
0x9f: {  	[tilespmem:s1], [sflag:$0x2] =	stream.indirect.gather [hbm4b:s4+s28], $0x80, s3, s28, $0xb8;
	[tilespmem:$0x1C400] =	vst v63  }
0xa0: {  	_ =	swait.ge [sflag:s6], $0x4000  }
0xa1: {  	[sflag:s6] =	ssyncset.done $0x0  }
0xa2: {  	[sflag:s6] =	ssyncadd.s32 $0xFFFFC000  }
0xa3: {  	[spmem:s2] =	stream.indirect.scatter.add.f32 [tilespmem:s30], [sflag:$0x3], $0x80, s8, s28, $0xb8;
	[tilespmem:$0x1C400] =	vst v63  }
0xa4: {  	s11 =	sadd.s32 s15, s23  }
0xa5: {  	[tilespmem:s28], [sflag:$0x1] =	stream.linear.gather [hbm4b:s11+s3], $0x80, $0x38;
	[tilespmem:$0x1C400] =	vst v63  }
0xa6: {  	s16 =	sadd.s32 $0x40, s17  }
0xa7: {  	[tilespmem:s29], [sflag:$0x1] =	stream.linear.gather [hbm4b:s16+s3], $0x80, $0x38;
	[tilespmem:$0x1C400] =	vst v63  }
0xa8: {  	_ =	swait.ge [sflag:s0], $0x80  }
0xa9: {  	[sflag:s0] =	ssyncset.done $0x0  }
0xaa: {  	[sflag:s0] =	ssyncadd.s32 $0xFFFFFF80  }
0xab: {  	_ =	swait.ge [sflag:s0], $0x80  }
0xac: {  	[sflag:s0] =	ssyncset.done $0x0  }
0xad: {  	[sflag:s0] =	ssyncadd.s32 $0xFFFFFF80  }
0xae: {  	_ =	swait.ge [sflag:s9], $0x4000  }
0xaf: {  	[sflag:s9] =	ssyncset.done $0x0  }
0xb0: {  	[sflag:s9] =	ssyncadd.s32 $0xFFFFC000  }
0xb1: {  	[tilespmem:s30], [sflag:$0x2] =	stream.indirect.gather [hbm4b:s4+s28], $0x80, s28, s28, $0xb8;
	[tilespmem:$0x1C400] =	vst v63  }
0xb2: {  	_ =	swait.ge [sflag:s6], $0x4000  }
0xb3: {  	[sflag:s6] =	ssyncset.done $0x0  }
0xb4: {  	[sflag:s6] =	ssyncadd.s32 $0xFFFFC000  }
0xb5: {  	[spmem:s2] =	stream.indirect.scatter.add.f32 [tilespmem:s1], [sflag:$0x3], $0x80, s26, s28, $0xb8;
	[tilespmem:$0x1C400] =	vst v63  }
0xb6: {  	s11 =	sadd.s32 s15, s22  }
0xb7: {  	[tilespmem:s7], [sflag:$0x1] =	stream.linear.gather [hbm4b:s11+s3], $0x80, $0x38;
	[tilespmem:$0x1C400] =	vst v63  }
0xb8: {  	s16 =	sadd.s32 $0x50, s17  }
0xb9: {  	[tilespmem:s8], [sflag:$0x1] =	stream.linear.gather [hbm4b:s16+s3], $0x80, $0x38;
	[tilespmem:$0x1C400] =	vst v63  }
0xba: {  	_ =	swait.ge [sflag:s0], $0x80  }
0xbb: {  	[sflag:s0] =	ssyncset.done $0x0  }
0xbc: {  	[sflag:s0] =	ssyncadd.s32 $0xFFFFFF80  }
0xbd: {  	_ =	swait.ge [sflag:s0], $0x80  }
0xbe: {  	[sflag:s0] =	ssyncset.done $0x0  }
0xbf: {  	[sflag:s0] =	ssyncadd.s32 $0xFFFFFF80  }
0xc0: {  	_ =	swait.ge [sflag:s9], $0x4000  }
0xc1: {  	[sflag:s9] =	ssyncset.done $0x0  }
0xc2: {  	[sflag:s9] =	ssyncadd.s32 $0xFFFFC000  }
0xc3: {  	[tilespmem:s1], [sflag:$0x2] =	stream.indirect.gather [hbm4b:s4+s28], $0x80, s7, s28, $0xb8;
	[tilespmem:$0x1C400] =	vst v63  }
0xc4: {  	_ =	swait.ge [sflag:s6], $0x4000  }
0xc5: {  	p0 =	seq.s32 s15, $0x960;
	[sflag:s6] =	ssyncset.done $0x0  }
0xc6: {  	s18 =	simm.s32 @p0 $0x3;
	[sflag:s6] =	ssyncadd.s32 $0xFFFFC000  }
0xc7: {  	[spmem:s2] =	stream.indirect.scatter.add.f32 [tilespmem:s30], [sflag:$0x3], $0x80, s29, s28, $0xb8;
	[tilespmem:$0x1C400] =	vst v63  }
0xc8: {  	_ =	swait.ge @p0 [sflag:s18], $0x4000  }
0xc9: {  	s16 =	sshrl.u32 @!p0 s21, $0x3;
	[sflag:s18] =	ssyncset.done @p0 $0x0  }
0xca: {  	s16 =	sadd.s32 @!p0 s5, s16;
	[sflag:s18] =	ssyncadd.s32 @p0 $0xFFFFC000;
	s18 =	simm.s32 @!p0 $0x0  }
0xcb: {  	[tilespmem:s18], [sflag:$0x1] =	stream.linear.gather @!p0 [hbm4b:s16+s18], $0x80, $0x38;
	[tilespmem:$0x1C400] =	vst v63  }
0xcc: {  	s16 =	sadd.s32 @!p0 s15, s19  }
0xcd: {  	s11 =	simm.s32 @!p0 $0x180;
	s16 =	sadd.s32 @!p0 $0x60, s16  }
0xce: {  	[tilespmem:s11], [sflag:$0x1] =	stream.linear.gather @!p0 [hbm4b:s16+s18], $0x80, $0x38;
	[tilespmem:$0x1C400] =	vst v63  }
0xcf: {  	s11 =	simm.s32 @!p0 $0x1  }
0xd0: {  	_ =	swait.ge @!p0 [sflag:s11], $0x80  }
0xd1: {  	[sflag:s11] =	ssyncset.done @!p0 $0x0  }
0xd2: {  	[sflag:s11] =	ssyncadd.s32 @!p0 $0xFFFFFF80  }
0xd3: {  	_ =	swait.ge @!p0 [sflag:s11], $0x80  }
0xd4: {  	[sflag:s11] =	ssyncset.done @!p0 $0x0  }
0xd5: {  	[sflag:s11] =	ssyncadd.s32 @!p0 $0xFFFFFF80;
	s11 =	simm.s32 @!p0 $0x3  }
0xd6: {  	_ =	swait.ge @!p0 [sflag:s11], $0x4000  }
0xd7: {  	[sflag:s11] =	ssyncset.done @!p0 $0x0  }
0xd8: {  	s16 =	simm.s32 @!p0 $0x300;
	[sflag:s11] =	ssyncadd.s32 @!p0 $0xFFFFC000;
	s11 =	simm.s32 @!p0 $0x80  }
0xd9: {  	[tilespmem:s16], [sflag:$0x2] =	stream.indirect.gather @!p0 [hbm4b:s4+s11], $0x80, s18, s11, $0xb8;
	[tilespmem:$0x1C400] =	vst v63  }
.Ltmp3:
0xda: {  	_ = 	snop;
	(pc) =	sbr.rel @p0 .LBB2_6-.Ltmp3, $4  }
0xdb: {  	_ =	swait.ge [sflag:s6], $0x4000  }
0xdc: {  	[sflag:s6] =	ssyncset.done $0x0  }
0xdd: {  	[sflag:s6] =	ssyncadd.s32 $0xFFFFC000  }
0xde: {  	[spmem:s2] =	stream.indirect.scatter.add.f32 [tilespmem:s1], [sflag:$0x3], $0x80, s8, s28, $0xb8;
	[tilespmem:$0x1C400] =	vst v63  }
.Ltmp4:
0xdf: {  	(pc) =	sbr.rel .LBB2_4-.Ltmp4, $4  }
0xe0: {  	s11 =	sadd.s32 s15, s20  }
0xe1: {  	[tilespmem:s28], [sflag:$0x1] =	stream.linear.gather [hbm4b:s11+s3], $0x80, $0x38;
	[tilespmem:$0x1C400] =	vst v63  }
0xe2: {  	s18 =	sadd.s32 $0x70, s17;
	s15 =	sadd.s32 $0x60, s15;
	s21 =	sadd.s32 $0x300, s21  }
0xe3: {  	[tilespmem:s29], [sflag:$0x1] =	stream.linear.gather [hbm4b:s18+s3], $0x80, $0x38;
	[tilespmem:$0x1C400] =	vst v63  }
.LBB2_7:
0xe4: {  	_ =	sfence.sel $0x180000  }
0xe5: {  	[bflag:$0x0] =	sbarrier.arrive $0xFFFF  }
0xe6: {  	_ =	strace $0x90000047  }
0xe7: {  	s0 =	stileid.u32;
	[bflag:$0x2] =	sbarrier.arrive $0xFFFF  }
0xe8: {  	p0 =	sne.s32 s0, $0x0;
	s0 =	rddreg [dreg:$0x2]  }
0xe9: {  	s0 =	sadd.s32 @!p0 $0x100000, s0  }
0xea: {  	[sflag:s0] =	ssyncadd.tile.s32 @!p0 $0x1;
	_ =	shalt  }
.Lfunc_end2:
_tile_overlayer_lowered:
.L_overlay_start_2:
0xeb: {  	(tag) =	ssettag $0x2  }
0xec: {  	s0 =	rddreg [dreg:$0x0];
	s2 =	stileid.u32  }
0xed: {  	s1 =	rddreg [dreg:$0x1];
	p0 =	sne.s32 s2, $0x0  }
0xee: {  	s3 =	rddreg [dreg:$0x2];
	[bflag:$0x3] =	sbarrier.arrive $0xFFFF;
	s2 =	simm.s32 @!p0 $0x1C04  }
0xef: {  	[timem:s3], [sflag:s2] =	dma.local @!p0 [hbm:s0], s1  }
0xf0: {  	s0 =	simm.s32 @!p0 $0x4  }
0xf1: {  	_ =	swait.ge @!p0 [sflag:s0], s1  }
0xf2: {  	s1 =	ssub.s32 @!p0 $0x0, s1;
	[sflag:s0] =	ssyncset.done @!p0 $0x0  }
0xf3: {  	[sflag:s0] =	ssyncadd.s32 @!p0 s1  }
0xf4: {  	[bflag:$0x3] =	sbarrier.arrive $0xFFFF  }
0xf5: {  	_ =	shalt  }

</sc_bundles>
